<compile_context>
chip_gen: v7x
topology: tpu7x:2x2x1
jax: 0.10.2.dev20260603
libtpu: 0.0.44.dev20260713+nightly
codegen_flags: <defaults>
</compile_context>

<pallas_src>
import functools

import jax
import jax.numpy as jnp
from jax import lax
from jax.experimental import pallas as pl
from jax.experimental.pallas import tpu as pltpu
from jax.experimental.pallas import tpu_sc as plsc

N = 10000
E = 320000
D_IN = 128
D_HID = 128
N_CLASSES = 64

NC = 2
NS = 16
NW = NC * NS
EPT = E // NW
CH0 = 32
EPT0 = 9984
EPT0_HI = 10112
NCH_LO = EPT0 // CH0
CH1 = 80
NCHUNK1 = EPT // CH1
RPT = 624
RPT_LAST = N - 15 * RPT
NDEG = 5
DPT = N // NDEG

_MESH = plsc.VectorSubcoreMesh(core_axis_name="c", subcore_axis_name="s")


def _zero_init_rows(z_hbm, acc_sh, sid):
    @pl.when(sid < NS - 1)
    def _():
        s = pl.ds(sid * RPT, RPT)
        pltpu.sync_copy(z_hbm.at[s], acc_sh.at[s])

    @pl.when(sid == NS - 1)
    def _():
        s = pl.ds((NS - 1) * RPT, RPT_LAST)
        pltpu.sync_copy(z_hbm.at[s], acc_sh.at[s])


def _copy_out_rows(acc_sh, acc_out, cid, sid):
    @pl.when(sid < NS - 1)
    def _():
        pltpu.sync_copy(acc_sh.at[pl.ds(sid * RPT, RPT)],
                        acc_out.at[cid, pl.ds(sid * RPT, RPT)])

    @pl.when(sid == NS - 1)
    def _():
        pltpu.sync_copy(acc_sh.at[pl.ds((NS - 1) * RPT, RPT_LAST)],
                        acc_out.at[cid, pl.ds((NS - 1) * RPT, RPT_LAST)])


def _agg_pipeline_n(nchunk, ch, h_hbm, srcv, dstv, acc_sh, bufs, gsems,
                    ssems, deg_sh=None, ones=None, dsem=None):
    nb = len(bufs)

    def gather(i, b):
        pltpu.async_copy(h_hbm.at[srcv.at[pl.ds(i * ch, ch)]], bufs[b],
                         gsems[b])

    def wait_g(b):
        pltpu.make_async_copy(h_hbm.at[srcv.at[pl.ds(0, ch)]], bufs[b],
                              gsems[b]).wait()

    def scat(i, b):
        pltpu.async_copy(bufs[b], acc_sh.at[dstv.at[pl.ds(i * ch, ch)]],
                         ssems[b], add=True)

    def wait_s(b):
        pltpu.make_async_copy(bufs[b], acc_sh.at[dstv.at[pl.ds(0, ch)]],
                              ssems[b]).wait()

    for b in range(nb - 1):
        gather(b, b)

    groups = (nchunk + nb - 1) // nb

    def body(j, carry):
        for t in range(nb):
            c = j * nb + t

            @pl.when(jnp.logical_and(c >= 1, c < nchunk))
            def _():
                wait_s((t - 1) % nb)

            @pl.when(c + nb - 1 < nchunk)
            def _():
                gather(c + nb - 1, (t - 1) % nb)

            @pl.when(c < nchunk)
            def _():
                wait_g(t)
                if deg_sh is not None:
                    @pl.when(c >= 4)
                    def _():
                        pltpu.make_async_copy(
                            ones, deg_sh.at[dstv.at[pl.ds(0, ch)]],
                            dsem).wait()
                    pltpu.async_copy(ones,
                                     deg_sh.at[dstv.at[pl.ds(c * ch, ch)]],
                                     dsem, add=True)
                scat(c, t)
        return carry

    lax.fori_loop(0, groups, body, 0)
    if isinstance(nchunk, int):
        wait_s((nchunk - 1) % nb)
    else:
        for b in range(nb):
            @pl.when((nchunk - 1) % nb == b)
            def _():
                wait_s(b)

    if deg_sh is not None:
        for _ in range(4):
            pltpu.make_async_copy(ones, deg_sh.at[dstv.at[pl.ds(0, ch)]],
                                  dsem).wait()


def _sc_agg0_body(h_hbm, ei_hbm, z2d_hbm,
                  acc_out, deg_out,
                  eiv, rows0, rows1, rows2, rows3, rows4, ones, degv,
                  acc_sh, deg_sh, g0, g1, g2, g3, g4, s0, s1, s2, s3, s4,
                  dsem):
    cid = lax.axis_index("c")
    sid = lax.axis_index("s")
    wid = cid * NS + sid

    _zero_init_rows(z2d_hbm, acc_sh, sid)

    def fill_zero(i, carry):
        degv[pl.ds(i * 16, 16)] = jnp.zeros((16,), jnp.float32)
        return carry

    lax.fori_loop(0, DPT // 16, fill_zero, 0)

    @pl.when(sid < NDEG)
    def _():
        pltpu.sync_copy(degv, deg_sh.at[pl.ds(sid * DPT, DPT)])

    base = EPT0 * wid + 128 * jnp.maximum(wid - 28, 0)
    nchunk = NCH_LO + 4 * (wid >= 28).astype(jnp.int32)
    pltpu.sync_copy(ei_hbm.at[pl.ds(0, 2), pl.ds(base, EPT0_HI)], eiv)
    one_offs = list(range(0, CH0 - 15, 16))
    if CH0 % 16:
        one_offs.append(CH0 - 16)
    for o in one_offs:
        ones[pl.ds(o, 16)] = jnp.full((16,), 1.0, jnp.float32)

    plsc.subcore_barrier()

    _agg_pipeline_n(nchunk, CH0, h_hbm, eiv.at[0], eiv.at[1], acc_sh,
                    [rows0, rows1, rows2, rows3, rows4],
                    [g0, g1, g2, g3, g4], [s0, s1, s2, s3, s4],
                    deg_sh=deg_sh, ones=ones, dsem=dsem)

    plsc.subcore_barrier()

    _copy_out_rows(acc_sh, acc_out, cid, sid)

    @pl.when(sid < NDEG)
    def _():
        pltpu.sync_copy(deg_sh.at[pl.ds(sid * DPT, DPT)], degv)
        pltpu.sync_copy(degv, deg_out.at[pl.ds(cid * N + sid * DPT, DPT)])


_sc_agg0 = functools.partial(
    pl.kernel,
    out_type=[jax.ShapeDtypeStruct((NC, N, D_HID), jnp.float32),
              jax.ShapeDtypeStruct((NC * N,), jnp.float32)],
    mesh=_MESH,
    scratch_types=[
        pltpu.VMEM((2, EPT0_HI), jnp.int32),
        pltpu.VMEM((CH0, D_HID), jnp.float32),
        pltpu.VMEM((CH0, D_HID), jnp.float32),
        pltpu.VMEM((CH0, D_HID), jnp.float32),
        pltpu.VMEM((CH0, D_HID), jnp.float32),
        pltpu.VMEM((CH0, D_HID), jnp.float32),
        pltpu.VMEM((CH0,), jnp.float32),
        pltpu.VMEM((DPT,), jnp.float32),
        pltpu.VMEM_SHARED((N, D_HID), jnp.float32),
        pltpu.VMEM_SHARED((N,), jnp.float32),
        pltpu.SemaphoreType.DMA,
        pltpu.SemaphoreType.DMA,
        pltpu.SemaphoreType.DMA,
        pltpu.SemaphoreType.DMA,
        pltpu.SemaphoreType.DMA,
        pltpu.SemaphoreType.DMA,
        pltpu.SemaphoreType.DMA,
        pltpu.SemaphoreType.DMA,
        pltpu.SemaphoreType.DMA,
        pltpu.SemaphoreType.DMA,
        pltpu.SemaphoreType.DMA,
    ],
)(_sc_agg0_body)


def _sc_agg1_body(h_hbm, ei_hbm, dst_hbm, z2d_hbm,
                  acc_out,
                  srcv, dstv, rows0, rows1, rows2, rows3, rows4, rows5,
                  acc_sh, g0, g1, g2, g3, g4, g5, s0, s1, s2, s3, s4, s5):
    cid = lax.axis_index("c")
    sid = lax.axis_index("s")
    wid = cid * NS + sid

    _zero_init_rows(z2d_hbm, acc_sh, sid)
    pltpu.sync_copy(ei_hbm.at[pl.ds(wid * EPT, EPT)], srcv)
    pltpu.sync_copy(dst_hbm.at[pl.ds(wid * EPT, EPT)], dstv)

    plsc.subcore_barrier()

    _agg_pipeline_n(NCHUNK1, CH1, h_hbm, srcv, dstv, acc_sh,
                    [rows0, rows1, rows2, rows3, rows4, rows5],
                    [g0, g1, g2, g3, g4, g5],
                    [s0, s1, s2, s3, s4, s5])

    plsc.subcore_barrier()

    _copy_out_rows(acc_sh, acc_out, cid, sid)


_sc_agg1 = functools.partial(
    pl.kernel,
    out_type=jax.ShapeDtypeStruct((NC, N, N_CLASSES), jnp.float32),
    mesh=_MESH,
    scratch_types=[
        pltpu.VMEM((EPT,), jnp.int32),
        pltpu.VMEM((EPT,), jnp.int32),
        pltpu.VMEM((CH1, N_CLASSES), jnp.float32),
        pltpu.VMEM((CH1, N_CLASSES), jnp.float32),
        pltpu.VMEM((CH1, N_CLASSES), jnp.float32),
        pltpu.VMEM((CH1, N_CLASSES), jnp.float32),
        pltpu.VMEM((CH1, N_CLASSES), jnp.float32),
        pltpu.VMEM((CH1, N_CLASSES), jnp.float32),
        pltpu.VMEM_SHARED((N, N_CLASSES), jnp.float32),
        pltpu.SemaphoreType.DMA,
        pltpu.SemaphoreType.DMA,
        pltpu.SemaphoreType.DMA,
        pltpu.SemaphoreType.DMA,
        pltpu.SemaphoreType.DMA,
        pltpu.SemaphoreType.DMA,
        pltpu.SemaphoreType.DMA,
        pltpu.SemaphoreType.DMA,
        pltpu.SemaphoreType.DMA,
        pltpu.SemaphoreType.DMA,
        pltpu.SemaphoreType.DMA,
        pltpu.SemaphoreType.DMA,
    ],
    compiler_params=pltpu.CompilerParams(use_tc_tiling_on_sc=False),
)(_sc_agg1_body)


def _tca_body(x_ref, ws0_ref, b0_ref, xs_ref):
    xs_ref[...] = (jnp.dot(x_ref[...], ws0_ref[...],
                           preferred_element_type=jnp.float32)
                   + b0_ref[...])


def _tc1_body(xs_ref, acc_ref, deg_ref, wn0_ref,
              g0_ref, be0_ref, ws1_ref, wn1_ref, b1_ref,
              z1_ref, s1_ref):
    deg = deg_ref[pl.ds(0, N)] + deg_ref[pl.ds(N, N)]
    rd = (1.0 / jnp.maximum(deg, 1.0))[:, None]
    hn = (acc_ref[0] + acc_ref[1]) * rd
    h = (xs_ref[...]
         + jnp.dot(hn, wn0_ref[...], preferred_element_type=jnp.float32))
    mu = jnp.mean(h, axis=0, keepdims=True)
    var = jnp.mean(jnp.square(h - mu), axis=0, keepdims=True)
    h = g0_ref[...] * (h - mu) * lax.rsqrt(var + 1e-5) + be0_ref[...]
    h = jnp.maximum(h, 0.0)
    z1_ref[...] = jnp.dot(h, wn1_ref[...], preferred_element_type=jnp.float32)
    s1_ref[...] = (jnp.dot(h, ws1_ref[...], preferred_element_type=jnp.float32)
                   + b1_ref[...])


def _tc2_body(s1_ref, acc_ref, deg_ref, out_ref):
    deg = deg_ref[pl.ds(0, N)] + deg_ref[pl.ds(N, N)]
    rd = (1.0 / jnp.maximum(deg, 1.0))[:, None]
    out_ref[...] = s1_ref[...] + (acc_ref[0] + acc_ref[1]) * rd


def kernel(x, edge_index, W_self0, W_neigh0, b0, gamma0, beta0,
           W_self1, W_neigh1, b1):
    src1 = edge_index[0]
    dst1 = edge_index[1]
    z2d = jnp.zeros((N, D_HID), jnp.float32)

    acc0, deg = _sc_agg0(x, edge_index, z2d)

    xs0 = pl.pallas_call(
        _tca_body,
        out_shape=jax.ShapeDtypeStruct((N, D_HID), jnp.float32),
    )(x, W_self0, b0.reshape(1, -1))

    z1, s1 = pl.pallas_call(
        _tc1_body,
        out_shape=[jax.ShapeDtypeStruct((N, N_CLASSES), jnp.float32),
                   jax.ShapeDtypeStruct((N, N_CLASSES), jnp.float32)],
    )(xs0, acc0, deg, W_neigh0,
      gamma0.reshape(1, -1), beta0.reshape(1, -1),
      W_self1, W_neigh1, b1.reshape(1, -1))

    acc1 = _sc_agg1(z1, src1, dst1, jnp.zeros((N, N_CLASSES), jnp.float32))

    out = pl.pallas_call(
        _tc2_body,
        out_shape=jax.ShapeDtypeStruct((N, N_CLASSES), jnp.float32),
    )(s1, acc1, deg)
    return out

# --- scband reference (transcript-rebuilt; emitter-appended) ---
"""Pipeline reference for scband-graph-sage-23218593202703 (READ-ONLY COPY).

The authoritative reference and input builder live on the scoring server;
editing this copy changes nothing except your own understanding.
"""

import jax, jax.numpy as jnp
import numpy as np

N = 10000
E = 320000
D_IN = 128
D_HID = 128
N_CLASSES = 64


def setup_inputs(seed: int = 0) -> dict:
    key = jax.random.key(seed)
    ks = jax.random.split(key, 12)
    x = jax.random.normal(ks[0], (N, D_IN), dtype=jnp.float32)
    edge_index = jax.random.randint(ks[1], (2, E), 0, N, dtype=jnp.int32)
    s0 = 1.0 / np.sqrt(D_IN)
    s1 = 1.0 / np.sqrt(D_HID)
    W_self0 = jax.random.uniform(ks[2], (D_IN, D_HID), jnp.float32, -s0, s0)
    W_neigh0 = jax.random.uniform(ks[3], (D_IN, D_HID), jnp.float32, -s0, s0)
    b0 = jnp.zeros((D_HID,), jnp.float32)
    gamma0 = jnp.ones((D_HID,), jnp.float32)
    beta0 = jnp.zeros((D_HID,), jnp.float32)
    W_self1 = jax.random.uniform(ks[4], (D_HID, N_CLASSES), jnp.float32, -s1, s1)
    W_neigh1 = jax.random.uniform(ks[5], (D_HID, N_CLASSES), jnp.float32, -s1, s1)
    b1 = jnp.zeros((N_CLASSES,), jnp.float32)
    return {"x": x, "edge_index": edge_index,
            "W_self0": W_self0, "W_neigh0": W_neigh0, "b0": b0,
            "gamma0": gamma0, "beta0": beta0,
            "W_self1": W_self1, "W_neigh1": W_neigh1, "b1": b1}


def _sage_conv_mean(h, edge_index, W_self, W_neigh, b):
    # DGL SAGEConv with aggregator_type='mean':
    #   h_neigh_i = mean_{j in N_in(i)} h_j ; out = h W_self + h_neigh W_neigh + b
    src = edge_index[0]
    dst = edge_index[1]
    msg = jnp.take(h, src, axis=0)                              # gather [E, d]
    agg = jax.ops.segment_sum(msg, dst, num_segments=h.shape[0])  # scatter-add
    deg = jax.ops.segment_sum(jnp.ones((edge_index.shape[1],), jnp.float32), dst,
                              num_segments=h.shape[0])
    h_neigh = agg / jnp.maximum(deg, 1.0)[:, None]
    return h @ W_self + h_neigh @ W_neigh + b


def _batch_norm(h, gamma, beta, eps=1e-5):
    mu = jnp.mean(h, axis=0)
    var = jnp.var(h, axis=0)
    return gamma * (h - mu) / jnp.sqrt(var + eps) + beta


def reference(x, edge_index, W_self0, W_neigh0, b0, gamma0, beta0, W_self1, W_neigh1, b1):
    h = x  # input_drop = 0.0 -> identity
    h = _sage_conv_mean(h, edge_index, W_self0, W_neigh0, b0)
    h = _batch_norm(h, gamma0, beta0)
    h = jax.nn.relu(h)
    # dropout = 0.0 -> identity
    h = _sage_conv_mean(h, edge_index, W_self1, W_neigh1, b1)
    return h

if __name__ == "__main__":
    import jax
    _d = setup_inputs()
    print(jax.jit(kernel)(*tuple(_d.values())))

</pallas_src>

<mosaic_0001>
#map = affine_map<(d0, d1) -> (0, 0)>
#map1 = affine_map<(d0, d1) -> (0)>
#map2 = affine_map<(d0, d1) -> (0, 0, 0)>
module attributes {stable_mosaic.version = 14 : i64} {
  func.func @_sc_agg1_body(%arg0: i32, %arg1: i32, %arg2: memref<10000x64xf32, #tpu.memory_space<hbm>>, %arg3: memref<320000xi32, #tpu.memory_space<hbm>>, %arg4: memref<320000xi32, #tpu.memory_space<hbm>>, %arg5: memref<10000x64xf32, #tpu.memory_space<hbm>>, %arg6: memref<2x10000x64xf32, #tpu.memory_space<hbm>>, %arg7: memref<10000xi32, #tpu.memory_space<vmem>>, %arg8: memref<10000xi32, #tpu.memory_space<vmem>>, %arg9: memref<80x64xf32, #tpu.memory_space<vmem>>, %arg10: memref<80x64xf32, #tpu.memory_space<vmem>>, %arg11: memref<80x64xf32, #tpu.memory_space<vmem>>, %arg12: memref<80x64xf32, #tpu.memory_space<vmem>>, %arg13: memref<80x64xf32, #tpu.memory_space<vmem>>, %arg14: memref<80x64xf32, #tpu.memory_space<vmem>>, %arg15: memref<10000x64xf32, #tpu.memory_space<vmem_shared>>, %arg16: memref<!tpu.dma_semaphore, #tpu.memory_space<semaphore_mem>>, %arg17: memref<!tpu.dma_semaphore, #tpu.memory_space<semaphore_mem>>, %arg18: memref<!tpu.dma_semaphore, #tpu.memory_space<semaphore_mem>>, %arg19: memref<!tpu.dma_semaphore, #tpu.memory_space<semaphore_mem>>, %arg20: memref<!tpu.dma_semaphore, #tpu.memory_space<semaphore_mem>>, %arg21: memref<!tpu.dma_semaphore, #tpu.memory_space<semaphore_mem>>, %arg22: memref<!tpu.dma_semaphore, #tpu.memory_space<semaphore_mem>>, %arg23: memref<!tpu.dma_semaphore, #tpu.memory_space<semaphore_mem>>, %arg24: memref<!tpu.dma_semaphore, #tpu.memory_space<semaphore_mem>>, %arg25: memref<!tpu.dma_semaphore, #tpu.memory_space<semaphore_mem>>, %arg26: memref<!tpu.dma_semaphore, #tpu.memory_space<semaphore_mem>>, %arg27: memref<!tpu.dma_semaphore, #tpu.memory_space<semaphore_mem>>) attributes {dimension_semantics = [#tpu.dimension_semantics<core_parallel>, #tpu.dimension_semantics<subcore_parallel>], iteration_bounds = array<i64: 2, 16>, scalar_prefetch = 0 : i64, scratch_operands = 21 : i64, tpu.core_type = #tpu.core_type<sc_vector_subcore>, window_params = [{transform_indices = #map}, {transform_indices = #map1}, {transform_indices = #map1}, {transform_indices = #map}, {transform_indices = #map2}]} {
    %mul3A = arith.constant 16 : i32
    %mul3A_0 = arith.muli %arg0, %mul3A : i32
    %add3A = arith.addi %mul3A_0, %arg1 : i32
    %lt3A = arith.constant 15 : i32
    %lt3A_1 = arith.cmpi slt, %arg1, %lt3A : i32
    %convert_element_type3A = arith.extui %lt3A_1 : i1 to i32
    %cond3A = arith.constant 0 : i32
    %cond3A_2 = arith.cmpi ne, %convert_element_type3A, %cond3A : i32
    scf.if %cond3A_2 {
      %mul3A_55 = arith.constant 624 : i32
      %mul3A_56 = arith.muli %arg1, %mul3A_55 : i32
      "tpu.region"() ({
        %run_scoped3A = tpu.sem_alloc : memref<!tpu.dma_semaphore, #tpu.memory_space<semaphore_mem>>
        %dma_start3A_57 = arith.constant 0 : i32
        %dma_start3A_58 = tpu.memref_slice %arg15[%mul3A_56, %dma_start3A_57] : memref<10000x64xf32, #tpu.memory_space<vmem_shared>> -> memref<624x64xf32, #tpu.memory_space<vmem_shared>>
        %dma_start3A_59 = arith.constant 0 : i32
        %dma_start3A_60 = tpu.memref_slice %arg5[%mul3A_56, %dma_start3A_59] : memref<10000x64xf32, #tpu.memory_space<hbm>> -> memref<624x64xf32, #tpu.memory_space<hbm>>
        tpu.enqueue_dma source(%dma_start3A_60 : memref<624x64xf32, #tpu.memory_space<hbm>>) target(%dma_start3A_58 : memref<624x64xf32, #tpu.memory_space<vmem_shared>>) target_semaphore(%run_scoped3A : memref<!tpu.dma_semaphore, #tpu.memory_space<semaphore_mem>>)
        %dma_wait3A_61 = arith.constant 0 : i32
        %dma_wait3A_62 = tpu.memref_slice %arg15[%mul3A_56, %dma_wait3A_61] : memref<10000x64xf32, #tpu.memory_space<vmem_shared>> -> memref<624x64xf32, #tpu.memory_space<vmem_shared>>
        %dma_wait3A_63 = arith.constant 0 : i32
        %dma_wait3A_64 = tpu.memref_slice %arg5[%mul3A_56, %dma_wait3A_63] : memref<10000x64xf32, #tpu.memory_space<hbm>> -> memref<624x64xf32, #tpu.memory_space<hbm>>
        tpu.wait_dma2 semaphore(%run_scoped3A : memref<!tpu.dma_semaphore, #tpu.memory_space<semaphore_mem>>) src(%dma_wait3A_64 : memref<624x64xf32, #tpu.memory_space<hbm>>) dst(%dma_wait3A_62 : memref<624x64xf32, #tpu.memory_space<vmem_shared>>)
        tpu.yield
      }) : () -> ()
    } else {
    }
    %eq3A = arith.constant 15 : i32
    %eq3A_3 = arith.cmpi eq, %arg1, %eq3A : i32
    %convert_element_type3A_4 = arith.extui %eq3A_3 : i1 to i32
    %cond3A_5 = arith.constant 0 : i32
    %cond3A_6 = arith.cmpi ne, %convert_element_type3A_4, %cond3A_5 : i32
    scf.if %cond3A_6 {
      "tpu.region"() ({
        %run_scoped3A = tpu.sem_alloc : memref<!tpu.dma_semaphore, #tpu.memory_space<semaphore_mem>>
        %dma_start3A_55 = arith.constant 9360 : i32
        %dma_start3A_56 = arith.constant 0 : i32
        %dma_start3A_57 = tpu.memref_slice %arg15[%dma_start3A_55, %dma_start3A_56] : memref<10000x64xf32, #tpu.memory_space<vmem_shared>> -> memref<640x64xf32, #tpu.memory_space<vmem_shared>>
        %dma_start3A_58 = arith.constant 9360 : i32
        %dma_start3A_59 = arith.constant 0 : i32
        %dma_start3A_60 = tpu.memref_slice %arg5[%dma_start3A_58, %dma_start3A_59] : memref<10000x64xf32, #tpu.memory_space<hbm>> -> memref<640x64xf32, #tpu.memory_space<hbm>>
        tpu.enqueue_dma source(%dma_start3A_60 : memref<640x64xf32, #tpu.memory_space<hbm>>) target(%dma_start3A_57 : memref<640x64xf32, #tpu.memory_space<vmem_shared>>) target_semaphore(%run_scoped3A : memref<!tpu.dma_semaphore, #tpu.memory_space<semaphore_mem>>)
        %dma_wait3A_61 = arith.constant 9360 : i32
        %dma_wait3A_62 = arith.constant 0 : i32
        %dma_wait3A_63 = tpu.memref_slice %arg15[%dma_wait3A_61, %dma_wait3A_62] : memref<10000x64xf32, #tpu.memory_space<vmem_shared>> -> memref<640x64xf32, #tpu.memory_space<vmem_shared>>
        %dma_wait3A_64 = arith.constant 9360 : i32
        %dma_wait3A_65 = arith.constant 0 : i32
        %dma_wait3A_66 = tpu.memref_slice %arg5[%dma_wait3A_64, %dma_wait3A_65] : memref<10000x64xf32, #tpu.memory_space<hbm>> -> memref<640x64xf32, #tpu.memory_space<hbm>>
        tpu.wait_dma2 semaphore(%run_scoped3A : memref<!tpu.dma_semaphore, #tpu.memory_space<semaphore_mem>>) src(%dma_wait3A_66 : memref<640x64xf32, #tpu.memory_space<hbm>>) dst(%dma_wait3A_63 : memref<640x64xf32, #tpu.memory_space<vmem_shared>>)
        tpu.yield
      }) : () -> ()
    } else {
    }
    %mul3A_7 = arith.constant 10000 : i32
    %mul3A_8 = arith.muli %add3A, %mul3A_7 : i32
    "tpu.region"() ({
      %run_scoped3A = tpu.sem_alloc : memref<!tpu.dma_semaphore, #tpu.memory_space<semaphore_mem>>
      %dma_start3A_55 = tpu.memref_slice %arg3[%mul3A_8] : memref<320000xi32, #tpu.memory_space<hbm>> -> memref<10000xi32, #tpu.memory_space<hbm>>
      %dma_start3A_56 = tpu.memref_slice %arg3[%mul3A_8] : memref<320000xi32, #tpu.memory_space<hbm>> -> memref<10000xi32, #tpu.memory_space<hbm>>
      tpu.enqueue_dma source(%dma_start3A_56 : memref<10000xi32, #tpu.memory_space<hbm>>) target(%arg7 : memref<10000xi32, #tpu.memory_space<vmem>>) target_semaphore(%run_scoped3A : memref<!tpu.dma_semaphore, #tpu.memory_space<semaphore_mem>>)
      %dma_wait3A_57 = tpu.memref_slice %arg3[%mul3A_8] : memref<320000xi32, #tpu.memory_space<hbm>> -> memref<10000xi32, #tpu.memory_space<hbm>>
      %dma_wait3A_58 = tpu.memref_slice %arg3[%mul3A_8] : memref<320000xi32, #tpu.memory_space<hbm>> -> memref<10000xi32, #tpu.memory_space<hbm>>
      tpu.wait_dma2 semaphore(%run_scoped3A : memref<!tpu.dma_semaphore, #tpu.memory_space<semaphore_mem>>) src(%dma_wait3A_58 : memref<10000xi32, #tpu.memory_space<hbm>>) dst(%arg7 : memref<10000xi32, #tpu.memory_space<vmem>>)
      tpu.yield
    }) : () -> ()
    %mul3A_9 = arith.constant 10000 : i32
    %mul3A_10 = arith.muli %add3A, %mul3A_9 : i32
    "tpu.region"() ({
      %run_scoped3A = tpu.sem_alloc : memref<!tpu.dma_semaphore, #tpu.memory_space<semaphore_mem>>
      %dma_start3A_55 = tpu.memref_slice %arg4[%mul3A_10] : memref<320000xi32, #tpu.memory_space<hbm>> -> memref<10000xi32, #tpu.memory_space<hbm>>
      %dma_start3A_56 = tpu.memref_slice %arg4[%mul3A_10] : memref<320000xi32, #tpu.memory_space<hbm>> -> memref<10000xi32, #tpu.memory_space<hbm>>
      tpu.enqueue_dma source(%dma_start3A_56 : memref<10000xi32, #tpu.memory_space<hbm>>) target(%arg8 : memref<10000xi32, #tpu.memory_space<vmem>>) target_semaphore(%run_scoped3A : memref<!tpu.dma_semaphore, #tpu.memory_space<semaphore_mem>>)
      %dma_wait3A_57 = tpu.memref_slice %arg4[%mul3A_10] : memref<320000xi32, #tpu.memory_space<hbm>> -> memref<10000xi32, #tpu.memory_space<hbm>>
      %dma_wait3A_58 = tpu.memref_slice %arg4[%mul3A_10] : memref<320000xi32, #tpu.memory_space<hbm>> -> memref<10000xi32, #tpu.memory_space<hbm>>
      tpu.wait_dma2 semaphore(%run_scoped3A : memref<!tpu.dma_semaphore, #tpu.memory_space<semaphore_mem>>) src(%dma_wait3A_58 : memref<10000xi32, #tpu.memory_space<hbm>>) dst(%arg8 : memref<10000xi32, #tpu.memory_space<vmem>>)
      tpu.yield
    }) : () -> ()
    %barrier3A = arith.constant 0 : index
    tpu.barrier barrier_id(%barrier3A)
    %dma_start3A = arith.constant 0 : i32
    %dma_start3A_11 = tpu.memref_slice %arg7[%dma_start3A] : memref<10000xi32, #tpu.memory_space<vmem>> -> memref<80xi32, #tpu.memory_space<vmem>>
    %dma_start3A_12 = arith.constant 0 : i32
    %dma_start3A_13 = arith.constant 0 : i32
    %dma_start3A_14 = tpu.memref_slice %arg2[%dma_start3A_12, %dma_start3A_13] : memref<10000x64xf32, #tpu.memory_space<hbm>> -> memref<10000x64xf32, #tpu.memory_space<hbm>>
    tpu.enqueue_indirect_dma source(%dma_start3A_14 : memref<10000x64xf32, #tpu.memory_space<hbm>>) target(%arg9 : memref<80x64xf32, #tpu.memory_space<vmem>>) offsets(%dma_start3A_11 : memref<80xi32, #tpu.memory_space<vmem>>) semaphore(%arg16 : memref<!tpu.dma_semaphore, #tpu.memory_space<semaphore_mem>>)
    %dma_start3A_15 = arith.constant 80 : i32
    %dma_start3A_16 = tpu.memref_slice %arg7[%dma_start3A_15] : memref<10000xi32, #tpu.memory_space<vmem>> -> memref<80xi32, #tpu.memory_space<vmem>>
    %dma_start3A_17 = arith.constant 0 : i32
    %dma_start3A_18 = arith.constant 0 : i32
    %dma_start3A_19 = tpu.memref_slice %arg2[%dma_start3A_17, %dma_start3A_18] : memref<10000x64xf32, #tpu.memory_space<hbm>> -> memref<10000x64xf32, #tpu.memory_space<hbm>>
    tpu.enqueue_indirect_dma source(%dma_start3A_19 : memref<10000x64xf32, #tpu.memory_space<hbm>>) target(%arg10 : memref<80x64xf32, #tpu.memory_space<vmem>>) offsets(%dma_start3A_16 : memref<80xi32, #tpu.memory_space<vmem>>) semaphore(%arg17 : memref<!tpu.dma_semaphore, #tpu.memory_space<semaphore_mem>>)
    %dma_start3A_20 = arith.constant 160 : i32
    %dma_start3A_21 = tpu.memref_slice %arg7[%dma_start3A_20] : memref<10000xi32, #tpu.memory_space<vmem>> -> memref<80xi32, #tpu.memory_space<vmem>>
    %dma_start3A_22 = arith.constant 0 : i32
    %dma_start3A_23 = arith.constant 0 : i32
    %dma_start3A_24 = tpu.memref_slice %arg2[%dma_start3A_22, %dma_start3A_23] : memref<10000x64xf32, #tpu.memory_space<hbm>> -> memref<10000x64xf32, #tpu.memory_space<hbm>>
    tpu.enqueue_indirect_dma source(%dma_start3A_24 : memref<10000x64xf32, #tpu.memory_space<hbm>>) target(%arg11 : memref<80x64xf32, #tpu.memory_space<vmem>>) offsets(%dma_start3A_21 : memref<80xi32, #tpu.memory_space<vmem>>) semaphore(%arg18 : memref<!tpu.dma_semaphore, #tpu.memory_space<semaphore_mem>>)
    %dma_start3A_25 = arith.constant 240 : i32
    %dma_start3A_26 = tpu.memref_slice %arg7[%dma_start3A_25] : memref<10000xi32, #tpu.memory_space<vmem>> -> memref<80xi32, #tpu.memory_space<vmem>>
    %dma_start3A_27 = arith.constant 0 : i32
    %dma_start3A_28 = arith.constant 0 : i32
    %dma_start3A_29 = tpu.memref_slice %arg2[%dma_start3A_27, %dma_start3A_28] : memref<10000x64xf32, #tpu.memory_space<hbm>> -> memref<10000x64xf32, #tpu.memory_space<hbm>>
    tpu.enqueue_indirect_dma source(%dma_start3A_29 : memref<10000x64xf32, #tpu.memory_space<hbm>>) target(%arg12 : memref<80x64xf32, #tpu.memory_space<vmem>>) offsets(%dma_start3A_26 : memref<80xi32, #tpu.memory_space<vmem>>) semaphore(%arg19 : memref<!tpu.dma_semaphore, #tpu.memory_space<semaphore_mem>>)
    %dma_start3A_30 = arith.constant 320 : i32
    %dma_start3A_31 = tpu.memref_slice %arg7[%dma_start3A_30] : memref<10000xi32, #tpu.memory_space<vmem>> -> memref<80xi32, #tpu.memory_space<vmem>>
    %dma_start3A_32 = arith.constant 0 : i32
    %dma_start3A_33 = arith.constant 0 : i32
    %dma_start3A_34 = tpu.memref_slice %arg2[%dma_start3A_32, %dma_start3A_33] : memref<10000x64xf32, #tpu.memory_space<hbm>> -> memref<10000x64xf32, #tpu.memory_space<hbm>>
    tpu.enqueue_indirect_dma source(%dma_start3A_34 : memref<10000x64xf32, #tpu.memory_space<hbm>>) target(%arg13 : memref<80x64xf32, #tpu.memory_space<vmem>>) offsets(%dma_start3A_31 : memref<80xi32, #tpu.memory_space<vmem>>) semaphore(%arg20 : memref<!tpu.dma_semaphore, #tpu.memory_space<semaphore_mem>>)
    %scan3A = arith.constant 0 : i32
    %scan3A_35 = arith.constant 0 : i32
    %scan3A_36 = arith.constant 21 : i32
    %scan3A_37 = arith.addi %scan3A_35, %scan3A_36 : i32
    %scan3A_38 = arith.constant 1 : i32
    scf.for %scan3A_55 = %scan3A_35 to %scan3A_37 step %scan3A_38  : i32 {
      %mul3A_56 = arith.constant 6 : i32
      %mul3A_57 = arith.muli %scan3A_55, %mul3A_56 : i32
      %add3A_58 = arith.constant 0 : i32
      %add3A_59 = arith.addi %mul3A_57, %add3A_58 : i32
      %ge3A = arith.constant 1 : i32
      %ge3A_60 = arith.cmpi sge, %add3A_59, %ge3A : i32
      %lt3A_61 = arith.constant 125 : i32
      %lt3A_62 = arith.cmpi slt, %add3A_59, %lt3A_61 : i32
      %and3A = arith.andi %ge3A_60, %lt3A_62 : i1
      %convert_element_type3A_63 = arith.extui %and3A : i1 to i32
      %cond3A_64 = arith.constant 0 : i32
      %cond3A_65 = arith.cmpi ne, %convert_element_type3A_63, %cond3A_64 : i32
      scf.if %cond3A_65 {
        %dma_wait3A_209 = arith.constant 0 : i32
        %dma_wait3A_210 = tpu.memref_slice %arg8[%dma_wait3A_209] : memref<10000xi32, #tpu.memory_space<vmem>> -> memref<80xi32, #tpu.memory_space<vmem>>
        %dma_wait3A_211 = arith.constant 0 : i32
        %dma_wait3A_212 = arith.constant 0 : i32
        %dma_wait3A_213 = tpu.memref_slice %arg15[%dma_wait3A_211, %dma_wait3A_212] : memref<10000x64xf32, #tpu.memory_space<vmem_shared>> -> memref<10000x64xf32, #tpu.memory_space<vmem_shared>>
        tpu.wait_indirect_dma semaphore(%arg27 : memref<!tpu.dma_semaphore, #tpu.memory_space<semaphore_mem>>) src(%arg14 : memref<80x64xf32, #tpu.memory_space<vmem>>) dst(%dma_wait3A_213 : memref<10000x64xf32, #tpu.memory_space<vmem_shared>>)
      } else {
      }
      %add3A_66 = arith.constant 6 : i32
      %add3A_67 = arith.addi %add3A_59, %add3A_66 : i32
      %sub3A = arith.constant 1 : i32
      %sub3A_68 = arith.subi %add3A_67, %sub3A : i32
      %lt3A_69 = arith.constant 125 : i32
      %lt3A_70 = arith.cmpi slt, %sub3A_68, %lt3A_69 : i32
      %convert_element_type3A_71 = arith.extui %lt3A_70 : i1 to i32
      %cond3A_72 = arith.constant 0 : i32
      %cond3A_73 = arith.cmpi ne, %convert_element_type3A_71, %cond3A_72 : i32
      scf.if %cond3A_73 {
        %add3A_209 = arith.constant 6 : i32
        %add3A_210 = arith.addi %add3A_59, %add3A_209 : i32
        %sub3A_211 = arith.constant 1 : i32
        %sub3A_212 = arith.subi %add3A_210, %sub3A_211 : i32
        %mul3A_213 = arith.constant 80 : i32
        %mul3A_214 = arith.muli %sub3A_212, %mul3A_213 : i32
        %dma_start3A_215 = tpu.memref_slice %arg7[%mul3A_214] : memref<10000xi32, #tpu.memory_space<vmem>> -> memref<80xi32, #tpu.memory_space<vmem>>
        %dma_start3A_216 = arith.constant 0 : i32
        %dma_start3A_217 = arith.constant 0 : i32
        %dma_start3A_218 = tpu.memref_slice %arg2[%dma_start3A_216, %dma_start3A_217] : memref<10000x64xf32, #tpu.memory_space<hbm>> -> memref<10000x64xf32, #tpu.memory_space<hbm>>
        tpu.enqueue_indirect_dma source(%dma_start3A_218 : memref<10000x64xf32, #tpu.memory_space<hbm>>) target(%arg14 : memref<80x64xf32, #tpu.memory_space<vmem>>) offsets(%dma_start3A_215 : memref<80xi32, #tpu.memory_space<vmem>>) semaphore(%arg21 : memref<!tpu.dma_semaphore, #tpu.memory_space<semaphore_mem>>)
      } else {
      }
      %lt3A_74 = arith.constant 125 : i32
      %lt3A_75 = arith.cmpi slt, %add3A_59, %lt3A_74 : i32
      %convert_element_type3A_76 = arith.extui %lt3A_75 : i1 to i32
      %cond3A_77 = arith.constant 0 : i32
      %cond3A_78 = arith.cmpi ne, %convert_element_type3A_76, %cond3A_77 : i32
      scf.if %cond3A_78 {
        %dma_wait3A_209 = arith.constant 0 : i32
        %dma_wait3A_210 = tpu.memref_slice %arg7[%dma_wait3A_209] : memref<10000xi32, #tpu.memory_space<vmem>> -> memref<80xi32, #tpu.memory_space<vmem>>
        %dma_wait3A_211 = arith.constant 0 : i32
        %dma_wait3A_212 = arith.constant 0 : i32
        %dma_wait3A_213 = tpu.memref_slice %arg2[%dma_wait3A_211, %dma_wait3A_212] : memref<10000x64xf32, #tpu.memory_space<hbm>> -> memref<10000x64xf32, #tpu.memory_space<hbm>>
        tpu.wait_indirect_dma semaphore(%arg16 : memref<!tpu.dma_semaphore, #tpu.memory_space<semaphore_mem>>) src(%dma_wait3A_213 : memref<10000x64xf32, #tpu.memory_space<hbm>>) dst(%arg9 : memref<80x64xf32, #tpu.memory_space<vmem>>)
        %mul3A_214 = arith.constant 80 : i32
        %mul3A_215 = arith.muli %add3A_59, %mul3A_214 : i32
        %dma_start3A_216 = tpu.memref_slice %arg8[%mul3A_215] : memref<10000xi32, #tpu.memory_space<vmem>> -> memref<80xi32, #tpu.memory_space<vmem>>
        %dma_start3A_217 = arith.constant 0 : i32
        %dma_start3A_218 = arith.constant 0 : i32
        %dma_start3A_219 = tpu.memref_slice %arg15[%dma_start3A_217, %dma_start3A_218] : memref<10000x64xf32, #tpu.memory_space<vmem_shared>> -> memref<10000x64xf32, #tpu.memory_space<vmem_shared>>
        tpu.enqueue_indirect_dma source(%arg9 : memref<80x64xf32, #tpu.memory_space<vmem>>) target(%dma_start3A_219 : memref<10000x64xf32, #tpu.memory_space<vmem_shared>>) offsets(%dma_start3A_216 : memref<80xi32, #tpu.memory_space<vmem>>) semaphore(%arg22 : memref<!tpu.dma_semaphore, #tpu.memory_space<semaphore_mem>>) {add = true}
      } else {
      }
      %mul3A_79 = arith.constant 6 : i32
      %mul3A_80 = arith.muli %scan3A_55, %mul3A_79 : i32
      %add3A_81 = arith.constant 1 : i32
      %add3A_82 = arith.addi %mul3A_80, %add3A_81 : i32
      %ge3A_83 = arith.constant 1 : i32
      %ge3A_84 = arith.cmpi sge, %add3A_82, %ge3A_83 : i32
      %lt3A_85 = arith.constant 125 : i32
      %lt3A_86 = arith.cmpi slt, %add3A_82, %lt3A_85 : i32
      %and3A_87 = arith.andi %ge3A_84, %lt3A_86 : i1
      %convert_element_type3A_88 = arith.extui %and3A_87 : i1 to i32
      %cond3A_89 = arith.constant 0 : i32
      %cond3A_90 = arith.cmpi ne, %convert_element_type3A_88, %cond3A_89 : i32
      scf.if %cond3A_90 {
        %dma_wait3A_209 = arith.constant 0 : i32
        %dma_wait3A_210 = tpu.memref_slice %arg8[%dma_wait3A_209] : memref<10000xi32, #tpu.memory_space<vmem>> -> memref<80xi32, #tpu.memory_space<vmem>>
        %dma_wait3A_211 = arith.constant 0 : i32
        %dma_wait3A_212 = arith.constant 0 : i32
        %dma_wait3A_213 = tpu.memref_slice %arg15[%dma_wait3A_211, %dma_wait3A_212] : memref<10000x64xf32, #tpu.memory_space<vmem_shared>> -> memref<10000x64xf32, #tpu.memory_space<vmem_shared>>
        tpu.wait_indirect_dma semaphore(%arg22 : memref<!tpu.dma_semaphore, #tpu.memory_space<semaphore_mem>>) src(%arg9 : memref<80x64xf32, #tpu.memory_space<vmem>>) dst(%dma_wait3A_213 : memref<10000x64xf32, #tpu.memory_space<vmem_shared>>)
      } else {
      }
      %add3A_91 = arith.constant 6 : i32
      %add3A_92 = arith.addi %add3A_82, %add3A_91 : i32
      %sub3A_93 = arith.constant 1 : i32
      %sub3A_94 = arith.subi %add3A_92, %sub3A_93 : i32
      %lt3A_95 = arith.constant 125 : i32
      %lt3A_96 = arith.cmpi slt, %sub3A_94, %lt3A_95 : i32
      %convert_element_type3A_97 = arith.extui %lt3A_96 : i1 to i32
      %cond3A_98 = arith.constant 0 : i32
      %cond3A_99 = arith.cmpi ne, %convert_element_type3A_97, %cond3A_98 : i32
      scf.if %cond3A_99 {
        %add3A_209 = arith.constant 6 : i32
        %add3A_210 = arith.addi %add3A_82, %add3A_209 : i32
        %sub3A_211 = arith.constant 1 : i32
        %sub3A_212 = arith.subi %add3A_210, %sub3A_211 : i32
        %mul3A_213 = arith.constant 80 : i32
        %mul3A_214 = arith.muli %sub3A_212, %mul3A_213 : i32
        %dma_start3A_215 = tpu.memref_slice %arg7[%mul3A_214] : memref<10000xi32, #tpu.memory_space<vmem>> -> memref<80xi32, #tpu.memory_space<vmem>>
        %dma_start3A_216 = arith.constant 0 : i32
        %dma_start3A_217 = arith.constant 0 : i32
        %dma_start3A_218 = tpu.memref_slice %arg2[%dma_start3A_216, %dma_start3A_217] : memref<10000x64xf32, #tpu.memory_space<hbm>> -> memref<10000x64xf32, #tpu.memory_space<hbm>>
        tpu.enqueue_indirect_dma source(%dma_start3A_218 : memref<10000x64xf32, #tpu.memory_space<hbm>>) target(%arg9 : memref<80x64xf32, #tpu.memory_space<vmem>>) offsets(%dma_start3A_215 : memref<80xi32, #tpu.memory_space<vmem>>) semaphore(%arg16 : memref<!tpu.dma_semaphore, #tpu.memory_space<semaphore_mem>>)
      } else {
      }
      %lt3A_100 = arith.constant 125 : i32
      %lt3A_101 = arith.cmpi slt, %add3A_82, %lt3A_100 : i32
      %convert_element_type3A_102 = arith.extui %lt3A_101 : i1 to i32
      %cond3A_103 = arith.constant 0 : i32
      %cond3A_104 = arith.cmpi ne, %convert_element_type3A_102, %cond3A_103 : i32
      scf.if %cond3A_104 {
        %dma_wait3A_209 = arith.constant 0 : i32
        %dma_wait3A_210 = tpu.memref_slice %arg7[%dma_wait3A_209] : memref<10000xi32, #tpu.memory_space<vmem>> -> memref<80xi32, #tpu.memory_space<vmem>>
        %dma_wait3A_211 = arith.constant 0 : i32
        %dma_wait3A_212 = arith.constant 0 : i32
        %dma_wait3A_213 = tpu.memref_slice %arg2[%dma_wait3A_211, %dma_wait3A_212] : memref<10000x64xf32, #tpu.memory_space<hbm>> -> memref<10000x64xf32, #tpu.memory_space<hbm>>
        tpu.wait_indirect_dma semaphore(%arg17 : memref<!tpu.dma_semaphore, #tpu.memory_space<semaphore_mem>>) src(%dma_wait3A_213 : memref<10000x64xf32, #tpu.memory_space<hbm>>) dst(%arg10 : memref<80x64xf32, #tpu.memory_space<vmem>>)
        %mul3A_214 = arith.constant 80 : i32
        %mul3A_215 = arith.muli %add3A_82, %mul3A_214 : i32
        %dma_start3A_216 = tpu.memref_slice %arg8[%mul3A_215] : memref<10000xi32, #tpu.memory_space<vmem>> -> memref<80xi32, #tpu.memory_space<vmem>>
        %dma_start3A_217 = arith.constant 0 : i32
        %dma_start3A_218 = arith.constant 0 : i32
        %dma_start3A_219 = tpu.memref_slice %arg15[%dma_start3A_217, %dma_start3A_218] : memref<10000x64xf32, #tpu.memory_space<vmem_shared>> -> memref<10000x64xf32, #tpu.memory_space<vmem_shared>>
        tpu.enqueue_indirect_dma source(%arg10 : memref<80x64xf32, #tpu.memory_space<vmem>>) target(%dma_start3A_219 : memref<10000x64xf32, #tpu.memory_space<vmem_shared>>) offsets(%dma_start3A_216 : memref<80xi32, #tpu.memory_space<vmem>>) semaphore(%arg23 : memref<!tpu.dma_semaphore, #tpu.memory_space<semaphore_mem>>) {add = true}
      } else {
      }
      %mul3A_105 = arith.constant 6 : i32
      %mul3A_106 = arith.muli %scan3A_55, %mul3A_105 : i32
      %add3A_107 = arith.constant 2 : i32
      %add3A_108 = arith.addi %mul3A_106, %add3A_107 : i32
      %ge3A_109 = arith.constant 1 : i32
      %ge3A_110 = arith.cmpi sge, %add3A_108, %ge3A_109 : i32
      %lt3A_111 = arith.constant 125 : i32
      %lt3A_112 = arith.cmpi slt, %add3A_108, %lt3A_111 : i32
      %and3A_113 = arith.andi %ge3A_110, %lt3A_112 : i1
      %convert_element_type3A_114 = arith.extui %and3A_113 : i1 to i32
      %cond3A_115 = arith.constant 0 : i32
      %cond3A_116 = arith.cmpi ne, %convert_element_type3A_114, %cond3A_115 : i32
      scf.if %cond3A_116 {
        %dma_wait3A_209 = arith.constant 0 : i32
        %dma_wait3A_210 = tpu.memref_slice %arg8[%dma_wait3A_209] : memref<10000xi32, #tpu.memory_space<vmem>> -> memref<80xi32, #tpu.memory_space<vmem>>
        %dma_wait3A_211 = arith.constant 0 : i32
        %dma_wait3A_212 = arith.constant 0 : i32
        %dma_wait3A_213 = tpu.memref_slice %arg15[%dma_wait3A_211, %dma_wait3A_212] : memref<10000x64xf32, #tpu.memory_space<vmem_shared>> -> memref<10000x64xf32, #tpu.memory_space<vmem_shared>>
        tpu.wait_indirect_dma semaphore(%arg23 : memref<!tpu.dma_semaphore, #tpu.memory_space<semaphore_mem>>) src(%arg10 : memref<80x64xf32, #tpu.memory_space<vmem>>) dst(%dma_wait3A_213 : memref<10000x64xf32, #tpu.memory_space<vmem_shared>>)
      } else {
      }
      %add3A_117 = arith.constant 6 : i32
      %add3A_118 = arith.addi %add3A_108, %add3A_117 : i32
      %sub3A_119 = arith.constant 1 : i32
      %sub3A_120 = arith.subi %add3A_118, %sub3A_119 : i32
      %lt3A_121 = arith.constant 125 : i32
      %lt3A_122 = arith.cmpi slt, %sub3A_120, %lt3A_121 : i32
      %convert_element_type3A_123 = arith.extui %lt3A_122 : i1 to i32
      %cond3A_124 = arith.constant 0 : i32
      %cond3A_125 = arith.cmpi ne, %convert_element_type3A_123, %cond3A_124 : i32
      scf.if %cond3A_125 {
        %add3A_209 = arith.constant 6 : i32
        %add3A_210 = arith.addi %add3A_108, %add3A_209 : i32
        %sub3A_211 = arith.constant 1 : i32
        %sub3A_212 = arith.subi %add3A_210, %sub3A_211 : i32
        %mul3A_213 = arith.constant 80 : i32
        %mul3A_214 = arith.muli %sub3A_212, %mul3A_213 : i32
        %dma_start3A_215 = tpu.memref_slice %arg7[%mul3A_214] : memref<10000xi32, #tpu.memory_space<vmem>> -> memref<80xi32, #tpu.memory_space<vmem>>
        %dma_start3A_216 = arith.constant 0 : i32
        %dma_start3A_217 = arith.constant 0 : i32
        %dma_start3A_218 = tpu.memref_slice %arg2[%dma_start3A_216, %dma_start3A_217] : memref<10000x64xf32, #tpu.memory_space<hbm>> -> memref<10000x64xf32, #tpu.memory_space<hbm>>
        tpu.enqueue_indirect_dma source(%dma_start3A_218 : memref<10000x64xf32, #tpu.memory_space<hbm>>) target(%arg10 : memref<80x64xf32, #tpu.memory_space<vmem>>) offsets(%dma_start3A_215 : memref<80xi32, #tpu.memory_space<vmem>>) semaphore(%arg17 : memref<!tpu.dma_semaphore, #tpu.memory_space<semaphore_mem>>)
      } else {
      }
      %lt3A_126 = arith.constant 125 : i32
      %lt3A_127 = arith.cmpi slt, %add3A_108, %lt3A_126 : i32
      %convert_element_type3A_128 = arith.extui %lt3A_127 : i1 to i32
      %cond3A_129 = arith.constant 0 : i32
      %cond3A_130 = arith.cmpi ne, %convert_element_type3A_128, %cond3A_129 : i32
      scf.if %cond3A_130 {
        %dma_wait3A_209 = arith.constant 0 : i32
        %dma_wait3A_210 = tpu.memref_slice %arg7[%dma_wait3A_209] : memref<10000xi32, #tpu.memory_space<vmem>> -> memref<80xi32, #tpu.memory_space<vmem>>
        %dma_wait3A_211 = arith.constant 0 : i32
        %dma_wait3A_212 = arith.constant 0 : i32
        %dma_wait3A_213 = tpu.memref_slice %arg2[%dma_wait3A_211, %dma_wait3A_212] : memref<10000x64xf32, #tpu.memory_space<hbm>> -> memref<10000x64xf32, #tpu.memory_space<hbm>>
        tpu.wait_indirect_dma semaphore(%arg18 : memref<!tpu.dma_semaphore, #tpu.memory_space<semaphore_mem>>) src(%dma_wait3A_213 : memref<10000x64xf32, #tpu.memory_space<hbm>>) dst(%arg11 : memref<80x64xf32, #tpu.memory_space<vmem>>)
        %mul3A_214 = arith.constant 80 : i32
        %mul3A_215 = arith.muli %add3A_108, %mul3A_214 : i32
        %dma_start3A_216 = tpu.memref_slice %arg8[%mul3A_215] : memref<10000xi32, #tpu.memory_space<vmem>> -> memref<80xi32, #tpu.memory_space<vmem>>
        %dma_start3A_217 = arith.constant 0 : i32
        %dma_start3A_218 = arith.constant 0 : i32
        %dma_start3A_219 = tpu.memref_slice %arg15[%dma_start3A_217, %dma_start3A_218] : memref<10000x64xf32, #tpu.memory_space<vmem_shared>> -> memref<10000x64xf32, #tpu.memory_space<vmem_shared>>
        tpu.enqueue_indirect_dma source(%arg11 : memref<80x64xf32, #tpu.memory_space<vmem>>) target(%dma_start3A_219 : memref<10000x64xf32, #tpu.memory_space<vmem_shared>>) offsets(%dma_start3A_216 : memref<80xi32, #tpu.memory_space<vmem>>) semaphore(%arg24 : memref<!tpu.dma_semaphore, #tpu.memory_space<semaphore_mem>>) {add = true}
      } else {
      }
      %mul3A_131 = arith.constant 6 : i32
      %mul3A_132 = arith.muli %scan3A_55, %mul3A_131 : i32
      %add3A_133 = arith.constant 3 : i32
      %add3A_134 = arith.addi %mul3A_132, %add3A_133 : i32
      %ge3A_135 = arith.constant 1 : i32
      %ge3A_136 = arith.cmpi sge, %add3A_134, %ge3A_135 : i32
      %lt3A_137 = arith.constant 125 : i32
      %lt3A_138 = arith.cmpi slt, %add3A_134, %lt3A_137 : i32
      %and3A_139 = arith.andi %ge3A_136, %lt3A_138 : i1
      %convert_element_type3A_140 = arith.extui %and3A_139 : i1 to i32
      %cond3A_141 = arith.constant 0 : i32
      %cond3A_142 = arith.cmpi ne, %convert_element_type3A_140, %cond3A_141 : i32
      scf.if %cond3A_142 {
        %dma_wait3A_209 = arith.constant 0 : i32
        %dma_wait3A_210 = tpu.memref_slice %arg8[%dma_wait3A_209] : memref<10000xi32, #tpu.memory_space<vmem>> -> memref<80xi32, #tpu.memory_space<vmem>>
        %dma_wait3A_211 = arith.constant 0 : i32
        %dma_wait3A_212 = arith.constant 0 : i32
        %dma_wait3A_213 = tpu.memref_slice %arg15[%dma_wait3A_211, %dma_wait3A_212] : memref<10000x64xf32, #tpu.memory_space<vmem_shared>> -> memref<10000x64xf32, #tpu.memory_space<vmem_shared>>
        tpu.wait_indirect_dma semaphore(%arg24 : memref<!tpu.dma_semaphore, #tpu.memory_space<semaphore_mem>>) src(%arg11 : memref<80x64xf32, #tpu.memory_space<vmem>>) dst(%dma_wait3A_213 : memref<10000x64xf32, #tpu.memory_space<vmem_shared>>)
      } else {
      }
      %add3A_143 = arith.constant 6 : i32
      %add3A_144 = arith.addi %add3A_134, %add3A_143 : i32
      %sub3A_145 = arith.constant 1 : i32
      %sub3A_146 = arith.subi %add3A_144, %sub3A_145 : i32
      %lt3A_147 = arith.constant 125 : i32
      %lt3A_148 = arith.cmpi slt, %sub3A_146, %lt3A_147 : i32
      %convert_element_type3A_149 = arith.extui %lt3A_148 : i1 to i32
      %cond3A_150 = arith.constant 0 : i32
      %cond3A_151 = arith.cmpi ne, %convert_element_type3A_149, %cond3A_150 : i32
      scf.if %cond3A_151 {
        %add3A_209 = arith.constant 6 : i32
        %add3A_210 = arith.addi %add3A_134, %add3A_209 : i32
        %sub3A_211 = arith.constant 1 : i32
        %sub3A_212 = arith.subi %add3A_210, %sub3A_211 : i32
        %mul3A_213 = arith.constant 80 : i32
        %mul3A_214 = arith.muli %sub3A_212, %mul3A_213 : i32
        %dma_start3A_215 = tpu.memref_slice %arg7[%mul3A_214] : memref<10000xi32, #tpu.memory_space<vmem>> -> memref<80xi32, #tpu.memory_space<vmem>>
        %dma_start3A_216 = arith.constant 0 : i32
        %dma_start3A_217 = arith.constant 0 : i32
        %dma_start3A_218 = tpu.memref_slice %arg2[%dma_start3A_216, %dma_start3A_217] : memref<10000x64xf32, #tpu.memory_space<hbm>> -> memref<10000x64xf32, #tpu.memory_space<hbm>>
        tpu.enqueue_indirect_dma source(%dma_start3A_218 : memref<10000x64xf32, #tpu.memory_space<hbm>>) target(%arg11 : memref<80x64xf32, #tpu.memory_space<vmem>>) offsets(%dma_start3A_215 : memref<80xi32, #tpu.memory_space<vmem>>) semaphore(%arg18 : memref<!tpu.dma_semaphore, #tpu.memory_space<semaphore_mem>>)
      } else {
      }
      %lt3A_152 = arith.constant 125 : i32
      %lt3A_153 = arith.cmpi slt, %add3A_134, %lt3A_152 : i32
      %convert_element_type3A_154 = arith.extui %lt3A_153 : i1 to i32
      %cond3A_155 = arith.constant 0 : i32
      %cond3A_156 = arith.cmpi ne, %convert_element_type3A_154, %cond3A_155 : i32
      scf.if %cond3A_156 {
        %dma_wait3A_209 = arith.constant 0 : i32
        %dma_wait3A_210 = tpu.memref_slice %arg7[%dma_wait3A_209] : memref<10000xi32, #tpu.memory_space<vmem>> -> memref<80xi32, #tpu.memory_space<vmem>>
        %dma_wait3A_211 = arith.constant 0 : i32
        %dma_wait3A_212 = arith.constant 0 : i32
        %dma_wait3A_213 = tpu.memref_slice %arg2[%dma_wait3A_211, %dma_wait3A_212] : memref<10000x64xf32, #tpu.memory_space<hbm>> -> memref<10000x64xf32, #tpu.memory_space<hbm>>
        tpu.wait_indirect_dma semaphore(%arg19 : memref<!tpu.dma_semaphore, #tpu.memory_space<semaphore_mem>>) src(%dma_wait3A_213 : memref<10000x64xf32, #tpu.memory_space<hbm>>) dst(%arg12 : memref<80x64xf32, #tpu.memory_space<vmem>>)
        %mul3A_214 = arith.constant 80 : i32
        %mul3A_215 = arith.muli %add3A_134, %mul3A_214 : i32
        %dma_start3A_216 = tpu.memref_slice %arg8[%mul3A_215] : memref<10000xi32, #tpu.memory_space<vmem>> -> memref<80xi32, #tpu.memory_space<vmem>>
        %dma_start3A_217 = arith.constant 0 : i32
        %dma_start3A_218 = arith.constant 0 : i32
        %dma_start3A_219 = tpu.memref_slice %arg15[%dma_start3A_217, %dma_start3A_218] : memref<10000x64xf32, #tpu.memory_space<vmem_shared>> -> memref<10000x64xf32, #tpu.memory_space<vmem_shared>>
        tpu.enqueue_indirect_dma source(%arg12 : memref<80x64xf32, #tpu.memory_space<vmem>>) target(%dma_start3A_219 : memref<10000x64xf32, #tpu.memory_space<vmem_shared>>) offsets(%dma_start3A_216 : memref<80xi32, #tpu.memory_space<vmem>>) semaphore(%arg25 : memref<!tpu.dma_semaphore, #tpu.memory_space<semaphore_mem>>) {add = true}
      } else {
      }
      %mul3A_157 = arith.constant 6 : i32
      %mul3A_158 = arith.muli %scan3A_55, %mul3A_157 : i32
      %add3A_159 = arith.constant 4 : i32
      %add3A_160 = arith.addi %mul3A_158, %add3A_159 : i32
      %ge3A_161 = arith.constant 1 : i32
      %ge3A_162 = arith.cmpi sge, %add3A_160, %ge3A_161 : i32
      %lt3A_163 = arith.constant 125 : i32
      %lt3A_164 = arith.cmpi slt, %add3A_160, %lt3A_163 : i32
      %and3A_165 = arith.andi %ge3A_162, %lt3A_164 : i1
      %convert_element_type3A_166 = arith.extui %and3A_165 : i1 to i32
      %cond3A_167 = arith.constant 0 : i32
      %cond3A_168 = arith.cmpi ne, %convert_element_type3A_166, %cond3A_167 : i32
      scf.if %cond3A_168 {
        %dma_wait3A_209 = arith.constant 0 : i32
        %dma_wait3A_210 = tpu.memref_slice %arg8[%dma_wait3A_209] : memref<10000xi32, #tpu.memory_space<vmem>> -> memref<80xi32, #tpu.memory_space<vmem>>
        %dma_wait3A_211 = arith.constant 0 : i32
        %dma_wait3A_212 = arith.constant 0 : i32
        %dma_wait3A_213 = tpu.memref_slice %arg15[%dma_wait3A_211, %dma_wait3A_212] : memref<10000x64xf32, #tpu.memory_space<vmem_shared>> -> memref<10000x64xf32, #tpu.memory_space<vmem_shared>>
        tpu.wait_indirect_dma semaphore(%arg25 : memref<!tpu.dma_semaphore, #tpu.memory_space<semaphore_mem>>) src(%arg12 : memref<80x64xf32, #tpu.memory_space<vmem>>) dst(%dma_wait3A_213 : memref<10000x64xf32, #tpu.memory_space<vmem_shared>>)
      } else {
      }
      %add3A_169 = arith.constant 6 : i32
      %add3A_170 = arith.addi %add3A_160, %add3A_169 : i32
      %sub3A_171 = arith.constant 1 : i32
      %sub3A_172 = arith.subi %add3A_170, %sub3A_171 : i32
      %lt3A_173 = arith.constant 125 : i32
      %lt3A_174 = arith.cmpi slt, %sub3A_172, %lt3A_173 : i32
      %convert_element_type3A_175 = arith.extui %lt3A_174 : i1 to i32
      %cond3A_176 = arith.constant 0 : i32
      %cond3A_177 = arith.cmpi ne, %convert_element_type3A_175, %cond3A_176 : i32
      scf.if %cond3A_177 {
        %add3A_209 = arith.constant 6 : i32
        %add3A_210 = arith.addi %add3A_160, %add3A_209 : i32
        %sub3A_211 = arith.constant 1 : i32
        %sub3A_212 = arith.subi %add3A_210, %sub3A_211 : i32
        %mul3A_213 = arith.constant 80 : i32
        %mul3A_214 = arith.muli %sub3A_212, %mul3A_213 : i32
        %dma_start3A_215 = tpu.memref_slice %arg7[%mul3A_214] : memref<10000xi32, #tpu.memory_space<vmem>> -> memref<80xi32, #tpu.memory_space<vmem>>
        %dma_start3A_216 = arith.constant 0 : i32
        %dma_start3A_217 = arith.constant 0 : i32
        %dma_start3A_218 = tpu.memref_slice %arg2[%dma_start3A_216, %dma_start3A_217] : memref<10000x64xf32, #tpu.memory_space<hbm>> -> memref<10000x64xf32, #tpu.memory_space<hbm>>
        tpu.enqueue_indirect_dma source(%dma_start3A_218 : memref<10000x64xf32, #tpu.memory_space<hbm>>) target(%arg12 : memref<80x64xf32, #tpu.memory_space<vmem>>) offsets(%dma_start3A_215 : memref<80xi32, #tpu.memory_space<vmem>>) semaphore(%arg19 : memref<!tpu.dma_semaphore, #tpu.memory_space<semaphore_mem>>)
      } else {
      }
      %lt3A_178 = arith.constant 125 : i32
      %lt3A_179 = arith.cmpi slt, %add3A_160, %lt3A_178 : i32
      %convert_element_type3A_180 = arith.extui %lt3A_179 : i1 to i32
      %cond3A_181 = arith.constant 0 : i32
      %cond3A_182 = arith.cmpi ne, %convert_element_type3A_180, %cond3A_181 : i32
      scf.if %cond3A_182 {
        %dma_wait3A_209 = arith.constant 0 : i32
        %dma_wait3A_210 = tpu.memref_slice %arg7[%dma_wait3A_209] : memref<10000xi32, #tpu.memory_space<vmem>> -> memref<80xi32, #tpu.memory_space<vmem>>
        %dma_wait3A_211 = arith.constant 0 : i32
        %dma_wait3A_212 = arith.constant 0 : i32
        %dma_wait3A_213 = tpu.memref_slice %arg2[%dma_wait3A_211, %dma_wait3A_212] : memref<10000x64xf32, #tpu.memory_space<hbm>> -> memref<10000x64xf32, #tpu.memory_space<hbm>>
        tpu.wait_indirect_dma semaphore(%arg20 : memref<!tpu.dma_semaphore, #tpu.memory_space<semaphore_mem>>) src(%dma_wait3A_213 : memref<10000x64xf32, #tpu.memory_space<hbm>>) dst(%arg13 : memref<80x64xf32, #tpu.memory_space<vmem>>)
        %mul3A_214 = arith.constant 80 : i32
        %mul3A_215 = arith.muli %add3A_160, %mul3A_214 : i32
        %dma_start3A_216 = tpu.memref_slice %arg8[%mul3A_215] : memref<10000xi32, #tpu.memory_space<vmem>> -> memref<80xi32, #tpu.memory_space<vmem>>
        %dma_start3A_217 = arith.constant 0 : i32
        %dma_start3A_218 = arith.constant 0 : i32
        %dma_start3A_219 = tpu.memref_slice %arg15[%dma_start3A_217, %dma_start3A_218] : memref<10000x64xf32, #tpu.memory_space<vmem_shared>> -> memref<10000x64xf32, #tpu.memory_space<vmem_shared>>
        tpu.enqueue_indirect_dma source(%arg13 : memref<80x64xf32, #tpu.memory_space<vmem>>) target(%dma_start3A_219 : memref<10000x64xf32, #tpu.memory_space<vmem_shared>>) offsets(%dma_start3A_216 : memref<80xi32, #tpu.memory_space<vmem>>) semaphore(%arg26 : memref<!tpu.dma_semaphore, #tpu.memory_space<semaphore_mem>>) {add = true}
      } else {
      }
      %mul3A_183 = arith.constant 6 : i32
      %mul3A_184 = arith.muli %scan3A_55, %mul3A_183 : i32
      %add3A_185 = arith.constant 5 : i32
      %add3A_186 = arith.addi %mul3A_184, %add3A_185 : i32
      %ge3A_187 = arith.constant 1 : i32
      %ge3A_188 = arith.cmpi sge, %add3A_186, %ge3A_187 : i32
      %lt3A_189 = arith.constant 125 : i32
      %lt3A_190 = arith.cmpi slt, %add3A_186, %lt3A_189 : i32
      %and3A_191 = arith.andi %ge3A_188, %lt3A_190 : i1
      %convert_element_type3A_192 = arith.extui %and3A_191 : i1 to i32
      %cond3A_193 = arith.constant 0 : i32
      %cond3A_194 = arith.cmpi ne, %convert_element_type3A_192, %cond3A_193 : i32
      scf.if %cond3A_194 {
        %dma_wait3A_209 = arith.constant 0 : i32
        %dma_wait3A_210 = tpu.memref_slice %arg8[%dma_wait3A_209] : memref<10000xi32, #tpu.memory_space<vmem>> -> memref<80xi32, #tpu.memory_space<vmem>>
        %dma_wait3A_211 = arith.constant 0 : i32
        %dma_wait3A_212 = arith.constant 0 : i32
        %dma_wait3A_213 = tpu.memref_slice %arg15[%dma_wait3A_211, %dma_wait3A_212] : memref<10000x64xf32, #tpu.memory_space<vmem_shared>> -> memref<10000x64xf32, #tpu.memory_space<vmem_shared>>
        tpu.wait_indirect_dma semaphore(%arg26 : memref<!tpu.dma_semaphore, #tpu.memory_space<semaphore_mem>>) src(%arg13 : memref<80x64xf32, #tpu.memory_space<vmem>>) dst(%dma_wait3A_213 : memref<10000x64xf32, #tpu.memory_space<vmem_shared>>)
      } else {
      }
      %add3A_195 = arith.constant 6 : i32
      %add3A_196 = arith.addi %add3A_186, %add3A_195 : i32
      %sub3A_197 = arith.constant 1 : i32
      %sub3A_198 = arith.subi %add3A_196, %sub3A_197 : i32
      %lt3A_199 = arith.constant 125 : i32
      %lt3A_200 = arith.cmpi slt, %sub3A_198, %lt3A_199 : i32
      %convert_element_type3A_201 = arith.extui %lt3A_200 : i1 to i32
      %cond3A_202 = arith.constant 0 : i32
      %cond3A_203 = arith.cmpi ne, %convert_element_type3A_201, %cond3A_202 : i32
      scf.if %cond3A_203 {
        %add3A_209 = arith.constant 6 : i32
        %add3A_210 = arith.addi %add3A_186, %add3A_209 : i32
        %sub3A_211 = arith.constant 1 : i32
        %sub3A_212 = arith.subi %add3A_210, %sub3A_211 : i32
        %mul3A_213 = arith.constant 80 : i32
        %mul3A_214 = arith.muli %sub3A_212, %mul3A_213 : i32
        %dma_start3A_215 = tpu.memref_slice %arg7[%mul3A_214] : memref<10000xi32, #tpu.memory_space<vmem>> -> memref<80xi32, #tpu.memory_space<vmem>>
        %dma_start3A_216 = arith.constant 0 : i32
        %dma_start3A_217 = arith.constant 0 : i32
        %dma_start3A_218 = tpu.memref_slice %arg2[%dma_start3A_216, %dma_start3A_217] : memref<10000x64xf32, #tpu.memory_space<hbm>> -> memref<10000x64xf32, #tpu.memory_space<hbm>>
        tpu.enqueue_indirect_dma source(%dma_start3A_218 : memref<10000x64xf32, #tpu.memory_space<hbm>>) target(%arg13 : memref<80x64xf32, #tpu.memory_space<vmem>>) offsets(%dma_start3A_215 : memref<80xi32, #tpu.memory_space<vmem>>) semaphore(%arg20 : memref<!tpu.dma_semaphore, #tpu.memory_space<semaphore_mem>>)
      } else {
      }
      %lt3A_204 = arith.constant 125 : i32
      %lt3A_205 = arith.cmpi slt, %add3A_186, %lt3A_204 : i32
      %convert_element_type3A_206 = arith.extui %lt3A_205 : i1 to i32
      %cond3A_207 = arith.constant 0 : i32
      %cond3A_208 = arith.cmpi ne, %convert_element_type3A_206, %cond3A_207 : i32
      scf.if %cond3A_208 {
        %dma_wait3A_209 = arith.constant 0 : i32
        %dma_wait3A_210 = tpu.memref_slice %arg7[%dma_wait3A_209] : memref<10000xi32, #tpu.memory_space<vmem>> -> memref<80xi32, #tpu.memory_space<vmem>>
        %dma_wait3A_211 = arith.constant 0 : i32
        %dma_wait3A_212 = arith.constant 0 : i32
        %dma_wait3A_213 = tpu.memref_slice %arg2[%dma_wait3A_211, %dma_wait3A_212] : memref<10000x64xf32, #tpu.memory_space<hbm>> -> memref<10000x64xf32, #tpu.memory_space<hbm>>
        tpu.wait_indirect_dma semaphore(%arg21 : memref<!tpu.dma_semaphore, #tpu.memory_space<semaphore_mem>>) src(%dma_wait3A_213 : memref<10000x64xf32, #tpu.memory_space<hbm>>) dst(%arg14 : memref<80x64xf32, #tpu.memory_space<vmem>>)
        %mul3A_214 = arith.constant 80 : i32
        %mul3A_215 = arith.muli %add3A_186, %mul3A_214 : i32
        %dma_start3A_216 = tpu.memref_slice %arg8[%mul3A_215] : memref<10000xi32, #tpu.memory_space<vmem>> -> memref<80xi32, #tpu.memory_space<vmem>>
        %dma_start3A_217 = arith.constant 0 : i32
        %dma_start3A_218 = arith.constant 0 : i32
        %dma_start3A_219 = tpu.memref_slice %arg15[%dma_start3A_217, %dma_start3A_218] : memref<10000x64xf32, #tpu.memory_space<vmem_shared>> -> memref<10000x64xf32, #tpu.memory_space<vmem_shared>>
        tpu.enqueue_indirect_dma source(%arg14 : memref<80x64xf32, #tpu.memory_space<vmem>>) target(%dma_start3A_219 : memref<10000x64xf32, #tpu.memory_space<vmem_shared>>) offsets(%dma_start3A_216 : memref<80xi32, #tpu.memory_space<vmem>>) semaphore(%arg27 : memref<!tpu.dma_semaphore, #tpu.memory_space<semaphore_mem>>) {add = true}
      } else {
      }
    }
    %scan3A_39 = arith.constant 21 : i32
    %dma_wait3A = arith.constant 0 : i32
    %dma_wait3A_40 = tpu.memref_slice %arg8[%dma_wait3A] : memref<10000xi32, #tpu.memory_space<vmem>> -> memref<80xi32, #tpu.memory_space<vmem>>
    %dma_wait3A_41 = arith.constant 0 : i32
    %dma_wait3A_42 = arith.constant 0 : i32
    %dma_wait3A_43 = tpu.memref_slice %arg15[%dma_wait3A_41, %dma_wait3A_42] : memref<10000x64xf32, #tpu.memory_space<vmem_shared>> -> memref<10000x64xf32, #tpu.memory_space<vmem_shared>>
    tpu.wait_indirect_dma semaphore(%arg26 : memref<!tpu.dma_semaphore, #tpu.memory_space<semaphore_mem>>) src(%arg13 : memref<80x64xf32, #tpu.memory_space<vmem>>) dst(%dma_wait3A_43 : memref<10000x64xf32, #tpu.memory_space<vmem_shared>>)
    %barrier3A_44 = arith.constant 0 : index
    tpu.barrier barrier_id(%barrier3A_44)
    %lt3A_45 = arith.constant 15 : i32
    %lt3A_46 = arith.cmpi slt, %arg1, %lt3A_45 : i32
    %convert_element_type3A_47 = arith.extui %lt3A_46 : i1 to i32
    %cond3A_48 = arith.constant 0 : i32
    %cond3A_49 = arith.cmpi ne, %convert_element_type3A_47, %cond3A_48 : i32
    scf.if %cond3A_49 {
      %mul3A_55 = arith.constant 624 : i32
      %mul3A_56 = arith.muli %arg1, %mul3A_55 : i32
      %mul3A_57 = arith.constant 624 : i32
      %mul3A_58 = arith.muli %arg1, %mul3A_57 : i32
      "tpu.region"() ({
        %run_scoped3A = tpu.sem_alloc : memref<!tpu.dma_semaphore, #tpu.memory_space<semaphore_mem>>
        %dma_start3A_59 = arith.constant 0 : i32
        %dma_start3A_60 = tpu.memref_slice %arg6[%arg0, %mul3A_58, %dma_start3A_59] : memref<2x10000x64xf32, #tpu.memory_space<hbm>> -> memref<1x624x64xf32, #tpu.memory_space<hbm>>
        %dma_start3A_61 = tpu.memref_squeeze %dma_start3A_60 : memref<1x624x64xf32, #tpu.memory_space<hbm>> -> memref<624x64xf32, #tpu.memory_space<hbm>>
        %dma_start3A_62 = arith.constant 0 : i32
        %dma_start3A_63 = tpu.memref_slice %arg15[%mul3A_56, %dma_start3A_62] : memref<10000x64xf32, #tpu.memory_space<vmem_shared>> -> memref<624x64xf32, #tpu.memory_space<vmem_shared>>
        tpu.enqueue_dma source(%dma_start3A_63 : memref<624x64xf32, #tpu.memory_space<vmem_shared>>) target(%dma_start3A_61 : memref<624x64xf32, #tpu.memory_space<hbm>>) target_semaphore(%run_scoped3A : memref<!tpu.dma_semaphore, #tpu.memory_space<semaphore_mem>>)
        %dma_wait3A_64 = arith.constant 0 : i32
        %dma_wait3A_65 = tpu.memref_slice %arg6[%arg0, %mul3A_58, %dma_wait3A_64] : memref<2x10000x64xf32, #tpu.memory_space<hbm>> -> memref<1x624x64xf32, #tpu.memory_space<hbm>>
        %dma_wait3A_66 = tpu.memref_squeeze %dma_wait3A_65 : memref<1x624x64xf32, #tpu.memory_space<hbm>> -> memref<624x64xf32, #tpu.memory_space<hbm>>
        %dma_wait3A_67 = arith.constant 0 : i32
        %dma_wait3A_68 = tpu.memref_slice %arg15[%mul3A_56, %dma_wait3A_67] : memref<10000x64xf32, #tpu.memory_space<vmem_shared>> -> memref<624x64xf32, #tpu.memory_space<vmem_shared>>
        tpu.wait_dma2 semaphore(%run_scoped3A : memref<!tpu.dma_semaphore, #tpu.memory_space<semaphore_mem>>) src(%dma_wait3A_68 : memref<624x64xf32, #tpu.memory_space<vmem_shared>>) dst(%dma_wait3A_66 : memref<624x64xf32, #tpu.memory_space<hbm>>)
        tpu.yield
      }) : () -> ()
    } else {
    }
    %eq3A_50 = arith.constant 15 : i32
    %eq3A_51 = arith.cmpi eq, %arg1, %eq3A_50 : i32
    %convert_element_type3A_52 = arith.extui %eq3A_51 : i1 to i32
    %cond3A_53 = arith.constant 0 : i32
    %cond3A_54 = arith.cmpi ne, %convert_element_type3A_52, %cond3A_53 : i32
    scf.if %cond3A_54 {
      "tpu.region"() ({
        %run_scoped3A = tpu.sem_alloc : memref<!tpu.dma_semaphore, #tpu.memory_space<semaphore_mem>>
        %dma_start3A_55 = arith.constant 9360 : i32
        %dma_start3A_56 = arith.constant 0 : i32
        %dma_start3A_57 = tpu.memref_slice %arg6[%arg0, %dma_start3A_55, %dma_start3A_56] : memref<2x10000x64xf32, #tpu.memory_space<hbm>> -> memref<1x640x64xf32, #tpu.memory_space<hbm>>
        %dma_start3A_58 = tpu.memref_squeeze %dma_start3A_57 : memref<1x640x64xf32, #tpu.memory_space<hbm>> -> memref<640x64xf32, #tpu.memory_space<hbm>>
        %dma_start3A_59 = arith.constant 9360 : i32
        %dma_start3A_60 = arith.constant 0 : i32
        %dma_start3A_61 = tpu.memref_slice %arg15[%dma_start3A_59, %dma_start3A_60] : memref<10000x64xf32, #tpu.memory_space<vmem_shared>> -> memref<640x64xf32, #tpu.memory_space<vmem_shared>>
        tpu.enqueue_dma source(%dma_start3A_61 : memref<640x64xf32, #tpu.memory_space<vmem_shared>>) target(%dma_start3A_58 : memref<640x64xf32, #tpu.memory_space<hbm>>) target_semaphore(%run_scoped3A : memref<!tpu.dma_semaphore, #tpu.memory_space<semaphore_mem>>)
        %dma_wait3A_62 = arith.constant 9360 : i32
        %dma_wait3A_63 = arith.constant 0 : i32
        %dma_wait3A_64 = tpu.memref_slice %arg6[%arg0, %dma_wait3A_62, %dma_wait3A_63] : memref<2x10000x64xf32, #tpu.memory_space<hbm>> -> memref<1x640x64xf32, #tpu.memory_space<hbm>>
        %dma_wait3A_65 = tpu.memref_squeeze %dma_wait3A_64 : memref<1x640x64xf32, #tpu.memory_space<hbm>> -> memref<640x64xf32, #tpu.memory_space<hbm>>
        %dma_wait3A_66 = arith.constant 9360 : i32
        %dma_wait3A_67 = arith.constant 0 : i32
        %dma_wait3A_68 = tpu.memref_slice %arg15[%dma_wait3A_66, %dma_wait3A_67] : memref<10000x64xf32, #tpu.memory_space<vmem_shared>> -> memref<640x64xf32, #tpu.memory_space<vmem_shared>>
        tpu.wait_dma2 semaphore(%run_scoped3A : memref<!tpu.dma_semaphore, #tpu.memory_space<semaphore_mem>>) src(%dma_wait3A_68 : memref<640x64xf32, #tpu.memory_space<vmem_shared>>) dst(%dma_wait3A_65 : memref<640x64xf32, #tpu.memory_space<hbm>>)
        tpu.yield
      }) : () -> ()
    } else {
    }
    return
  }
}

#map = affine_map<(d0, d1) -> (0, 0)>
#map1 = affine_map<(d0, d1) -> (0, 0, 0)>
#map2 = affine_map<(d0, d1) -> (0)>
module attributes {stable_mosaic.version = 14 : i64} {
  func.func @_sc_agg0_body(%arg0: i32, %arg1: i32, %arg2: memref<10000x128xf32, #tpu.memory_space<hbm>>, %arg3: memref<2x320000xi32, #tpu.memory_space<hbm>>, %arg4: memref<10000x128xf32, #tpu.memory_space<hbm>>, %arg5: memref<2x10000x128xf32, #tpu.memory_space<hbm>>, %arg6: memref<20000xf32, #tpu.memory_space<hbm>>, %arg7: memref<2x10112xi32, #tpu.memory_space<vmem>>, %arg8: memref<32x128xf32, #tpu.memory_space<vmem>>, %arg9: memref<32x128xf32, #tpu.memory_space<vmem>>, %arg10: memref<32x128xf32, #tpu.memory_space<vmem>>, %arg11: memref<32x128xf32, #tpu.memory_space<vmem>>, %arg12: memref<32x128xf32, #tpu.memory_space<vmem>>, %arg13: memref<32xf32, #tpu.memory_space<vmem>>, %arg14: memref<2000xf32, #tpu.memory_space<vmem>>, %arg15: memref<10000x128xf32, #tpu.memory_space<vmem_shared>>, %arg16: memref<10000xf32, #tpu.memory_space<vmem_shared>>, %arg17: memref<!tpu.dma_semaphore, #tpu.memory_space<semaphore_mem>>, %arg18: memref<!tpu.dma_semaphore, #tpu.memory_space<semaphore_mem>>, %arg19: memref<!tpu.dma_semaphore, #tpu.memory_space<semaphore_mem>>, %arg20: memref<!tpu.dma_semaphore, #tpu.memory_space<semaphore_mem>>, %arg21: memref<!tpu.dma_semaphore, #tpu.memory_space<semaphore_mem>>, %arg22: memref<!tpu.dma_semaphore, #tpu.memory_space<semaphore_mem>>, %arg23: memref<!tpu.dma_semaphore, #tpu.memory_space<semaphore_mem>>, %arg24: memref<!tpu.dma_semaphore, #tpu.memory_space<semaphore_mem>>, %arg25: memref<!tpu.dma_semaphore, #tpu.memory_space<semaphore_mem>>, %arg26: memref<!tpu.dma_semaphore, #tpu.memory_space<semaphore_mem>>, %arg27: memref<!tpu.dma_semaphore, #tpu.memory_space<semaphore_mem>>) attributes {dimension_semantics = [#tpu.dimension_semantics<core_parallel>, #tpu.dimension_semantics<subcore_parallel>], iteration_bounds = array<i64: 2, 16>, scalar_prefetch = 0 : i64, scratch_operands = 21 : i64, tpu.core_type = #tpu.core_type<sc_vector_subcore>, window_params = [{transform_indices = #map}, {transform_indices = #map}, {transform_indices = #map}, {transform_indices = #map1}, {transform_indices = #map2}]} {
    %mul3A = arith.constant 16 : i32
    %mul3A_0 = arith.muli %arg0, %mul3A : i32
    %add3A = arith.addi %mul3A_0, %arg1 : i32
    %lt3A = arith.constant 15 : i32
    %lt3A_1 = arith.cmpi slt, %arg1, %lt3A : i32
    %convert_element_type3A = arith.extui %lt3A_1 : i1 to i32
    %cond3A = arith.constant 0 : i32
    %cond3A_2 = arith.cmpi ne, %convert_element_type3A, %cond3A : i32
    scf.if %cond3A_2 {
      %mul3A_274 = arith.constant 624 : i32
      %mul3A_275 = arith.muli %arg1, %mul3A_274 : i32
      "tpu.region"() ({
        %run_scoped3A = tpu.sem_alloc : memref<!tpu.dma_semaphore, #tpu.memory_space<semaphore_mem>>
        %dma_start3A_276 = arith.constant 0 : i32
        %dma_start3A_277 = tpu.memref_slice %arg15[%mul3A_275, %dma_start3A_276] : memref<10000x128xf32, #tpu.memory_space<vmem_shared>> -> memref<624x128xf32, #tpu.memory_space<vmem_shared>>
        %dma_start3A_278 = arith.constant 0 : i32
        %dma_start3A_279 = tpu.memref_slice %arg4[%mul3A_275, %dma_start3A_278] : memref<10000x128xf32, #tpu.memory_space<hbm>> -> memref<624x128xf32, #tpu.memory_space<hbm>>
        tpu.enqueue_dma source(%dma_start3A_279 : memref<624x128xf32, #tpu.memory_space<hbm>>) target(%dma_start3A_277 : memref<624x128xf32, #tpu.memory_space<vmem_shared>>) target_semaphore(%run_scoped3A : memref<!tpu.dma_semaphore, #tpu.memory_space<semaphore_mem>>)
        %dma_wait3A_280 = arith.constant 0 : i32
        %dma_wait3A_281 = tpu.memref_slice %arg15[%mul3A_275, %dma_wait3A_280] : memref<10000x128xf32, #tpu.memory_space<vmem_shared>> -> memref<624x128xf32, #tpu.memory_space<vmem_shared>>
        %dma_wait3A_282 = arith.constant 0 : i32
        %dma_wait3A_283 = tpu.memref_slice %arg4[%mul3A_275, %dma_wait3A_282] : memref<10000x128xf32, #tpu.memory_space<hbm>> -> memref<624x128xf32, #tpu.memory_space<hbm>>
        tpu.wait_dma2 semaphore(%run_scoped3A : memref<!tpu.dma_semaphore, #tpu.memory_space<semaphore_mem>>) src(%dma_wait3A_283 : memref<624x128xf32, #tpu.memory_space<hbm>>) dst(%dma_wait3A_281 : memref<624x128xf32, #tpu.memory_space<vmem_shared>>)
        tpu.yield
      }) : () -> ()
    } else {
    }
    %eq3A = arith.constant 15 : i32
    %eq3A_3 = arith.cmpi eq, %arg1, %eq3A : i32
    %convert_element_type3A_4 = arith.extui %eq3A_3 : i1 to i32
    %cond3A_5 = arith.constant 0 : i32
    %cond3A_6 = arith.cmpi ne, %convert_element_type3A_4, %cond3A_5 : i32
    scf.if %cond3A_6 {
      "tpu.region"() ({
        %run_scoped3A = tpu.sem_alloc : memref<!tpu.dma_semaphore, #tpu.memory_space<semaphore_mem>>
        %dma_start3A_274 = arith.constant 9360 : i32
        %dma_start3A_275 = arith.constant 0 : i32
        %dma_start3A_276 = tpu.memref_slice %arg15[%dma_start3A_274, %dma_start3A_275] : memref<10000x128xf32, #tpu.memory_space<vmem_shared>> -> memref<640x128xf32, #tpu.memory_space<vmem_shared>>
        %dma_start3A_277 = arith.constant 9360 : i32
        %dma_start3A_278 = arith.constant 0 : i32
        %dma_start3A_279 = tpu.memref_slice %arg4[%dma_start3A_277, %dma_start3A_278] : memref<10000x128xf32, #tpu.memory_space<hbm>> -> memref<640x128xf32, #tpu.memory_space<hbm>>
        tpu.enqueue_dma source(%dma_start3A_279 : memref<640x128xf32, #tpu.memory_space<hbm>>) target(%dma_start3A_276 : memref<640x128xf32, #tpu.memory_space<vmem_shared>>) target_semaphore(%run_scoped3A : memref<!tpu.dma_semaphore, #tpu.memory_space<semaphore_mem>>)
        %dma_wait3A_280 = arith.constant 9360 : i32
        %dma_wait3A_281 = arith.constant 0 : i32
        %dma_wait3A_282 = tpu.memref_slice %arg15[%dma_wait3A_280, %dma_wait3A_281] : memref<10000x128xf32, #tpu.memory_space<vmem_shared>> -> memref<640x128xf32, #tpu.memory_space<vmem_shared>>
        %dma_wait3A_283 = arith.constant 9360 : i32
        %dma_wait3A_284 = arith.constant 0 : i32
        %dma_wait3A_285 = tpu.memref_slice %arg4[%dma_wait3A_283, %dma_wait3A_284] : memref<10000x128xf32, #tpu.memory_space<hbm>> -> memref<640x128xf32, #tpu.memory_space<hbm>>
        tpu.wait_dma2 semaphore(%run_scoped3A : memref<!tpu.dma_semaphore, #tpu.memory_space<semaphore_mem>>) src(%dma_wait3A_285 : memref<640x128xf32, #tpu.memory_space<hbm>>) dst(%dma_wait3A_282 : memref<640x128xf32, #tpu.memory_space<vmem_shared>>)
        tpu.yield
      }) : () -> ()
    } else {
    }
    %scan3A = arith.constant 0 : i32
    %scan3A_7 = arith.constant 0 : i32
    %scan3A_8 = arith.constant 125 : i32
    %scan3A_9 = arith.addi %scan3A_7, %scan3A_8 : i32
    %scan3A_10 = arith.constant 1 : i32
    scf.for %scan3A_274 = %scan3A_7 to %scan3A_9 step %scan3A_10  : i32 {
      %broadcast_in_dim3A_275 = arith.constant 0.000000e+00 : f32
      %broadcast_in_dim3A_276 = vector.broadcast %broadcast_in_dim3A_275 : f32 to vector<16xf32>
      %mul3A_277 = arith.constant 16 : i32
      %mul3A_278 = arith.muli %scan3A_274, %mul3A_277 : i32
      %swap3A_279 = arith.index_cast %mul3A_278 : i32 to index
      %swap3A_280 = tpu.vector_load %arg14[%swap3A_279] {strides = array<i32>} : memref<2000xf32, #tpu.memory_space<vmem>>, vector<16xf32>,
      %swap3A_281 = vector.shape_cast %swap3A_280 : vector<16xf32> to vector<16xf32>
      %swap3A_282 = vector.shape_cast %broadcast_in_dim3A_276 : vector<16xf32> to vector<16xf32>
      tpu.vector_store %arg14[%swap3A_279], %swap3A_282 {strides = array<i32>} : memref<2000xf32, #tpu.memory_space<vmem>>, vector<16xf32>,
    }
    %scan3A_11 = arith.constant 125 : i32
    %lt3A_12 = arith.constant 5 : i32
    %lt3A_13 = arith.cmpi slt, %arg1, %lt3A_12 : i32
    %convert_element_type3A_14 = arith.extui %lt3A_13 : i1 to i32
    %cond3A_15 = arith.constant 0 : i32
    %cond3A_16 = arith.cmpi ne, %convert_element_type3A_14, %cond3A_15 : i32
    scf.if %cond3A_16 {
      %mul3A_274 = arith.constant 2000 : i32
      %mul3A_275 = arith.muli %arg1, %mul3A_274 : i32
      "tpu.region"() ({
        %run_scoped3A = tpu.sem_alloc : memref<!tpu.dma_semaphore, #tpu.memory_space<semaphore_mem>>
        %dma_start3A_276 = tpu.memref_slice %arg16[%mul3A_275] : memref<10000xf32, #tpu.memory_space<vmem_shared>> -> memref<2000xf32, #tpu.memory_space<vmem_shared>>
        %dma_start3A_277 = tpu.memref_slice %arg16[%mul3A_275] : memref<10000xf32, #tpu.memory_space<vmem_shared>> -> memref<2000xf32, #tpu.memory_space<vmem_shared>>
        tpu.enqueue_dma source(%arg14 : memref<2000xf32, #tpu.memory_space<vmem>>) target(%dma_start3A_277 : memref<2000xf32, #tpu.memory_space<vmem_shared>>) target_semaphore(%run_scoped3A : memref<!tpu.dma_semaphore, #tpu.memory_space<semaphore_mem>>)
        %dma_wait3A_278 = tpu.memref_slice %arg16[%mul3A_275] : memref<10000xf32, #tpu.memory_space<vmem_shared>> -> memref<2000xf32, #tpu.memory_space<vmem_shared>>
        %dma_wait3A_279 = tpu.memref_slice %arg16[%mul3A_275] : memref<10000xf32, #tpu.memory_space<vmem_shared>> -> memref<2000xf32, #tpu.memory_space<vmem_shared>>
        tpu.wait_dma2 semaphore(%run_scoped3A : memref<!tpu.dma_semaphore, #tpu.memory_space<semaphore_mem>>) src(%arg14 : memref<2000xf32, #tpu.memory_space<vmem>>) dst(%dma_wait3A_279 : memref<2000xf32, #tpu.memory_space<vmem_shared>>)
        tpu.yield
      }) : () -> ()
    } else {
    }
    %mul3A_17 = arith.constant 9984 : i32
    %mul3A_18 = arith.muli %mul3A_17, %add3A : i32
    %sub3A = arith.constant 28 : i32
    %sub3A_19 = arith.subi %add3A, %sub3A : i32
    %max3A = arith.constant 0 : i32
    %max3A_20 = arith.maxsi %sub3A_19, %max3A : i32
    %mul3A_21 = arith.constant 128 : i32
    %mul3A_22 = arith.muli %mul3A_21, %max3A_20 : i32
    %add3A_23 = arith.addi %mul3A_18, %mul3A_22 : i32
    %ge3A = arith.constant 28 : i32
    %ge3A_24 = arith.cmpi sge, %add3A, %ge3A : i32
    %convert_element_type3A_25 = arith.extui %ge3A_24 : i1 to i32
    %mul3A_26 = arith.constant 4 : i32
    %mul3A_27 = arith.muli %mul3A_26, %convert_element_type3A_25 : i32
    %add3A_28 = arith.constant 312 : i32
    %add3A_29 = arith.addi %add3A_28, %mul3A_27 : i32
    "tpu.region"() ({
      %run_scoped3A = tpu.sem_alloc : memref<!tpu.dma_semaphore, #tpu.memory_space<semaphore_mem>>
      %dma_start3A_274 = arith.constant 0 : i32
      %dma_start3A_275 = tpu.memref_slice %arg3[%dma_start3A_274, %add3A_23] : memref<2x320000xi32, #tpu.memory_space<hbm>> -> memref<2x10112xi32, #tpu.memory_space<hbm>>
      %dma_start3A_276 = arith.constant 0 : i32
      %dma_start3A_277 = tpu.memref_slice %arg3[%dma_start3A_276, %add3A_23] : memref<2x320000xi32, #tpu.memory_space<hbm>> -> memref<2x10112xi32, #tpu.memory_space<hbm>>
      tpu.enqueue_dma source(%dma_start3A_277 : memref<2x10112xi32, #tpu.memory_space<hbm>>) target(%arg7 : memref<2x10112xi32, #tpu.memory_space<vmem>>) target_semaphore(%run_scoped3A : memref<!tpu.dma_semaphore, #tpu.memory_space<semaphore_mem>>)
      %dma_wait3A_278 = arith.constant 0 : i32
      %dma_wait3A_279 = tpu.memref_slice %arg3[%dma_wait3A_278, %add3A_23] : memref<2x320000xi32, #tpu.memory_space<hbm>> -> memref<2x10112xi32, #tpu.memory_space<hbm>>
      %dma_wait3A_280 = arith.constant 0 : i32
      %dma_wait3A_281 = tpu.memref_slice %arg3[%dma_wait3A_280, %add3A_23] : memref<2x320000xi32, #tpu.memory_space<hbm>> -> memref<2x10112xi32, #tpu.memory_space<hbm>>
      tpu.wait_dma2 semaphore(%run_scoped3A : memref<!tpu.dma_semaphore, #tpu.memory_space<semaphore_mem>>) src(%dma_wait3A_281 : memref<2x10112xi32, #tpu.memory_space<hbm>>) dst(%arg7 : memref<2x10112xi32, #tpu.memory_space<vmem>>)
      tpu.yield
    }) : () -> ()
    %broadcast_in_dim3A = arith.constant 1.000000e+00 : f32
    %broadcast_in_dim3A_30 = vector.broadcast %broadcast_in_dim3A : f32 to vector<16xf32>
    %swap3A = arith.constant 0 : index
    %swap3A_31 = tpu.vector_load %arg13[%swap3A] {strides = array<i32>} : memref<32xf32, #tpu.memory_space<vmem>>, vector<16xf32>,
    %swap3A_32 = vector.shape_cast %swap3A_31 : vector<16xf32> to vector<16xf32>
    %swap3A_33 = vector.shape_cast %broadcast_in_dim3A_30 : vector<16xf32> to vector<16xf32>
    tpu.vector_store %arg13[%swap3A], %swap3A_33 {strides = array<i32>} : memref<32xf32, #tpu.memory_space<vmem>>, vector<16xf32>,
    %broadcast_in_dim3A_34 = arith.constant 1.000000e+00 : f32
    %broadcast_in_dim3A_35 = vector.broadcast %broadcast_in_dim3A_34 : f32 to vector<16xf32>
    %swap3A_36 = arith.constant 16 : index
    %swap3A_37 = tpu.vector_load %arg13[%swap3A_36] {strides = array<i32>} : memref<32xf32, #tpu.memory_space<vmem>>, vector<16xf32>,
    %swap3A_38 = vector.shape_cast %swap3A_37 : vector<16xf32> to vector<16xf32>
    %swap3A_39 = vector.shape_cast %broadcast_in_dim3A_35 : vector<16xf32> to vector<16xf32>
    tpu.vector_store %arg13[%swap3A_36], %swap3A_39 {strides = array<i32>} : memref<32xf32, #tpu.memory_space<vmem>>, vector<16xf32>,
    %barrier3A = arith.constant 0 : index
    tpu.barrier barrier_id(%barrier3A)
    %dma_start3A = arith.constant 0 : i32
    %dma_start3A_40 = arith.constant 0 : i32
    %dma_start3A_41 = tpu.memref_slice %arg7[%dma_start3A, %dma_start3A_40] : memref<2x10112xi32, #tpu.memory_space<vmem>> -> memref<1x10112xi32, #tpu.memory_space<vmem>>
    %dma_start3A_42 = tpu.memref_squeeze %dma_start3A_41 : memref<1x10112xi32, #tpu.memory_space<vmem>> -> memref<10112xi32, #tpu.memory_space<vmem>>
    %dma_start3A_43 = arith.constant 0 : i32
    %dma_start3A_44 = tpu.memref_slice %dma_start3A_42[%dma_start3A_43] : memref<10112xi32, #tpu.memory_space<vmem>> -> memref<32xi32, #tpu.memory_space<vmem>>
    %dma_start3A_45 = arith.constant 0 : i32
    %dma_start3A_46 = arith.constant 0 : i32
    %dma_start3A_47 = tpu.memref_slice %arg2[%dma_start3A_45, %dma_start3A_46] : memref<10000x128xf32, #tpu.memory_space<hbm>> -> memref<10000x128xf32, #tpu.memory_space<hbm>>
    tpu.enqueue_indirect_dma source(%dma_start3A_47 : memref<10000x128xf32, #tpu.memory_space<hbm>>) target(%arg8 : memref<32x128xf32, #tpu.memory_space<vmem>>) offsets(%dma_start3A_44 : memref<32xi32, #tpu.memory_space<vmem>>) semaphore(%arg17 : memref<!tpu.dma_semaphore, #tpu.memory_space<semaphore_mem>>)
    %dma_start3A_48 = arith.constant 0 : i32
    %dma_start3A_49 = arith.constant 0 : i32
    %dma_start3A_50 = tpu.memref_slice %arg7[%dma_start3A_48, %dma_start3A_49] : memref<2x10112xi32, #tpu.memory_space<vmem>> -> memref<1x10112xi32, #tpu.memory_space<vmem>>
    %dma_start3A_51 = tpu.memref_squeeze %dma_start3A_50 : memref<1x10112xi32, #tpu.memory_space<vmem>> -> memref<10112xi32, #tpu.memory_space<vmem>>
    %dma_start3A_52 = arith.constant 32 : i32
    %dma_start3A_53 = tpu.memref_slice %dma_start3A_51[%dma_start3A_52] : memref<10112xi32, #tpu.memory_space<vmem>> -> memref<32xi32, #tpu.memory_space<vmem>>
    %dma_start3A_54 = arith.constant 0 : i32
    %dma_start3A_55 = arith.constant 0 : i32
    %dma_start3A_56 = tpu.memref_slice %arg2[%dma_start3A_54, %dma_start3A_55] : memref<10000x128xf32, #tpu.memory_space<hbm>> -> memref<10000x128xf32, #tpu.memory_space<hbm>>
    tpu.enqueue_indirect_dma source(%dma_start3A_56 : memref<10000x128xf32, #tpu.memory_space<hbm>>) target(%arg9 : memref<32x128xf32, #tpu.memory_space<vmem>>) offsets(%dma_start3A_53 : memref<32xi32, #tpu.memory_space<vmem>>) semaphore(%arg18 : memref<!tpu.dma_semaphore, #tpu.memory_space<semaphore_mem>>)
    %dma_start3A_57 = arith.constant 0 : i32
    %dma_start3A_58 = arith.constant 0 : i32
    %dma_start3A_59 = tpu.memref_slice %arg7[%dma_start3A_57, %dma_start3A_58] : memref<2x10112xi32, #tpu.memory_space<vmem>> -> memref<1x10112xi32, #tpu.memory_space<vmem>>
    %dma_start3A_60 = tpu.memref_squeeze %dma_start3A_59 : memref<1x10112xi32, #tpu.memory_space<vmem>> -> memref<10112xi32, #tpu.memory_space<vmem>>
    %dma_start3A_61 = arith.constant 64 : i32
    %dma_start3A_62 = tpu.memref_slice %dma_start3A_60[%dma_start3A_61] : memref<10112xi32, #tpu.memory_space<vmem>> -> memref<32xi32, #tpu.memory_space<vmem>>
    %dma_start3A_63 = arith.constant 0 : i32
    %dma_start3A_64 = arith.constant 0 : i32
    %dma_start3A_65 = tpu.memref_slice %arg2[%dma_start3A_63, %dma_start3A_64] : memref<10000x128xf32, #tpu.memory_space<hbm>> -> memref<10000x128xf32, #tpu.memory_space<hbm>>
    tpu.enqueue_indirect_dma source(%dma_start3A_65 : memref<10000x128xf32, #tpu.memory_space<hbm>>) target(%arg10 : memref<32x128xf32, #tpu.memory_space<vmem>>) offsets(%dma_start3A_62 : memref<32xi32, #tpu.memory_space<vmem>>) semaphore(%arg19 : memref<!tpu.dma_semaphore, #tpu.memory_space<semaphore_mem>>)
    %dma_start3A_66 = arith.constant 0 : i32
    %dma_start3A_67 = arith.constant 0 : i32
    %dma_start3A_68 = tpu.memref_slice %arg7[%dma_start3A_66, %dma_start3A_67] : memref<2x10112xi32, #tpu.memory_space<vmem>> -> memref<1x10112xi32, #tpu.memory_space<vmem>>
    %dma_start3A_69 = tpu.memref_squeeze %dma_start3A_68 : memref<1x10112xi32, #tpu.memory_space<vmem>> -> memref<10112xi32, #tpu.memory_space<vmem>>
    %dma_start3A_70 = arith.constant 96 : i32
    %dma_start3A_71 = tpu.memref_slice %dma_start3A_69[%dma_start3A_70] : memref<10112xi32, #tpu.memory_space<vmem>> -> memref<32xi32, #tpu.memory_space<vmem>>
    %dma_start3A_72 = arith.constant 0 : i32
    %dma_start3A_73 = arith.constant 0 : i32
    %dma_start3A_74 = tpu.memref_slice %arg2[%dma_start3A_72, %dma_start3A_73] : memref<10000x128xf32, #tpu.memory_space<hbm>> -> memref<10000x128xf32, #tpu.memory_space<hbm>>
    tpu.enqueue_indirect_dma source(%dma_start3A_74 : memref<10000x128xf32, #tpu.memory_space<hbm>>) target(%arg11 : memref<32x128xf32, #tpu.memory_space<vmem>>) offsets(%dma_start3A_71 : memref<32xi32, #tpu.memory_space<vmem>>) semaphore(%arg20 : memref<!tpu.dma_semaphore, #tpu.memory_space<semaphore_mem>>)
    %add3A_75 = arith.constant 5 : i32
    %add3A_76 = arith.addi %add3A_29, %add3A_75 : i32
    %sub3A_77 = arith.constant 1 : i32
    %sub3A_78 = arith.subi %add3A_76, %sub3A_77 : i32
    %jit3A = arith.constant 5 : i32
    %div3A = arith.divsi %sub3A_78, %jit3A : i32
    %sign3A = arith.constant 0 : i32
    %sign3A_79 = arith.cmpi sgt, %sub3A_78, %sign3A : i32
    %sign3A_80 = arith.extui %sign3A_79 : i1 to i32
    %sign3A_81 = arith.constant 0 : i32
    %sign3A_82 = arith.cmpi slt, %sub3A_78, %sign3A_81 : i32
    %sign3A_83 = arith.extui %sign3A_82 : i1 to i32
    %sign3A_84 = arith.subi %sign3A_80, %sign3A_83 : i32
    %sign3A_85 = arith.constant 0 : i32
    %sign3A_86 = arith.cmpi sgt, %jit3A, %sign3A_85 : i32
    %sign3A_87 = arith.extui %sign3A_86 : i1 to i32
    %sign3A_88 = arith.constant 0 : i32
    %sign3A_89 = arith.cmpi slt, %jit3A, %sign3A_88 : i32
    %sign3A_90 = arith.extui %sign3A_89 : i1 to i32
    %sign3A_91 = arith.subi %sign3A_87, %sign3A_90 : i32
    %ne3A = arith.cmpi ne, %sign3A_84, %sign3A_91 : i32
    %rem3A = arith.remsi %sub3A_78, %jit3A : i32
    %ne3A_92 = arith.constant 0 : i32
    %ne3A_93 = arith.cmpi ne, %rem3A, %ne3A_92 : i32
    %and3A = arith.andi %ne3A, %ne3A_93 : i1
    %sub3A_94 = arith.constant 1 : i32
    %sub3A_95 = arith.subi %div3A, %sub3A_94 : i32
    %select_n3A = arith.select %and3A, %sub3A_95, %div3A : i32
    %while3A = arith.constant 0 : i32
    %while3A_96 = arith.constant 1 : i32
    %while3A_97 = arith.constant 0 : i32
    %while3A_98 = arith.constant 0 : i32
    %while3A_99 = arith.subi %select_n3A, %while3A_98 : i32
    %while3A_100 = arith.addi %while3A_98, %while3A_99 : i32
    %while3A_101 = arith.constant 1 : i32
    %while3A_102 = arith.divsi %while3A_99, %while3A_101 : i32
    %while3A_103 = arith.muli %while3A_102, %while3A_101 : i32
    %while3A_104 = arith.addi %while3A_98, %while3A_103 : i32
    %while3A_105 = arith.constant 1 : i32
    scf.for %while3A_274 = %while3A_98 to %while3A_104 step %while3A_105  : i32 {
      %mul3A_275 = arith.constant 5 : i32
      %mul3A_276 = arith.muli %while3A_274, %mul3A_275 : i32
      %add3A_277 = arith.constant 0 : i32
      %add3A_278 = arith.addi %mul3A_276, %add3A_277 : i32
      %ge3A_279 = arith.constant 1 : i32
      %ge3A_280 = arith.cmpi sge, %add3A_278, %ge3A_279 : i32
      %lt3A_281 = arith.cmpi slt, %add3A_278, %add3A_29 : i32
      %and3A_282 = arith.andi %ge3A_280, %lt3A_281 : i1
      %convert_element_type3A_283 = arith.extui %and3A_282 : i1 to i32
      %cond3A_284 = arith.constant 0 : i32
      %cond3A_285 = arith.cmpi ne, %convert_element_type3A_283, %cond3A_284 : i32
      scf.if %cond3A_285 {
        %dma_wait3A_390 = arith.constant 0 : i32
        %dma_wait3A_391 = tpu.memref_slice %arg7[%while3A_96, %dma_wait3A_390] : memref<2x10112xi32, #tpu.memory_space<vmem>> -> memref<1x10112xi32, #tpu.memory_space<vmem>>
        %dma_wait3A_392 = tpu.memref_squeeze %dma_wait3A_391 : memref<1x10112xi32, #tpu.memory_space<vmem>> -> memref<10112xi32, #tpu.memory_space<vmem>>
        %dma_wait3A_393 = arith.constant 0 : i32
        %dma_wait3A_394 = tpu.memref_slice %dma_wait3A_392[%dma_wait3A_393] : memref<10112xi32, #tpu.memory_space<vmem>> -> memref<32xi32, #tpu.memory_space<vmem>>
        %dma_wait3A_395 = arith.constant 0 : i32
        %dma_wait3A_396 = arith.constant 0 : i32
        %dma_wait3A_397 = tpu.memref_slice %arg15[%dma_wait3A_395, %dma_wait3A_396] : memref<10000x128xf32, #tpu.memory_space<vmem_shared>> -> memref<10000x128xf32, #tpu.memory_space<vmem_shared>>
        tpu.wait_indirect_dma semaphore(%arg26 : memref<!tpu.dma_semaphore, #tpu.memory_space<semaphore_mem>>) src(%arg12 : memref<32x128xf32, #tpu.memory_space<vmem>>) dst(%dma_wait3A_397 : memref<10000x128xf32, #tpu.memory_space<vmem_shared>>)
      } else {
      }
      %add3A_286 = arith.constant 5 : i32
      %add3A_287 = arith.addi %add3A_278, %add3A_286 : i32
      %sub3A_288 = arith.constant 1 : i32
      %sub3A_289 = arith.subi %add3A_287, %sub3A_288 : i32
      %lt3A_290 = arith.cmpi slt, %sub3A_289, %add3A_29 : i32
      %convert_element_type3A_291 = arith.extui %lt3A_290 : i1 to i32
      %cond3A_292 = arith.constant 0 : i32
      %cond3A_293 = arith.cmpi ne, %convert_element_type3A_291, %cond3A_292 : i32
      scf.if %cond3A_293 {
        %add3A_390 = arith.constant 5 : i32
        %add3A_391 = arith.addi %add3A_278, %add3A_390 : i32
        %sub3A_392 = arith.constant 1 : i32
        %sub3A_393 = arith.subi %add3A_391, %sub3A_392 : i32
        %mul3A_394 = arith.constant 32 : i32
        %mul3A_395 = arith.muli %sub3A_393, %mul3A_394 : i32
        %dma_start3A_396 = arith.constant 0 : i32
        %dma_start3A_397 = tpu.memref_slice %arg7[%while3A_97, %dma_start3A_396] : memref<2x10112xi32, #tpu.memory_space<vmem>> -> memref<1x10112xi32, #tpu.memory_space<vmem>>
        %dma_start3A_398 = tpu.memref_squeeze %dma_start3A_397 : memref<1x10112xi32, #tpu.memory_space<vmem>> -> memref<10112xi32, #tpu.memory_space<vmem>>
        %dma_start3A_399 = tpu.memref_slice %dma_start3A_398[%mul3A_395] : memref<10112xi32, #tpu.memory_space<vmem>> -> memref<32xi32, #tpu.memory_space<vmem>>
        %dma_start3A_400 = arith.constant 0 : i32
        %dma_start3A_401 = arith.constant 0 : i32
        %dma_start3A_402 = tpu.memref_slice %arg2[%dma_start3A_400, %dma_start3A_401] : memref<10000x128xf32, #tpu.memory_space<hbm>> -> memref<10000x128xf32, #tpu.memory_space<hbm>>
        tpu.enqueue_indirect_dma source(%dma_start3A_402 : memref<10000x128xf32, #tpu.memory_space<hbm>>) target(%arg12 : memref<32x128xf32, #tpu.memory_space<vmem>>) offsets(%dma_start3A_399 : memref<32xi32, #tpu.memory_space<vmem>>) semaphore(%arg21 : memref<!tpu.dma_semaphore, #tpu.memory_space<semaphore_mem>>)
      } else {
      }
      %lt3A_294 = arith.cmpi slt, %add3A_278, %add3A_29 : i32
      %convert_element_type3A_295 = arith.extui %lt3A_294 : i1 to i32
      %cond3A_296 = arith.constant 0 : i32
      %cond3A_297 = arith.cmpi ne, %convert_element_type3A_295, %cond3A_296 : i32
      scf.if %cond3A_297 {
        %dma_wait3A_390 = arith.constant 0 : i32
        %dma_wait3A_391 = tpu.memref_slice %arg7[%while3A_97, %dma_wait3A_390] : memref<2x10112xi32, #tpu.memory_space<vmem>> -> memref<1x10112xi32, #tpu.memory_space<vmem>>
        %dma_wait3A_392 = tpu.memref_squeeze %dma_wait3A_391 : memref<1x10112xi32, #tpu.memory_space<vmem>> -> memref<10112xi32, #tpu.memory_space<vmem>>
        %dma_wait3A_393 = arith.constant 0 : i32
        %dma_wait3A_394 = tpu.memref_slice %dma_wait3A_392[%dma_wait3A_393] : memref<10112xi32, #tpu.memory_space<vmem>> -> memref<32xi32, #tpu.memory_space<vmem>>
        %dma_wait3A_395 = arith.constant 0 : i32
        %dma_wait3A_396 = arith.constant 0 : i32
        %dma_wait3A_397 = tpu.memref_slice %arg2[%dma_wait3A_395, %dma_wait3A_396] : memref<10000x128xf32, #tpu.memory_space<hbm>> -> memref<10000x128xf32, #tpu.memory_space<hbm>>
        tpu.wait_indirect_dma semaphore(%arg17 : memref<!tpu.dma_semaphore, #tpu.memory_space<semaphore_mem>>) src(%dma_wait3A_397 : memref<10000x128xf32, #tpu.memory_space<hbm>>) dst(%arg8 : memref<32x128xf32, #tpu.memory_space<vmem>>)
        %ge3A_398 = arith.constant 4 : i32
        %ge3A_399 = arith.cmpi sge, %add3A_278, %ge3A_398 : i32
        %convert_element_type3A_400 = arith.extui %ge3A_399 : i1 to i32
        %cond3A_401 = arith.constant 0 : i32
        %cond3A_402 = arith.cmpi ne, %convert_element_type3A_400, %cond3A_401 : i32
        scf.if %cond3A_402 {
          %dma_wait3A_420 = arith.constant 0 : i32
          %dma_wait3A_421 = tpu.memref_slice %arg7[%while3A_96, %dma_wait3A_420] : memref<2x10112xi32, #tpu.memory_space<vmem>> -> memref<1x10112xi32, #tpu.memory_space<vmem>>
          %dma_wait3A_422 = tpu.memref_squeeze %dma_wait3A_421 : memref<1x10112xi32, #tpu.memory_space<vmem>> -> memref<10112xi32, #tpu.memory_space<vmem>>
          %dma_wait3A_423 = arith.constant 0 : i32
          %dma_wait3A_424 = tpu.memref_slice %dma_wait3A_422[%dma_wait3A_423] : memref<10112xi32, #tpu.memory_space<vmem>> -> memref<32xi32, #tpu.memory_space<vmem>>
          %dma_wait3A_425 = arith.constant 0 : i32
          %dma_wait3A_426 = tpu.memref_slice %arg16[%dma_wait3A_425] : memref<10000xf32, #tpu.memory_space<vmem_shared>> -> memref<10000xf32, #tpu.memory_space<vmem_shared>>
          tpu.wait_indirect_dma semaphore(%arg27 : memref<!tpu.dma_semaphore, #tpu.memory_space<semaphore_mem>>) src(%arg13 : memref<32xf32, #tpu.memory_space<vmem>>) dst(%dma_wait3A_426 : memref<10000xf32, #tpu.memory_space<vmem_shared>>)
        } else {
        }
        %mul3A_403 = arith.constant 32 : i32
        %mul3A_404 = arith.muli %add3A_278, %mul3A_403 : i32
        %dma_start3A_405 = arith.constant 0 : i32
        %dma_start3A_406 = tpu.memref_slice %arg7[%while3A_96, %dma_start3A_405] : memref<2x10112xi32, #tpu.memory_space<vmem>> -> memref<1x10112xi32, #tpu.memory_space<vmem>>
        %dma_start3A_407 = tpu.memref_squeeze %dma_start3A_406 : memref<1x10112xi32, #tpu.memory_space<vmem>> -> memref<10112xi32, #tpu.memory_space<vmem>>
        %dma_start3A_408 = tpu.memref_slice %dma_start3A_407[%mul3A_404] : memref<10112xi32, #tpu.memory_space<vmem>> -> memref<32xi32, #tpu.memory_space<vmem>>
        %dma_start3A_409 = arith.constant 0 : i32
        %dma_start3A_410 = tpu.memref_slice %arg16[%dma_start3A_409] : memref<10000xf32, #tpu.memory_space<vmem_shared>> -> memref<10000xf32, #tpu.memory_space<vmem_shared>>
        tpu.enqueue_indirect_dma source(%arg13 : memref<32xf32, #tpu.memory_space<vmem>>) target(%dma_start3A_410 : memref<10000xf32, #tpu.memory_space<vmem_shared>>) offsets(%dma_start3A_408 : memref<32xi32, #tpu.memory_space<vmem>>) semaphore(%arg27 : memref<!tpu.dma_semaphore, #tpu.memory_space<semaphore_mem>>) {add = true}
        %mul3A_411 = arith.constant 32 : i32
        %mul3A_412 = arith.muli %add3A_278, %mul3A_411 : i32
        %dma_start3A_413 = arith.constant 0 : i32
        %dma_start3A_414 = tpu.memref_slice %arg7[%while3A_96, %dma_start3A_413] : memref<2x10112xi32, #tpu.memory_space<vmem>> -> memref<1x10112xi32, #tpu.memory_space<vmem>>
        %dma_start3A_415 = tpu.memref_squeeze %dma_start3A_414 : memref<1x10112xi32, #tpu.memory_space<vmem>> -> memref<10112xi32, #tpu.memory_space<vmem>>
        %dma_start3A_416 = tpu.memref_slice %dma_start3A_415[%mul3A_412] : memref<10112xi32, #tpu.memory_space<vmem>> -> memref<32xi32, #tpu.memory_space<vmem>>
        %dma_start3A_417 = arith.constant 0 : i32
        %dma_start3A_418 = arith.constant 0 : i32
        %dma_start3A_419 = tpu.memref_slice %arg15[%dma_start3A_417, %dma_start3A_418] : memref<10000x128xf32, #tpu.memory_space<vmem_shared>> -> memref<10000x128xf32, #tpu.memory_space<vmem_shared>>
        tpu.enqueue_indirect_dma source(%arg8 : memref<32x128xf32, #tpu.memory_space<vmem>>) target(%dma_start3A_419 : memref<10000x128xf32, #tpu.memory_space<vmem_shared>>) offsets(%dma_start3A_416 : memref<32xi32, #tpu.memory_space<vmem>>) semaphore(%arg22 : memref<!tpu.dma_semaphore, #tpu.memory_space<semaphore_mem>>) {add = true}
      } else {
      }
      %mul3A_298 = arith.constant 5 : i32
      %mul3A_299 = arith.muli %while3A_274, %mul3A_298 : i32
      %add3A_300 = arith.constant 1 : i32
      %add3A_301 = arith.addi %mul3A_299, %add3A_300 : i32
      %ge3A_302 = arith.constant 1 : i32
      %ge3A_303 = arith.cmpi sge, %add3A_301, %ge3A_302 : i32
      %lt3A_304 = arith.cmpi slt, %add3A_301, %add3A_29 : i32
      %and3A_305 = arith.andi %ge3A_303, %lt3A_304 : i1
      %convert_element_type3A_306 = arith.extui %and3A_305 : i1 to i32
      %cond3A_307 = arith.constant 0 : i32
      %cond3A_308 = arith.cmpi ne, %convert_element_type3A_306, %cond3A_307 : i32
      scf.if %cond3A_308 {
        %dma_wait3A_390 = arith.constant 0 : i32
        %dma_wait3A_391 = tpu.memref_slice %arg7[%while3A_96, %dma_wait3A_390] : memref<2x10112xi32, #tpu.memory_space<vmem>> -> memref<1x10112xi32, #tpu.memory_space<vmem>>
        %dma_wait3A_392 = tpu.memref_squeeze %dma_wait3A_391 : memref<1x10112xi32, #tpu.memory_space<vmem>> -> memref<10112xi32, #tpu.memory_space<vmem>>
        %dma_wait3A_393 = arith.constant 0 : i32
        %dma_wait3A_394 = tpu.memref_slice %dma_wait3A_392[%dma_wait3A_393] : memref<10112xi32, #tpu.memory_space<vmem>> -> memref<32xi32, #tpu.memory_space<vmem>>
        %dma_wait3A_395 = arith.constant 0 : i32
        %dma_wait3A_396 = arith.constant 0 : i32
        %dma_wait3A_397 = tpu.memref_slice %arg15[%dma_wait3A_395, %dma_wait3A_396] : memref<10000x128xf32, #tpu.memory_space<vmem_shared>> -> memref<10000x128xf32, #tpu.memory_space<vmem_shared>>
        tpu.wait_indirect_dma semaphore(%arg22 : memref<!tpu.dma_semaphore, #tpu.memory_space<semaphore_mem>>) src(%arg8 : memref<32x128xf32, #tpu.memory_space<vmem>>) dst(%dma_wait3A_397 : memref<10000x128xf32, #tpu.memory_space<vmem_shared>>)
      } else {
      }
      %add3A_309 = arith.constant 5 : i32
      %add3A_310 = arith.addi %add3A_301, %add3A_309 : i32
      %sub3A_311 = arith.constant 1 : i32
      %sub3A_312 = arith.subi %add3A_310, %sub3A_311 : i32
      %lt3A_313 = arith.cmpi slt, %sub3A_312, %add3A_29 : i32
      %convert_element_type3A_314 = arith.extui %lt3A_313 : i1 to i32
      %cond3A_315 = arith.constant 0 : i32
      %cond3A_316 = arith.cmpi ne, %convert_element_type3A_314, %cond3A_315 : i32
      scf.if %cond3A_316 {
        %add3A_390 = arith.constant 5 : i32
        %add3A_391 = arith.addi %add3A_301, %add3A_390 : i32
        %sub3A_392 = arith.constant 1 : i32
        %sub3A_393 = arith.subi %add3A_391, %sub3A_392 : i32
        %mul3A_394 = arith.constant 32 : i32
        %mul3A_395 = arith.muli %sub3A_393, %mul3A_394 : i32
        %dma_start3A_396 = arith.constant 0 : i32
        %dma_start3A_397 = tpu.memref_slice %arg7[%while3A_97, %dma_start3A_396] : memref<2x10112xi32, #tpu.memory_space<vmem>> -> memref<1x10112xi32, #tpu.memory_space<vmem>>
        %dma_start3A_398 = tpu.memref_squeeze %dma_start3A_397 : memref<1x10112xi32, #tpu.memory_space<vmem>> -> memref<10112xi32, #tpu.memory_space<vmem>>
        %dma_start3A_399 = tpu.memref_slice %dma_start3A_398[%mul3A_395] : memref<10112xi32, #tpu.memory_space<vmem>> -> memref<32xi32, #tpu.memory_space<vmem>>
        %dma_start3A_400 = arith.constant 0 : i32
        %dma_start3A_401 = arith.constant 0 : i32
        %dma_start3A_402 = tpu.memref_slice %arg2[%dma_start3A_400, %dma_start3A_401] : memref<10000x128xf32, #tpu.memory_space<hbm>> -> memref<10000x128xf32, #tpu.memory_space<hbm>>
        tpu.enqueue_indirect_dma source(%dma_start3A_402 : memref<10000x128xf32, #tpu.memory_space<hbm>>) target(%arg8 : memref<32x128xf32, #tpu.memory_space<vmem>>) offsets(%dma_start3A_399 : memref<32xi32, #tpu.memory_space<vmem>>) semaphore(%arg17 : memref<!tpu.dma_semaphore, #tpu.memory_space<semaphore_mem>>)
      } else {
      }
      %lt3A_317 = arith.cmpi slt, %add3A_301, %add3A_29 : i32
      %convert_element_type3A_318 = arith.extui %lt3A_317 : i1 to i32
      %cond3A_319 = arith.constant 0 : i32
      %cond3A_320 = arith.cmpi ne, %convert_element_type3A_318, %cond3A_319 : i32
      scf.if %cond3A_320 {
        %dma_wait3A_390 = arith.constant 0 : i32
        %dma_wait3A_391 = tpu.memref_slice %arg7[%while3A_97, %dma_wait3A_390] : memref<2x10112xi32, #tpu.memory_space<vmem>> -> memref<1x10112xi32, #tpu.memory_space<vmem>>
        %dma_wait3A_392 = tpu.memref_squeeze %dma_wait3A_391 : memref<1x10112xi32, #tpu.memory_space<vmem>> -> memref<10112xi32, #tpu.memory_space<vmem>>
        %dma_wait3A_393 = arith.constant 0 : i32
        %dma_wait3A_394 = tpu.memref_slice %dma_wait3A_392[%dma_wait3A_393] : memref<10112xi32, #tpu.memory_space<vmem>> -> memref<32xi32, #tpu.memory_space<vmem>>
        %dma_wait3A_395 = arith.constant 0 : i32
        %dma_wait3A_396 = arith.constant 0 : i32
        %dma_wait3A_397 = tpu.memref_slice %arg2[%dma_wait3A_395, %dma_wait3A_396] : memref<10000x128xf32, #tpu.memory_space<hbm>> -> memref<10000x128xf32, #tpu.memory_space<hbm>>
        tpu.wait_indirect_dma semaphore(%arg18 : memref<!tpu.dma_semaphore, #tpu.memory_space<semaphore_mem>>) src(%dma_wait3A_397 : memref<10000x128xf32, #tpu.memory_space<hbm>>) dst(%arg9 : memref<32x128xf32, #tpu.memory_space<vmem>>)
        %ge3A_398 = arith.constant 4 : i32
        %ge3A_399 = arith.cmpi sge, %add3A_301, %ge3A_398 : i32
        %convert_element_type3A_400 = arith.extui %ge3A_399 : i1 to i32
        %cond3A_401 = arith.constant 0 : i32
        %cond3A_402 = arith.cmpi ne, %convert_element_type3A_400, %cond3A_401 : i32
        scf.if %cond3A_402 {
          %dma_wait3A_420 = arith.constant 0 : i32
          %dma_wait3A_421 = tpu.memref_slice %arg7[%while3A_96, %dma_wait3A_420] : memref<2x10112xi32, #tpu.memory_space<vmem>> -> memref<1x10112xi32, #tpu.memory_space<vmem>>
          %dma_wait3A_422 = tpu.memref_squeeze %dma_wait3A_421 : memref<1x10112xi32, #tpu.memory_space<vmem>> -> memref<10112xi32, #tpu.memory_space<vmem>>
          %dma_wait3A_423 = arith.constant 0 : i32
          %dma_wait3A_424 = tpu.memref_slice %dma_wait3A_422[%dma_wait3A_423] : memref<10112xi32, #tpu.memory_space<vmem>> -> memref<32xi32, #tpu.memory_space<vmem>>
          %dma_wait3A_425 = arith.constant 0 : i32
          %dma_wait3A_426 = tpu.memref_slice %arg16[%dma_wait3A_425] : memref<10000xf32, #tpu.memory_space<vmem_shared>> -> memref<10000xf32, #tpu.memory_space<vmem_shared>>
          tpu.wait_indirect_dma semaphore(%arg27 : memref<!tpu.dma_semaphore, #tpu.memory_space<semaphore_mem>>) src(%arg13 : memref<32xf32, #tpu.memory_space<vmem>>) dst(%dma_wait3A_426 : memref<10000xf32, #tpu.memory_space<vmem_shared>>)
        } else {
        }
        %mul3A_403 = arith.constant 32 : i32
        %mul3A_404 = arith.muli %add3A_301, %mul3A_403 : i32
        %dma_start3A_405 = arith.constant 0 : i32
        %dma_start3A_406 = tpu.memref_slice %arg7[%while3A_96, %dma_start3A_405] : memref<2x10112xi32, #tpu.memory_space<vmem>> -> memref<1x10112xi32, #tpu.memory_space<vmem>>
        %dma_start3A_407 = tpu.memref_squeeze %dma_start3A_406 : memref<1x10112xi32, #tpu.memory_space<vmem>> -> memref<10112xi32, #tpu.memory_space<vmem>>
        %dma_start3A_408 = tpu.memref_slice %dma_start3A_407[%mul3A_404] : memref<10112xi32, #tpu.memory_space<vmem>> -> memref<32xi32, #tpu.memory_space<vmem>>
        %dma_start3A_409 = arith.constant 0 : i32
        %dma_start3A_410 = tpu.memref_slice %arg16[%dma_start3A_409] : memref<10000xf32, #tpu.memory_space<vmem_shared>> -> memref<10000xf32, #tpu.memory_space<vmem_shared>>
        tpu.enqueue_indirect_dma source(%arg13 : memref<32xf32, #tpu.memory_space<vmem>>) target(%dma_start3A_410 : memref<10000xf32, #tpu.memory_space<vmem_shared>>) offsets(%dma_start3A_408 : memref<32xi32, #tpu.memory_space<vmem>>) semaphore(%arg27 : memref<!tpu.dma_semaphore, #tpu.memory_space<semaphore_mem>>) {add = true}
        %mul3A_411 = arith.constant 32 : i32
        %mul3A_412 = arith.muli %add3A_301, %mul3A_411 : i32
        %dma_start3A_413 = arith.constant 0 : i32
        %dma_start3A_414 = tpu.memref_slice %arg7[%while3A_96, %dma_start3A_413] : memref<2x10112xi32, #tpu.memory_space<vmem>> -> memref<1x10112xi32, #tpu.memory_space<vmem>>
        %dma_start3A_415 = tpu.memref_squeeze %dma_start3A_414 : memref<1x10112xi32, #tpu.memory_space<vmem>> -> memref<10112xi32, #tpu.memory_space<vmem>>
        %dma_start3A_416 = tpu.memref_slice %dma_start3A_415[%mul3A_412] : memref<10112xi32, #tpu.memory_space<vmem>> -> memref<32xi32, #tpu.memory_space<vmem>>
        %dma_start3A_417 = arith.constant 0 : i32
        %dma_start3A_418 = arith.constant 0 : i32
        %dma_start3A_419 = tpu.memref_slice %arg15[%dma_start3A_417, %dma_start3A_418] : memref<10000x128xf32, #tpu.memory_space<vmem_shared>> -> memref<10000x128xf32, #tpu.memory_space<vmem_shared>>
        tpu.enqueue_indirect_dma source(%arg9 : memref<32x128xf32, #tpu.memory_space<vmem>>) target(%dma_start3A_419 : memref<10000x128xf32, #tpu.memory_space<vmem_shared>>) offsets(%dma_start3A_416 : memref<32xi32, #tpu.memory_space<vmem>>) semaphore(%arg23 : memref<!tpu.dma_semaphore, #tpu.memory_space<semaphore_mem>>) {add = true}
      } else {
      }
      %mul3A_321 = arith.constant 5 : i32
      %mul3A_322 = arith.muli %while3A_274, %mul3A_321 : i32
      %add3A_323 = arith.constant 2 : i32
      %add3A_324 = arith.addi %mul3A_322, %add3A_323 : i32
      %ge3A_325 = arith.constant 1 : i32
      %ge3A_326 = arith.cmpi sge, %add3A_324, %ge3A_325 : i32
      %lt3A_327 = arith.cmpi slt, %add3A_324, %add3A_29 : i32
      %and3A_328 = arith.andi %ge3A_326, %lt3A_327 : i1
      %convert_element_type3A_329 = arith.extui %and3A_328 : i1 to i32
      %cond3A_330 = arith.constant 0 : i32
      %cond3A_331 = arith.cmpi ne, %convert_element_type3A_329, %cond3A_330 : i32
      scf.if %cond3A_331 {
        %dma_wait3A_390 = arith.constant 0 : i32
        %dma_wait3A_391 = tpu.memref_slice %arg7[%while3A_96, %dma_wait3A_390] : memref<2x10112xi32, #tpu.memory_space<vmem>> -> memref<1x10112xi32, #tpu.memory_space<vmem>>
        %dma_wait3A_392 = tpu.memref_squeeze %dma_wait3A_391 : memref<1x10112xi32, #tpu.memory_space<vmem>> -> memref<10112xi32, #tpu.memory_space<vmem>>
        %dma_wait3A_393 = arith.constant 0 : i32
        %dma_wait3A_394 = tpu.memref_slice %dma_wait3A_392[%dma_wait3A_393] : memref<10112xi32, #tpu.memory_space<vmem>> -> memref<32xi32, #tpu.memory_space<vmem>>
        %dma_wait3A_395 = arith.constant 0 : i32
        %dma_wait3A_396 = arith.constant 0 : i32
        %dma_wait3A_397 = tpu.memref_slice %arg15[%dma_wait3A_395, %dma_wait3A_396] : memref<10000x128xf32, #tpu.memory_space<vmem_shared>> -> memref<10000x128xf32, #tpu.memory_space<vmem_shared>>
        tpu.wait_indirect_dma semaphore(%arg23 : memref<!tpu.dma_semaphore, #tpu.memory_space<semaphore_mem>>) src(%arg9 : memref<32x128xf32, #tpu.memory_space<vmem>>) dst(%dma_wait3A_397 : memref<10000x128xf32, #tpu.memory_space<vmem_shared>>)
      } else {
      }
      %add3A_332 = arith.constant 5 : i32
      %add3A_333 = arith.addi %add3A_324, %add3A_332 : i32
      %sub3A_334 = arith.constant 1 : i32
      %sub3A_335 = arith.subi %add3A_333, %sub3A_334 : i32
      %lt3A_336 = arith.cmpi slt, %sub3A_335, %add3A_29 : i32
      %convert_element_type3A_337 = arith.extui %lt3A_336 : i1 to i32
      %cond3A_338 = arith.constant 0 : i32
      %cond3A_339 = arith.cmpi ne, %convert_element_type3A_337, %cond3A_338 : i32
      scf.if %cond3A_339 {
        %add3A_390 = arith.constant 5 : i32
        %add3A_391 = arith.addi %add3A_324, %add3A_390 : i32
        %sub3A_392 = arith.constant 1 : i32
        %sub3A_393 = arith.subi %add3A_391, %sub3A_392 : i32
        %mul3A_394 = arith.constant 32 : i32
        %mul3A_395 = arith.muli %sub3A_393, %mul3A_394 : i32
        %dma_start3A_396 = arith.constant 0 : i32
        %dma_start3A_397 = tpu.memref_slice %arg7[%while3A_97, %dma_start3A_396] : memref<2x10112xi32, #tpu.memory_space<vmem>> -> memref<1x10112xi32, #tpu.memory_space<vmem>>
        %dma_start3A_398 = tpu.memref_squeeze %dma_start3A_397 : memref<1x10112xi32, #tpu.memory_space<vmem>> -> memref<10112xi32, #tpu.memory_space<vmem>>
        %dma_start3A_399 = tpu.memref_slice %dma_start3A_398[%mul3A_395] : memref<10112xi32, #tpu.memory_space<vmem>> -> memref<32xi32, #tpu.memory_space<vmem>>
        %dma_start3A_400 = arith.constant 0 : i32
        %dma_start3A_401 = arith.constant 0 : i32
        %dma_start3A_402 = tpu.memref_slice %arg2[%dma_start3A_400, %dma_start3A_401] : memref<10000x128xf32, #tpu.memory_space<hbm>> -> memref<10000x128xf32, #tpu.memory_space<hbm>>
        tpu.enqueue_indirect_dma source(%dma_start3A_402 : memref<10000x128xf32, #tpu.memory_space<hbm>>) target(%arg9 : memref<32x128xf32, #tpu.memory_space<vmem>>) offsets(%dma_start3A_399 : memref<32xi32, #tpu.memory_space<vmem>>) semaphore(%arg18 : memref<!tpu.dma_semaphore, #tpu.memory_space<semaphore_mem>>)
      } else {
      }
      %lt3A_340 = arith.cmpi slt, %add3A_324, %add3A_29 : i32
      %convert_element_type3A_341 = arith.extui %lt3A_340 : i1 to i32
      %cond3A_342 = arith.constant 0 : i32
      %cond3A_343 = arith.cmpi ne, %convert_element_type3A_341, %cond3A_342 : i32
      scf.if %cond3A_343 {
        %dma_wait3A_390 = arith.constant 0 : i32
        %dma_wait3A_391 = tpu.memref_slice %arg7[%while3A_97, %dma_wait3A_390] : memref<2x10112xi32, #tpu.memory_space<vmem>> -> memref<1x10112xi32, #tpu.memory_space<vmem>>
        %dma_wait3A_392 = tpu.memref_squeeze %dma_wait3A_391 : memref<1x10112xi32, #tpu.memory_space<vmem>> -> memref<10112xi32, #tpu.memory_space<vmem>>
        %dma_wait3A_393 = arith.constant 0 : i32
        %dma_wait3A_394 = tpu.memref_slice %dma_wait3A_392[%dma_wait3A_393] : memref<10112xi32, #tpu.memory_space<vmem>> -> memref<32xi32, #tpu.memory_space<vmem>>
        %dma_wait3A_395 = arith.constant 0 : i32
        %dma_wait3A_396 = arith.constant 0 : i32
        %dma_wait3A_397 = tpu.memref_slice %arg2[%dma_wait3A_395, %dma_wait3A_396] : memref<10000x128xf32, #tpu.memory_space<hbm>> -> memref<10000x128xf32, #tpu.memory_space<hbm>>
        tpu.wait_indirect_dma semaphore(%arg19 : memref<!tpu.dma_semaphore, #tpu.memory_space<semaphore_mem>>) src(%dma_wait3A_397 : memref<10000x128xf32, #tpu.memory_space<hbm>>) dst(%arg10 : memref<32x128xf32, #tpu.memory_space<vmem>>)
        %ge3A_398 = arith.constant 4 : i32
        %ge3A_399 = arith.cmpi sge, %add3A_324, %ge3A_398 : i32
        %convert_element_type3A_400 = arith.extui %ge3A_399 : i1 to i32
        %cond3A_401 = arith.constant 0 : i32
        %cond3A_402 = arith.cmpi ne, %convert_element_type3A_400, %cond3A_401 : i32
        scf.if %cond3A_402 {
          %dma_wait3A_420 = arith.constant 0 : i32
          %dma_wait3A_421 = tpu.memref_slice %arg7[%while3A_96, %dma_wait3A_420] : memref<2x10112xi32, #tpu.memory_space<vmem>> -> memref<1x10112xi32, #tpu.memory_space<vmem>>
          %dma_wait3A_422 = tpu.memref_squeeze %dma_wait3A_421 : memref<1x10112xi32, #tpu.memory_space<vmem>> -> memref<10112xi32, #tpu.memory_space<vmem>>
          %dma_wait3A_423 = arith.constant 0 : i32
          %dma_wait3A_424 = tpu.memref_slice %dma_wait3A_422[%dma_wait3A_423] : memref<10112xi32, #tpu.memory_space<vmem>> -> memref<32xi32, #tpu.memory_space<vmem>>
          %dma_wait3A_425 = arith.constant 0 : i32
          %dma_wait3A_426 = tpu.memref_slice %arg16[%dma_wait3A_425] : memref<10000xf32, #tpu.memory_space<vmem_shared>> -> memref<10000xf32, #tpu.memory_space<vmem_shared>>
          tpu.wait_indirect_dma semaphore(%arg27 : memref<!tpu.dma_semaphore, #tpu.memory_space<semaphore_mem>>) src(%arg13 : memref<32xf32, #tpu.memory_space<vmem>>) dst(%dma_wait3A_426 : memref<10000xf32, #tpu.memory_space<vmem_shared>>)
        } else {
        }
        %mul3A_403 = arith.constant 32 : i32
        %mul3A_404 = arith.muli %add3A_324, %mul3A_403 : i32
        %dma_start3A_405 = arith.constant 0 : i32
        %dma_start3A_406 = tpu.memref_slice %arg7[%while3A_96, %dma_start3A_405] : memref<2x10112xi32, #tpu.memory_space<vmem>> -> memref<1x10112xi32, #tpu.memory_space<vmem>>
        %dma_start3A_407 = tpu.memref_squeeze %dma_start3A_406 : memref<1x10112xi32, #tpu.memory_space<vmem>> -> memref<10112xi32, #tpu.memory_space<vmem>>
        %dma_start3A_408 = tpu.memref_slice %dma_start3A_407[%mul3A_404] : memref<10112xi32, #tpu.memory_space<vmem>> -> memref<32xi32, #tpu.memory_space<vmem>>
        %dma_start3A_409 = arith.constant 0 : i32
        %dma_start3A_410 = tpu.memref_slice %arg16[%dma_start3A_409] : memref<10000xf32, #tpu.memory_space<vmem_shared>> -> memref<10000xf32, #tpu.memory_space<vmem_shared>>
        tpu.enqueue_indirect_dma source(%arg13 : memref<32xf32, #tpu.memory_space<vmem>>) target(%dma_start3A_410 : memref<10000xf32, #tpu.memory_space<vmem_shared>>) offsets(%dma_start3A_408 : memref<32xi32, #tpu.memory_space<vmem>>) semaphore(%arg27 : memref<!tpu.dma_semaphore, #tpu.memory_space<semaphore_mem>>) {add = true}
        %mul3A_411 = arith.constant 32 : i32
        %mul3A_412 = arith.muli %add3A_324, %mul3A_411 : i32
        %dma_start3A_413 = arith.constant 0 : i32
        %dma_start3A_414 = tpu.memref_slice %arg7[%while3A_96, %dma_start3A_413] : memref<2x10112xi32, #tpu.memory_space<vmem>> -> memref<1x10112xi32, #tpu.memory_space<vmem>>
        %dma_start3A_415 = tpu.memref_squeeze %dma_start3A_414 : memref<1x10112xi32, #tpu.memory_space<vmem>> -> memref<10112xi32, #tpu.memory_space<vmem>>
        %dma_start3A_416 = tpu.memref_slice %dma_start3A_415[%mul3A_412] : memref<10112xi32, #tpu.memory_space<vmem>> -> memref<32xi32, #tpu.memory_space<vmem>>
        %dma_start3A_417 = arith.constant 0 : i32
        %dma_start3A_418 = arith.constant 0 : i32
        %dma_start3A_419 = tpu.memref_slice %arg15[%dma_start3A_417, %dma_start3A_418] : memref<10000x128xf32, #tpu.memory_space<vmem_shared>> -> memref<10000x128xf32, #tpu.memory_space<vmem_shared>>
        tpu.enqueue_indirect_dma source(%arg10 : memref<32x128xf32, #tpu.memory_space<vmem>>) target(%dma_start3A_419 : memref<10000x128xf32, #tpu.memory_space<vmem_shared>>) offsets(%dma_start3A_416 : memref<32xi32, #tpu.memory_space<vmem>>) semaphore(%arg24 : memref<!tpu.dma_semaphore, #tpu.memory_space<semaphore_mem>>) {add = true}
      } else {
      }
      %mul3A_344 = arith.constant 5 : i32
      %mul3A_345 = arith.muli %while3A_274, %mul3A_344 : i32
      %add3A_346 = arith.constant 3 : i32
      %add3A_347 = arith.addi %mul3A_345, %add3A_346 : i32
      %ge3A_348 = arith.constant 1 : i32
      %ge3A_349 = arith.cmpi sge, %add3A_347, %ge3A_348 : i32
      %lt3A_350 = arith.cmpi slt, %add3A_347, %add3A_29 : i32
      %and3A_351 = arith.andi %ge3A_349, %lt3A_350 : i1
      %convert_element_type3A_352 = arith.extui %and3A_351 : i1 to i32
      %cond3A_353 = arith.constant 0 : i32
      %cond3A_354 = arith.cmpi ne, %convert_element_type3A_352, %cond3A_353 : i32
      scf.if %cond3A_354 {
        %dma_wait3A_390 = arith.constant 0 : i32
        %dma_wait3A_391 = tpu.memref_slice %arg7[%while3A_96, %dma_wait3A_390] : memref<2x10112xi32, #tpu.memory_space<vmem>> -> memref<1x10112xi32, #tpu.memory_space<vmem>>
        %dma_wait3A_392 = tpu.memref_squeeze %dma_wait3A_391 : memref<1x10112xi32, #tpu.memory_space<vmem>> -> memref<10112xi32, #tpu.memory_space<vmem>>
        %dma_wait3A_393 = arith.constant 0 : i32
        %dma_wait3A_394 = tpu.memref_slice %dma_wait3A_392[%dma_wait3A_393] : memref<10112xi32, #tpu.memory_space<vmem>> -> memref<32xi32, #tpu.memory_space<vmem>>
        %dma_wait3A_395 = arith.constant 0 : i32
        %dma_wait3A_396 = arith.constant 0 : i32
        %dma_wait3A_397 = tpu.memref_slice %arg15[%dma_wait3A_395, %dma_wait3A_396] : memref<10000x128xf32, #tpu.memory_space<vmem_shared>> -> memref<10000x128xf32, #tpu.memory_space<vmem_shared>>
        tpu.wait_indirect_dma semaphore(%arg24 : memref<!tpu.dma_semaphore, #tpu.memory_space<semaphore_mem>>) src(%arg10 : memref<32x128xf32, #tpu.memory_space<vmem>>) dst(%dma_wait3A_397 : memref<10000x128xf32, #tpu.memory_space<vmem_shared>>)
      } else {
      }
      %add3A_355 = arith.constant 5 : i32
      %add3A_356 = arith.addi %add3A_347, %add3A_355 : i32
      %sub3A_357 = arith.constant 1 : i32
      %sub3A_358 = arith.subi %add3A_356, %sub3A_357 : i32
      %lt3A_359 = arith.cmpi slt, %sub3A_358, %add3A_29 : i32
      %convert_element_type3A_360 = arith.extui %lt3A_359 : i1 to i32
      %cond3A_361 = arith.constant 0 : i32
      %cond3A_362 = arith.cmpi ne, %convert_element_type3A_360, %cond3A_361 : i32
      scf.if %cond3A_362 {
        %add3A_390 = arith.constant 5 : i32
        %add3A_391 = arith.addi %add3A_347, %add3A_390 : i32
        %sub3A_392 = arith.constant 1 : i32
        %sub3A_393 = arith.subi %add3A_391, %sub3A_392 : i32
        %mul3A_394 = arith.constant 32 : i32
        %mul3A_395 = arith.muli %sub3A_393, %mul3A_394 : i32
        %dma_start3A_396 = arith.constant 0 : i32
        %dma_start3A_397 = tpu.memref_slice %arg7[%while3A_97, %dma_start3A_396] : memref<2x10112xi32, #tpu.memory_space<vmem>> -> memref<1x10112xi32, #tpu.memory_space<vmem>>
        %dma_start3A_398 = tpu.memref_squeeze %dma_start3A_397 : memref<1x10112xi32, #tpu.memory_space<vmem>> -> memref<10112xi32, #tpu.memory_space<vmem>>
        %dma_start3A_399 = tpu.memref_slice %dma_start3A_398[%mul3A_395] : memref<10112xi32, #tpu.memory_space<vmem>> -> memref<32xi32, #tpu.memory_space<vmem>>
        %dma_start3A_400 = arith.constant 0 : i32
        %dma_start3A_401 = arith.constant 0 : i32
        %dma_start3A_402 = tpu.memref_slice %arg2[%dma_start3A_400, %dma_start3A_401] : memref<10000x128xf32, #tpu.memory_space<hbm>> -> memref<10000x128xf32, #tpu.memory_space<hbm>>
        tpu.enqueue_indirect_dma source(%dma_start3A_402 : memref<10000x128xf32, #tpu.memory_space<hbm>>) target(%arg10 : memref<32x128xf32, #tpu.memory_space<vmem>>) offsets(%dma_start3A_399 : memref<32xi32, #tpu.memory_space<vmem>>) semaphore(%arg19 : memref<!tpu.dma_semaphore, #tpu.memory_space<semaphore_mem>>)
      } else {
      }
      %lt3A_363 = arith.cmpi slt, %add3A_347, %add3A_29 : i32
      %convert_element_type3A_364 = arith.extui %lt3A_363 : i1 to i32
      %cond3A_365 = arith.constant 0 : i32
      %cond3A_366 = arith.cmpi ne, %convert_element_type3A_364, %cond3A_365 : i32
      scf.if %cond3A_366 {
        %dma_wait3A_390 = arith.constant 0 : i32
        %dma_wait3A_391 = tpu.memref_slice %arg7[%while3A_97, %dma_wait3A_390] : memref<2x10112xi32, #tpu.memory_space<vmem>> -> memref<1x10112xi32, #tpu.memory_space<vmem>>
        %dma_wait3A_392 = tpu.memref_squeeze %dma_wait3A_391 : memref<1x10112xi32, #tpu.memory_space<vmem>> -> memref<10112xi32, #tpu.memory_space<vmem>>
        %dma_wait3A_393 = arith.constant 0 : i32
        %dma_wait3A_394 = tpu.memref_slice %dma_wait3A_392[%dma_wait3A_393] : memref<10112xi32, #tpu.memory_space<vmem>> -> memref<32xi32, #tpu.memory_space<vmem>>
        %dma_wait3A_395 = arith.constant 0 : i32
        %dma_wait3A_396 = arith.constant 0 : i32
        %dma_wait3A_397 = tpu.memref_slice %arg2[%dma_wait3A_395, %dma_wait3A_396] : memref<10000x128xf32, #tpu.memory_space<hbm>> -> memref<10000x128xf32, #tpu.memory_space<hbm>>
        tpu.wait_indirect_dma semaphore(%arg20 : memref<!tpu.dma_semaphore, #tpu.memory_space<semaphore_mem>>) src(%dma_wait3A_397 : memref<10000x128xf32, #tpu.memory_space<hbm>>) dst(%arg11 : memref<32x128xf32, #tpu.memory_space<vmem>>)
        %ge3A_398 = arith.constant 4 : i32
        %ge3A_399 = arith.cmpi sge, %add3A_347, %ge3A_398 : i32
        %convert_element_type3A_400 = arith.extui %ge3A_399 : i1 to i32
        %cond3A_401 = arith.constant 0 : i32
        %cond3A_402 = arith.cmpi ne, %convert_element_type3A_400, %cond3A_401 : i32
        scf.if %cond3A_402 {
          %dma_wait3A_420 = arith.constant 0 : i32
          %dma_wait3A_421 = tpu.memref_slice %arg7[%while3A_96, %dma_wait3A_420] : memref<2x10112xi32, #tpu.memory_space<vmem>> -> memref<1x10112xi32, #tpu.memory_space<vmem>>
          %dma_wait3A_422 = tpu.memref_squeeze %dma_wait3A_421 : memref<1x10112xi32, #tpu.memory_space<vmem>> -> memref<10112xi32, #tpu.memory_space<vmem>>
          %dma_wait3A_423 = arith.constant 0 : i32
          %dma_wait3A_424 = tpu.memref_slice %dma_wait3A_422[%dma_wait3A_423] : memref<10112xi32, #tpu.memory_space<vmem>> -> memref<32xi32, #tpu.memory_space<vmem>>
          %dma_wait3A_425 = arith.constant 0 : i32
          %dma_wait3A_426 = tpu.memref_slice %arg16[%dma_wait3A_425] : memref<10000xf32, #tpu.memory_space<vmem_shared>> -> memref<10000xf32, #tpu.memory_space<vmem_shared>>
          tpu.wait_indirect_dma semaphore(%arg27 : memref<!tpu.dma_semaphore, #tpu.memory_space<semaphore_mem>>) src(%arg13 : memref<32xf32, #tpu.memory_space<vmem>>) dst(%dma_wait3A_426 : memref<10000xf32, #tpu.memory_space<vmem_shared>>)
        } else {
        }
        %mul3A_403 = arith.constant 32 : i32
        %mul3A_404 = arith.muli %add3A_347, %mul3A_403 : i32
        %dma_start3A_405 = arith.constant 0 : i32
        %dma_start3A_406 = tpu.memref_slice %arg7[%while3A_96, %dma_start3A_405] : memref<2x10112xi32, #tpu.memory_space<vmem>> -> memref<1x10112xi32, #tpu.memory_space<vmem>>
        %dma_start3A_407 = tpu.memref_squeeze %dma_start3A_406 : memref<1x10112xi32, #tpu.memory_space<vmem>> -> memref<10112xi32, #tpu.memory_space<vmem>>
        %dma_start3A_408 = tpu.memref_slice %dma_start3A_407[%mul3A_404] : memref<10112xi32, #tpu.memory_space<vmem>> -> memref<32xi32, #tpu.memory_space<vmem>>
        %dma_start3A_409 = arith.constant 0 : i32
        %dma_start3A_410 = tpu.memref_slice %arg16[%dma_start3A_409] : memref<10000xf32, #tpu.memory_space<vmem_shared>> -> memref<10000xf32, #tpu.memory_space<vmem_shared>>
        tpu.enqueue_indirect_dma source(%arg13 : memref<32xf32, #tpu.memory_space<vmem>>) target(%dma_start3A_410 : memref<10000xf32, #tpu.memory_space<vmem_shared>>) offsets(%dma_start3A_408 : memref<32xi32, #tpu.memory_space<vmem>>) semaphore(%arg27 : memref<!tpu.dma_semaphore, #tpu.memory_space<semaphore_mem>>) {add = true}
        %mul3A_411 = arith.constant 32 : i32
        %mul3A_412 = arith.muli %add3A_347, %mul3A_411 : i32
        %dma_start3A_413 = arith.constant 0 : i32
        %dma_start3A_414 = tpu.memref_slice %arg7[%while3A_96, %dma_start3A_413] : memref<2x10112xi32, #tpu.memory_space<vmem>> -> memref<1x10112xi32, #tpu.memory_space<vmem>>
        %dma_start3A_415 = tpu.memref_squeeze %dma_start3A_414 : memref<1x10112xi32, #tpu.memory_space<vmem>> -> memref<10112xi32, #tpu.memory_space<vmem>>
        %dma_start3A_416 = tpu.memref_slice %dma_start3A_415[%mul3A_412] : memref<10112xi32, #tpu.memory_space<vmem>> -> memref<32xi32, #tpu.memory_space<vmem>>
        %dma_start3A_417 = arith.constant 0 : i32
        %dma_start3A_418 = arith.constant 0 : i32
        %dma_start3A_419 = tpu.memref_slice %arg15[%dma_start3A_417, %dma_start3A_418] : memref<10000x128xf32, #tpu.memory_space<vmem_shared>> -> memref<10000x128xf32, #tpu.memory_space<vmem_shared>>
        tpu.enqueue_indirect_dma source(%arg11 : memref<32x128xf32, #tpu.memory_space<vmem>>) target(%dma_start3A_419 : memref<10000x128xf32, #tpu.memory_space<vmem_shared>>) offsets(%dma_start3A_416 : memref<32xi32, #tpu.memory_space<vmem>>) semaphore(%arg25 : memref<!tpu.dma_semaphore, #tpu.memory_space<semaphore_mem>>) {add = true}
      } else {
      }
      %mul3A_367 = arith.constant 5 : i32
      %mul3A_368 = arith.muli %while3A_274, %mul3A_367 : i32
      %add3A_369 = arith.constant 4 : i32
      %add3A_370 = arith.addi %mul3A_368, %add3A_369 : i32
      %ge3A_371 = arith.constant 1 : i32
      %ge3A_372 = arith.cmpi sge, %add3A_370, %ge3A_371 : i32
      %lt3A_373 = arith.cmpi slt, %add3A_370, %add3A_29 : i32
      %and3A_374 = arith.andi %ge3A_372, %lt3A_373 : i1
      %convert_element_type3A_375 = arith.extui %and3A_374 : i1 to i32
      %cond3A_376 = arith.constant 0 : i32
      %cond3A_377 = arith.cmpi ne, %convert_element_type3A_375, %cond3A_376 : i32
      scf.if %cond3A_377 {
        %dma_wait3A_390 = arith.constant 0 : i32
        %dma_wait3A_391 = tpu.memref_slice %arg7[%while3A_96, %dma_wait3A_390] : memref<2x10112xi32, #tpu.memory_space<vmem>> -> memref<1x10112xi32, #tpu.memory_space<vmem>>
        %dma_wait3A_392 = tpu.memref_squeeze %dma_wait3A_391 : memref<1x10112xi32, #tpu.memory_space<vmem>> -> memref<10112xi32, #tpu.memory_space<vmem>>
        %dma_wait3A_393 = arith.constant 0 : i32
        %dma_wait3A_394 = tpu.memref_slice %dma_wait3A_392[%dma_wait3A_393] : memref<10112xi32, #tpu.memory_space<vmem>> -> memref<32xi32, #tpu.memory_space<vmem>>
        %dma_wait3A_395 = arith.constant 0 : i32
        %dma_wait3A_396 = arith.constant 0 : i32
        %dma_wait3A_397 = tpu.memref_slice %arg15[%dma_wait3A_395, %dma_wait3A_396] : memref<10000x128xf32, #tpu.memory_space<vmem_shared>> -> memref<10000x128xf32, #tpu.memory_space<vmem_shared>>
        tpu.wait_indirect_dma semaphore(%arg25 : memref<!tpu.dma_semaphore, #tpu.memory_space<semaphore_mem>>) src(%arg11 : memref<32x128xf32, #tpu.memory_space<vmem>>) dst(%dma_wait3A_397 : memref<10000x128xf32, #tpu.memory_space<vmem_shared>>)
      } else {
      }
      %add3A_378 = arith.constant 5 : i32
      %add3A_379 = arith.addi %add3A_370, %add3A_378 : i32
      %sub3A_380 = arith.constant 1 : i32
      %sub3A_381 = arith.subi %add3A_379, %sub3A_380 : i32
      %lt3A_382 = arith.cmpi slt, %sub3A_381, %add3A_29 : i32
      %convert_element_type3A_383 = arith.extui %lt3A_382 : i1 to i32
      %cond3A_384 = arith.constant 0 : i32
      %cond3A_385 = arith.cmpi ne, %convert_element_type3A_383, %cond3A_384 : i32
      scf.if %cond3A_385 {
        %add3A_390 = arith.constant 5 : i32
        %add3A_391 = arith.addi %add3A_370, %add3A_390 : i32
        %sub3A_392 = arith.constant 1 : i32
        %sub3A_393 = arith.subi %add3A_391, %sub3A_392 : i32
        %mul3A_394 = arith.constant 32 : i32
        %mul3A_395 = arith.muli %sub3A_393, %mul3A_394 : i32
        %dma_start3A_396 = arith.constant 0 : i32
        %dma_start3A_397 = tpu.memref_slice %arg7[%while3A_97, %dma_start3A_396] : memref<2x10112xi32, #tpu.memory_space<vmem>> -> memref<1x10112xi32, #tpu.memory_space<vmem>>
        %dma_start3A_398 = tpu.memref_squeeze %dma_start3A_397 : memref<1x10112xi32, #tpu.memory_space<vmem>> -> memref<10112xi32, #tpu.memory_space<vmem>>
        %dma_start3A_399 = tpu.memref_slice %dma_start3A_398[%mul3A_395] : memref<10112xi32, #tpu.memory_space<vmem>> -> memref<32xi32, #tpu.memory_space<vmem>>
        %dma_start3A_400 = arith.constant 0 : i32
        %dma_start3A_401 = arith.constant 0 : i32
        %dma_start3A_402 = tpu.memref_slice %arg2[%dma_start3A_400, %dma_start3A_401] : memref<10000x128xf32, #tpu.memory_space<hbm>> -> memref<10000x128xf32, #tpu.memory_space<hbm>>
        tpu.enqueue_indirect_dma source(%dma_start3A_402 : memref<10000x128xf32, #tpu.memory_space<hbm>>) target(%arg11 : memref<32x128xf32, #tpu.memory_space<vmem>>) offsets(%dma_start3A_399 : memref<32xi32, #tpu.memory_space<vmem>>) semaphore(%arg20 : memref<!tpu.dma_semaphore, #tpu.memory_space<semaphore_mem>>)
      } else {
      }
      %lt3A_386 = arith.cmpi slt, %add3A_370, %add3A_29 : i32
      %convert_element_type3A_387 = arith.extui %lt3A_386 : i1 to i32
      %cond3A_388 = arith.constant 0 : i32
      %cond3A_389 = arith.cmpi ne, %convert_element_type3A_387, %cond3A_388 : i32
      scf.if %cond3A_389 {
        %dma_wait3A_390 = arith.constant 0 : i32
        %dma_wait3A_391 = tpu.memref_slice %arg7[%while3A_97, %dma_wait3A_390] : memref<2x10112xi32, #tpu.memory_space<vmem>> -> memref<1x10112xi32, #tpu.memory_space<vmem>>
        %dma_wait3A_392 = tpu.memref_squeeze %dma_wait3A_391 : memref<1x10112xi32, #tpu.memory_space<vmem>> -> memref<10112xi32, #tpu.memory_space<vmem>>
        %dma_wait3A_393 = arith.constant 0 : i32
        %dma_wait3A_394 = tpu.memref_slice %dma_wait3A_392[%dma_wait3A_393] : memref<10112xi32, #tpu.memory_space<vmem>> -> memref<32xi32, #tpu.memory_space<vmem>>
        %dma_wait3A_395 = arith.constant 0 : i32
        %dma_wait3A_396 = arith.constant 0 : i32
        %dma_wait3A_397 = tpu.memref_slice %arg2[%dma_wait3A_395, %dma_wait3A_396] : memref<10000x128xf32, #tpu.memory_space<hbm>> -> memref<10000x128xf32, #tpu.memory_space<hbm>>
        tpu.wait_indirect_dma semaphore(%arg21 : memref<!tpu.dma_semaphore, #tpu.memory_space<semaphore_mem>>) src(%dma_wait3A_397 : memref<10000x128xf32, #tpu.memory_space<hbm>>) dst(%arg12 : memref<32x128xf32, #tpu.memory_space<vmem>>)
        %ge3A_398 = arith.constant 4 : i32
        %ge3A_399 = arith.cmpi sge, %add3A_370, %ge3A_398 : i32
        %convert_element_type3A_400 = arith.extui %ge3A_399 : i1 to i32
        %cond3A_401 = arith.constant 0 : i32
        %cond3A_402 = arith.cmpi ne, %convert_element_type3A_400, %cond3A_401 : i32
        scf.if %cond3A_402 {
          %dma_wait3A_420 = arith.constant 0 : i32
          %dma_wait3A_421 = tpu.memref_slice %arg7[%while3A_96, %dma_wait3A_420] : memref<2x10112xi32, #tpu.memory_space<vmem>> -> memref<1x10112xi32, #tpu.memory_space<vmem>>
          %dma_wait3A_422 = tpu.memref_squeeze %dma_wait3A_421 : memref<1x10112xi32, #tpu.memory_space<vmem>> -> memref<10112xi32, #tpu.memory_space<vmem>>
          %dma_wait3A_423 = arith.constant 0 : i32
          %dma_wait3A_424 = tpu.memref_slice %dma_wait3A_422[%dma_wait3A_423] : memref<10112xi32, #tpu.memory_space<vmem>> -> memref<32xi32, #tpu.memory_space<vmem>>
          %dma_wait3A_425 = arith.constant 0 : i32
          %dma_wait3A_426 = tpu.memref_slice %arg16[%dma_wait3A_425] : memref<10000xf32, #tpu.memory_space<vmem_shared>> -> memref<10000xf32, #tpu.memory_space<vmem_shared>>
          tpu.wait_indirect_dma semaphore(%arg27 : memref<!tpu.dma_semaphore, #tpu.memory_space<semaphore_mem>>) src(%arg13 : memref<32xf32, #tpu.memory_space<vmem>>) dst(%dma_wait3A_426 : memref<10000xf32, #tpu.memory_space<vmem_shared>>)
        } else {
        }
        %mul3A_403 = arith.constant 32 : i32
        %mul3A_404 = arith.muli %add3A_370, %mul3A_403 : i32
        %dma_start3A_405 = arith.constant 0 : i32
        %dma_start3A_406 = tpu.memref_slice %arg7[%while3A_96, %dma_start3A_405] : memref<2x10112xi32, #tpu.memory_space<vmem>> -> memref<1x10112xi32, #tpu.memory_space<vmem>>
        %dma_start3A_407 = tpu.memref_squeeze %dma_start3A_406 : memref<1x10112xi32, #tpu.memory_space<vmem>> -> memref<10112xi32, #tpu.memory_space<vmem>>
        %dma_start3A_408 = tpu.memref_slice %dma_start3A_407[%mul3A_404] : memref<10112xi32, #tpu.memory_space<vmem>> -> memref<32xi32, #tpu.memory_space<vmem>>
        %dma_start3A_409 = arith.constant 0 : i32
        %dma_start3A_410 = tpu.memref_slice %arg16[%dma_start3A_409] : memref<10000xf32, #tpu.memory_space<vmem_shared>> -> memref<10000xf32, #tpu.memory_space<vmem_shared>>
        tpu.enqueue_indirect_dma source(%arg13 : memref<32xf32, #tpu.memory_space<vmem>>) target(%dma_start3A_410 : memref<10000xf32, #tpu.memory_space<vmem_shared>>) offsets(%dma_start3A_408 : memref<32xi32, #tpu.memory_space<vmem>>) semaphore(%arg27 : memref<!tpu.dma_semaphore, #tpu.memory_space<semaphore_mem>>) {add = true}
        %mul3A_411 = arith.constant 32 : i32
        %mul3A_412 = arith.muli %add3A_370, %mul3A_411 : i32
        %dma_start3A_413 = arith.constant 0 : i32
        %dma_start3A_414 = tpu.memref_slice %arg7[%while3A_96, %dma_start3A_413] : memref<2x10112xi32, #tpu.memory_space<vmem>> -> memref<1x10112xi32, #tpu.memory_space<vmem>>
        %dma_start3A_415 = tpu.memref_squeeze %dma_start3A_414 : memref<1x10112xi32, #tpu.memory_space<vmem>> -> memref<10112xi32, #tpu.memory_space<vmem>>
        %dma_start3A_416 = tpu.memref_slice %dma_start3A_415[%mul3A_412] : memref<10112xi32, #tpu.memory_space<vmem>> -> memref<32xi32, #tpu.memory_space<vmem>>
        %dma_start3A_417 = arith.constant 0 : i32
        %dma_start3A_418 = arith.constant 0 : i32
        %dma_start3A_419 = tpu.memref_slice %arg15[%dma_start3A_417, %dma_start3A_418] : memref<10000x128xf32, #tpu.memory_space<vmem_shared>> -> memref<10000x128xf32, #tpu.memory_space<vmem_shared>>
        tpu.enqueue_indirect_dma source(%arg12 : memref<32x128xf32, #tpu.memory_space<vmem>>) target(%dma_start3A_419 : memref<10000x128xf32, #tpu.memory_space<vmem_shared>>) offsets(%dma_start3A_416 : memref<32xi32, #tpu.memory_space<vmem>>) semaphore(%arg26 : memref<!tpu.dma_semaphore, #tpu.memory_space<semaphore_mem>>) {add = true}
      } else {
      }
    }
    %while3A_106 = arith.constant 1 : i32
    scf.for %while3A_274 = %while3A_104 to %while3A_100 step %while3A_106  : i32 {
      %mul3A_275 = arith.constant 5 : i32
      %mul3A_276 = arith.muli %while3A_274, %mul3A_275 : i32
      %add3A_277 = arith.constant 0 : i32
      %add3A_278 = arith.addi %mul3A_276, %add3A_277 : i32
      %ge3A_279 = arith.constant 1 : i32
      %ge3A_280 = arith.cmpi sge, %add3A_278, %ge3A_279 : i32
      %lt3A_281 = arith.cmpi slt, %add3A_278, %add3A_29 : i32
      %and3A_282 = arith.andi %ge3A_280, %lt3A_281 : i1
      %convert_element_type3A_283 = arith.extui %and3A_282 : i1 to i32
      %cond3A_284 = arith.constant 0 : i32
      %cond3A_285 = arith.cmpi ne, %convert_element_type3A_283, %cond3A_284 : i32
      scf.if %cond3A_285 {
        %dma_wait3A_390 = arith.constant 0 : i32
        %dma_wait3A_391 = tpu.memref_slice %arg7[%while3A_96, %dma_wait3A_390] : memref<2x10112xi32, #tpu.memory_space<vmem>> -> memref<1x10112xi32, #tpu.memory_space<vmem>>
        %dma_wait3A_392 = tpu.memref_squeeze %dma_wait3A_391 : memref<1x10112xi32, #tpu.memory_space<vmem>> -> memref<10112xi32, #tpu.memory_space<vmem>>
        %dma_wait3A_393 = arith.constant 0 : i32
        %dma_wait3A_394 = tpu.memref_slice %dma_wait3A_392[%dma_wait3A_393] : memref<10112xi32, #tpu.memory_space<vmem>> -> memref<32xi32, #tpu.memory_space<vmem>>
        %dma_wait3A_395 = arith.constant 0 : i32
        %dma_wait3A_396 = arith.constant 0 : i32
        %dma_wait3A_397 = tpu.memref_slice %arg15[%dma_wait3A_395, %dma_wait3A_396] : memref<10000x128xf32, #tpu.memory_space<vmem_shared>> -> memref<10000x128xf32, #tpu.memory_space<vmem_shared>>
        tpu.wait_indirect_dma semaphore(%arg26 : memref<!tpu.dma_semaphore, #tpu.memory_space<semaphore_mem>>) src(%arg12 : memref<32x128xf32, #tpu.memory_space<vmem>>) dst(%dma_wait3A_397 : memref<10000x128xf32, #tpu.memory_space<vmem_shared>>)
      } else {
      }
      %add3A_286 = arith.constant 5 : i32
      %add3A_287 = arith.addi %add3A_278, %add3A_286 : i32
      %sub3A_288 = arith.constant 1 : i32
      %sub3A_289 = arith.subi %add3A_287, %sub3A_288 : i32
      %lt3A_290 = arith.cmpi slt, %sub3A_289, %add3A_29 : i32
      %convert_element_type3A_291 = arith.extui %lt3A_290 : i1 to i32
      %cond3A_292 = arith.constant 0 : i32
      %cond3A_293 = arith.cmpi ne, %convert_element_type3A_291, %cond3A_292 : i32
      scf.if %cond3A_293 {
        %add3A_390 = arith.constant 5 : i32
        %add3A_391 = arith.addi %add3A_278, %add3A_390 : i32
        %sub3A_392 = arith.constant 1 : i32
        %sub3A_393 = arith.subi %add3A_391, %sub3A_392 : i32
        %mul3A_394 = arith.constant 32 : i32
        %mul3A_395 = arith.muli %sub3A_393, %mul3A_394 : i32
        %dma_start3A_396 = arith.constant 0 : i32
        %dma_start3A_397 = tpu.memref_slice %arg7[%while3A_97, %dma_start3A_396] : memref<2x10112xi32, #tpu.memory_space<vmem>> -> memref<1x10112xi32, #tpu.memory_space<vmem>>
        %dma_start3A_398 = tpu.memref_squeeze %dma_start3A_397 : memref<1x10112xi32, #tpu.memory_space<vmem>> -> memref<10112xi32, #tpu.memory_space<vmem>>
        %dma_start3A_399 = tpu.memref_slice %dma_start3A_398[%mul3A_395] : memref<10112xi32, #tpu.memory_space<vmem>> -> memref<32xi32, #tpu.memory_space<vmem>>
        %dma_start3A_400 = arith.constant 0 : i32
        %dma_start3A_401 = arith.constant 0 : i32
        %dma_start3A_402 = tpu.memref_slice %arg2[%dma_start3A_400, %dma_start3A_401] : memref<10000x128xf32, #tpu.memory_space<hbm>> -> memref<10000x128xf32, #tpu.memory_space<hbm>>
        tpu.enqueue_indirect_dma source(%dma_start3A_402 : memref<10000x128xf32, #tpu.memory_space<hbm>>) target(%arg12 : memref<32x128xf32, #tpu.memory_space<vmem>>) offsets(%dma_start3A_399 : memref<32xi32, #tpu.memory_space<vmem>>) semaphore(%arg21 : memref<!tpu.dma_semaphore, #tpu.memory_space<semaphore_mem>>)
      } else {
      }
      %lt3A_294 = arith.cmpi slt, %add3A_278, %add3A_29 : i32
      %convert_element_type3A_295 = arith.extui %lt3A_294 : i1 to i32
      %cond3A_296 = arith.constant 0 : i32
      %cond3A_297 = arith.cmpi ne, %convert_element_type3A_295, %cond3A_296 : i32
      scf.if %cond3A_297 {
        %dma_wait3A_390 = arith.constant 0 : i32
        %dma_wait3A_391 = tpu.memref_slice %arg7[%while3A_97, %dma_wait3A_390] : memref<2x10112xi32, #tpu.memory_space<vmem>> -> memref<1x10112xi32, #tpu.memory_space<vmem>>
        %dma_wait3A_392 = tpu.memref_squeeze %dma_wait3A_391 : memref<1x10112xi32, #tpu.memory_space<vmem>> -> memref<10112xi32, #tpu.memory_space<vmem>>
        %dma_wait3A_393 = arith.constant 0 : i32
        %dma_wait3A_394 = tpu.memref_slice %dma_wait3A_392[%dma_wait3A_393] : memref<10112xi32, #tpu.memory_space<vmem>> -> memref<32xi32, #tpu.memory_space<vmem>>
        %dma_wait3A_395 = arith.constant 0 : i32
        %dma_wait3A_396 = arith.constant 0 : i32
        %dma_wait3A_397 = tpu.memref_slice %arg2[%dma_wait3A_395, %dma_wait3A_396] : memref<10000x128xf32, #tpu.memory_space<hbm>> -> memref<10000x128xf32, #tpu.memory_space<hbm>>
        tpu.wait_indirect_dma semaphore(%arg17 : memref<!tpu.dma_semaphore, #tpu.memory_space<semaphore_mem>>) src(%dma_wait3A_397 : memref<10000x128xf32, #tpu.memory_space<hbm>>) dst(%arg8 : memref<32x128xf32, #tpu.memory_space<vmem>>)
        %ge3A_398 = arith.constant 4 : i32
        %ge3A_399 = arith.cmpi sge, %add3A_278, %ge3A_398 : i32
        %convert_element_type3A_400 = arith.extui %ge3A_399 : i1 to i32
        %cond3A_401 = arith.constant 0 : i32
        %cond3A_402 = arith.cmpi ne, %convert_element_type3A_400, %cond3A_401 : i32
        scf.if %cond3A_402 {
          %dma_wait3A_420 = arith.constant 0 : i32
          %dma_wait3A_421 = tpu.memref_slice %arg7[%while3A_96, %dma_wait3A_420] : memref<2x10112xi32, #tpu.memory_space<vmem>> -> memref<1x10112xi32, #tpu.memory_space<vmem>>
          %dma_wait3A_422 = tpu.memref_squeeze %dma_wait3A_421 : memref<1x10112xi32, #tpu.memory_space<vmem>> -> memref<10112xi32, #tpu.memory_space<vmem>>
          %dma_wait3A_423 = arith.constant 0 : i32
          %dma_wait3A_424 = tpu.memref_slice %dma_wait3A_422[%dma_wait3A_423] : memref<10112xi32, #tpu.memory_space<vmem>> -> memref<32xi32, #tpu.memory_space<vmem>>
          %dma_wait3A_425 = arith.constant 0 : i32
          %dma_wait3A_426 = tpu.memref_slice %arg16[%dma_wait3A_425] : memref<10000xf32, #tpu.memory_space<vmem_shared>> -> memref<10000xf32, #tpu.memory_space<vmem_shared>>
          tpu.wait_indirect_dma semaphore(%arg27 : memref<!tpu.dma_semaphore, #tpu.memory_space<semaphore_mem>>) src(%arg13 : memref<32xf32, #tpu.memory_space<vmem>>) dst(%dma_wait3A_426 : memref<10000xf32, #tpu.memory_space<vmem_shared>>)
        } else {
        }
        %mul3A_403 = arith.constant 32 : i32
        %mul3A_404 = arith.muli %add3A_278, %mul3A_403 : i32
        %dma_start3A_405 = arith.constant 0 : i32
        %dma_start3A_406 = tpu.memref_slice %arg7[%while3A_96, %dma_start3A_405] : memref<2x10112xi32, #tpu.memory_space<vmem>> -> memref<1x10112xi32, #tpu.memory_space<vmem>>
        %dma_start3A_407 = tpu.memref_squeeze %dma_start3A_406 : memref<1x10112xi32, #tpu.memory_space<vmem>> -> memref<10112xi32, #tpu.memory_space<vmem>>
        %dma_start3A_408 = tpu.memref_slice %dma_start3A_407[%mul3A_404] : memref<10112xi32, #tpu.memory_space<vmem>> -> memref<32xi32, #tpu.memory_space<vmem>>
        %dma_start3A_409 = arith.constant 0 : i32
        %dma_start3A_410 = tpu.memref_slice %arg16[%dma_start3A_409] : memref<10000xf32, #tpu.memory_space<vmem_shared>> -> memref<10000xf32, #tpu.memory_space<vmem_shared>>
        tpu.enqueue_indirect_dma source(%arg13 : memref<32xf32, #tpu.memory_space<vmem>>) target(%dma_start3A_410 : memref<10000xf32, #tpu.memory_space<vmem_shared>>) offsets(%dma_start3A_408 : memref<32xi32, #tpu.memory_space<vmem>>) semaphore(%arg27 : memref<!tpu.dma_semaphore, #tpu.memory_space<semaphore_mem>>) {add = true}
        %mul3A_411 = arith.constant 32 : i32
        %mul3A_412 = arith.muli %add3A_278, %mul3A_411 : i32
        %dma_start3A_413 = arith.constant 0 : i32
        %dma_start3A_414 = tpu.memref_slice %arg7[%while3A_96, %dma_start3A_413] : memref<2x10112xi32, #tpu.memory_space<vmem>> -> memref<1x10112xi32, #tpu.memory_space<vmem>>
        %dma_start3A_415 = tpu.memref_squeeze %dma_start3A_414 : memref<1x10112xi32, #tpu.memory_space<vmem>> -> memref<10112xi32, #tpu.memory_space<vmem>>
        %dma_start3A_416 = tpu.memref_slice %dma_start3A_415[%mul3A_412] : memref<10112xi32, #tpu.memory_space<vmem>> -> memref<32xi32, #tpu.memory_space<vmem>>
        %dma_start3A_417 = arith.constant 0 : i32
        %dma_start3A_418 = arith.constant 0 : i32
        %dma_start3A_419 = tpu.memref_slice %arg15[%dma_start3A_417, %dma_start3A_418] : memref<10000x128xf32, #tpu.memory_space<vmem_shared>> -> memref<10000x128xf32, #tpu.memory_space<vmem_shared>>
        tpu.enqueue_indirect_dma source(%arg8 : memref<32x128xf32, #tpu.memory_space<vmem>>) target(%dma_start3A_419 : memref<10000x128xf32, #tpu.memory_space<vmem_shared>>) offsets(%dma_start3A_416 : memref<32xi32, #tpu.memory_space<vmem>>) semaphore(%arg22 : memref<!tpu.dma_semaphore, #tpu.memory_space<semaphore_mem>>) {add = true}
      } else {
      }
      %mul3A_298 = arith.constant 5 : i32
      %mul3A_299 = arith.muli %while3A_274, %mul3A_298 : i32
      %add3A_300 = arith.constant 1 : i32
      %add3A_301 = arith.addi %mul3A_299, %add3A_300 : i32
      %ge3A_302 = arith.constant 1 : i32
      %ge3A_303 = arith.cmpi sge, %add3A_301, %ge3A_302 : i32
      %lt3A_304 = arith.cmpi slt, %add3A_301, %add3A_29 : i32
      %and3A_305 = arith.andi %ge3A_303, %lt3A_304 : i1
      %convert_element_type3A_306 = arith.extui %and3A_305 : i1 to i32
      %cond3A_307 = arith.constant 0 : i32
      %cond3A_308 = arith.cmpi ne, %convert_element_type3A_306, %cond3A_307 : i32
      scf.if %cond3A_308 {
        %dma_wait3A_390 = arith.constant 0 : i32
        %dma_wait3A_391 = tpu.memref_slice %arg7[%while3A_96, %dma_wait3A_390] : memref<2x10112xi32, #tpu.memory_space<vmem>> -> memref<1x10112xi32, #tpu.memory_space<vmem>>
        %dma_wait3A_392 = tpu.memref_squeeze %dma_wait3A_391 : memref<1x10112xi32, #tpu.memory_space<vmem>> -> memref<10112xi32, #tpu.memory_space<vmem>>
        %dma_wait3A_393 = arith.constant 0 : i32
        %dma_wait3A_394 = tpu.memref_slice %dma_wait3A_392[%dma_wait3A_393] : memref<10112xi32, #tpu.memory_space<vmem>> -> memref<32xi32, #tpu.memory_space<vmem>>
        %dma_wait3A_395 = arith.constant 0 : i32
        %dma_wait3A_396 = arith.constant 0 : i32
        %dma_wait3A_397 = tpu.memref_slice %arg15[%dma_wait3A_395, %dma_wait3A_396] : memref<10000x128xf32, #tpu.memory_space<vmem_shared>> -> memref<10000x128xf32, #tpu.memory_space<vmem_shared>>
        tpu.wait_indirect_dma semaphore(%arg22 : memref<!tpu.dma_semaphore, #tpu.memory_space<semaphore_mem>>) src(%arg8 : memref<32x128xf32, #tpu.memory_space<vmem>>) dst(%dma_wait3A_397 : memref<10000x128xf32, #tpu.memory_space<vmem_shared>>)
      } else {
      }
      %add3A_309 = arith.constant 5 : i32
      %add3A_310 = arith.addi %add3A_301, %add3A_309 : i32
      %sub3A_311 = arith.constant 1 : i32
      %sub3A_312 = arith.subi %add3A_310, %sub3A_311 : i32
      %lt3A_313 = arith.cmpi slt, %sub3A_312, %add3A_29 : i32
      %convert_element_type3A_314 = arith.extui %lt3A_313 : i1 to i32
      %cond3A_315 = arith.constant 0 : i32
      %cond3A_316 = arith.cmpi ne, %convert_element_type3A_314, %cond3A_315 : i32
      scf.if %cond3A_316 {
        %add3A_390 = arith.constant 5 : i32
        %add3A_391 = arith.addi %add3A_301, %add3A_390 : i32
        %sub3A_392 = arith.constant 1 : i32
        %sub3A_393 = arith.subi %add3A_391, %sub3A_392 : i32
        %mul3A_394 = arith.constant 32 : i32
        %mul3A_395 = arith.muli %sub3A_393, %mul3A_394 : i32
        %dma_start3A_396 = arith.constant 0 : i32
        %dma_start3A_397 = tpu.memref_slice %arg7[%while3A_97, %dma_start3A_396] : memref<2x10112xi32, #tpu.memory_space<vmem>> -> memref<1x10112xi32, #tpu.memory_space<vmem>>
        %dma_start3A_398 = tpu.memref_squeeze %dma_start3A_397 : memref<1x10112xi32, #tpu.memory_space<vmem>> -> memref<10112xi32, #tpu.memory_space<vmem>>
        %dma_start3A_399 = tpu.memref_slice %dma_start3A_398[%mul3A_395] : memref<10112xi32, #tpu.memory_space<vmem>> -> memref<32xi32, #tpu.memory_space<vmem>>
        %dma_start3A_400 = arith.constant 0 : i32
        %dma_start3A_401 = arith.constant 0 : i32
        %dma_start3A_402 = tpu.memref_slice %arg2[%dma_start3A_400, %dma_start3A_401] : memref<10000x128xf32, #tpu.memory_space<hbm>> -> memref<10000x128xf32, #tpu.memory_space<hbm>>
        tpu.enqueue_indirect_dma source(%dma_start3A_402 : memref<10000x128xf32, #tpu.memory_space<hbm>>) target(%arg8 : memref<32x128xf32, #tpu.memory_space<vmem>>) offsets(%dma_start3A_399 : memref<32xi32, #tpu.memory_space<vmem>>) semaphore(%arg17 : memref<!tpu.dma_semaphore, #tpu.memory_space<semaphore_mem>>)
      } else {
      }
      %lt3A_317 = arith.cmpi slt, %add3A_301, %add3A_29 : i32
      %convert_element_type3A_318 = arith.extui %lt3A_317 : i1 to i32
      %cond3A_319 = arith.constant 0 : i32
      %cond3A_320 = arith.cmpi ne, %convert_element_type3A_318, %cond3A_319 : i32
      scf.if %cond3A_320 {
        %dma_wait3A_390 = arith.constant 0 : i32
        %dma_wait3A_391 = tpu.memref_slice %arg7[%while3A_97, %dma_wait3A_390] : memref<2x10112xi32, #tpu.memory_space<vmem>> -> memref<1x10112xi32, #tpu.memory_space<vmem>>
        %dma_wait3A_392 = tpu.memref_squeeze %dma_wait3A_391 : memref<1x10112xi32, #tpu.memory_space<vmem>> -> memref<10112xi32, #tpu.memory_space<vmem>>
        %dma_wait3A_393 = arith.constant 0 : i32
        %dma_wait3A_394 = tpu.memref_slice %dma_wait3A_392[%dma_wait3A_393] : memref<10112xi32, #tpu.memory_space<vmem>> -> memref<32xi32, #tpu.memory_space<vmem>>
        %dma_wait3A_395 = arith.constant 0 : i32
        %dma_wait3A_396 = arith.constant 0 : i32
        %dma_wait3A_397 = tpu.memref_slice %arg2[%dma_wait3A_395, %dma_wait3A_396] : memref<10000x128xf32, #tpu.memory_space<hbm>> -> memref<10000x128xf32, #tpu.memory_space<hbm>>
        tpu.wait_indirect_dma semaphore(%arg18 : memref<!tpu.dma_semaphore, #tpu.memory_space<semaphore_mem>>) src(%dma_wait3A_397 : memref<10000x128xf32, #tpu.memory_space<hbm>>) dst(%arg9 : memref<32x128xf32, #tpu.memory_space<vmem>>)
        %ge3A_398 = arith.constant 4 : i32
        %ge3A_399 = arith.cmpi sge, %add3A_301, %ge3A_398 : i32
        %convert_element_type3A_400 = arith.extui %ge3A_399 : i1 to i32
        %cond3A_401 = arith.constant 0 : i32
        %cond3A_402 = arith.cmpi ne, %convert_element_type3A_400, %cond3A_401 : i32
        scf.if %cond3A_402 {
          %dma_wait3A_420 = arith.constant 0 : i32
          %dma_wait3A_421 = tpu.memref_slice %arg7[%while3A_96, %dma_wait3A_420] : memref<2x10112xi32, #tpu.memory_space<vmem>> -> memref<1x10112xi32, #tpu.memory_space<vmem>>
          %dma_wait3A_422 = tpu.memref_squeeze %dma_wait3A_421 : memref<1x10112xi32, #tpu.memory_space<vmem>> -> memref<10112xi32, #tpu.memory_space<vmem>>
          %dma_wait3A_423 = arith.constant 0 : i32
          %dma_wait3A_424 = tpu.memref_slice %dma_wait3A_422[%dma_wait3A_423] : memref<10112xi32, #tpu.memory_space<vmem>> -> memref<32xi32, #tpu.memory_space<vmem>>
          %dma_wait3A_425 = arith.constant 0 : i32
          %dma_wait3A_426 = tpu.memref_slice %arg16[%dma_wait3A_425] : memref<10000xf32, #tpu.memory_space<vmem_shared>> -> memref<10000xf32, #tpu.memory_space<vmem_shared>>
          tpu.wait_indirect_dma semaphore(%arg27 : memref<!tpu.dma_semaphore, #tpu.memory_space<semaphore_mem>>) src(%arg13 : memref<32xf32, #tpu.memory_space<vmem>>) dst(%dma_wait3A_426 : memref<10000xf32, #tpu.memory_space<vmem_shared>>)
        } else {
        }
        %mul3A_403 = arith.constant 32 : i32
        %mul3A_404 = arith.muli %add3A_301, %mul3A_403 : i32
        %dma_start3A_405 = arith.constant 0 : i32
        %dma_start3A_406 = tpu.memref_slice %arg7[%while3A_96, %dma_start3A_405] : memref<2x10112xi32, #tpu.memory_space<vmem>> -> memref<1x10112xi32, #tpu.memory_space<vmem>>
        %dma_start3A_407 = tpu.memref_squeeze %dma_start3A_406 : memref<1x10112xi32, #tpu.memory_space<vmem>> -> memref<10112xi32, #tpu.memory_space<vmem>>
        %dma_start3A_408 = tpu.memref_slice %dma_start3A_407[%mul3A_404] : memref<10112xi32, #tpu.memory_space<vmem>> -> memref<32xi32, #tpu.memory_space<vmem>>
        %dma_start3A_409 = arith.constant 0 : i32
        %dma_start3A_410 = tpu.memref_slice %arg16[%dma_start3A_409] : memref<10000xf32, #tpu.memory_space<vmem_shared>> -> memref<10000xf32, #tpu.memory_space<vmem_shared>>
        tpu.enqueue_indirect_dma source(%arg13 : memref<32xf32, #tpu.memory_space<vmem>>) target(%dma_start3A_410 : memref<10000xf32, #tpu.memory_space<vmem_shared>>) offsets(%dma_start3A_408 : memref<32xi32, #tpu.memory_space<vmem>>) semaphore(%arg27 : memref<!tpu.dma_semaphore, #tpu.memory_space<semaphore_mem>>) {add = true}
        %mul3A_411 = arith.constant 32 : i32
        %mul3A_412 = arith.muli %add3A_301, %mul3A_411 : i32
        %dma_start3A_413 = arith.constant 0 : i32
        %dma_start3A_414 = tpu.memref_slice %arg7[%while3A_96, %dma_start3A_413] : memref<2x10112xi32, #tpu.memory_space<vmem>> -> memref<1x10112xi32, #tpu.memory_space<vmem>>
        %dma_start3A_415 = tpu.memref_squeeze %dma_start3A_414 : memref<1x10112xi32, #tpu.memory_space<vmem>> -> memref<10112xi32, #tpu.memory_space<vmem>>
        %dma_start3A_416 = tpu.memref_slice %dma_start3A_415[%mul3A_412] : memref<10112xi32, #tpu.memory_space<vmem>> -> memref<32xi32, #tpu.memory_space<vmem>>
        %dma_start3A_417 = arith.constant 0 : i32
        %dma_start3A_418 = arith.constant 0 : i32
        %dma_start3A_419 = tpu.memref_slice %arg15[%dma_start3A_417, %dma_start3A_418] : memref<10000x128xf32, #tpu.memory_space<vmem_shared>> -> memref<10000x128xf32, #tpu.memory_space<vmem_shared>>
        tpu.enqueue_indirect_dma source(%arg9 : memref<32x128xf32, #tpu.memory_space<vmem>>) target(%dma_start3A_419 : memref<10000x128xf32, #tpu.memory_space<vmem_shared>>) offsets(%dma_start3A_416 : memref<32xi32, #tpu.memory_space<vmem>>) semaphore(%arg23 : memref<!tpu.dma_semaphore, #tpu.memory_space<semaphore_mem>>) {add = true}
      } else {
      }
      %mul3A_321 = arith.constant 5 : i32
      %mul3A_322 = arith.muli %while3A_274, %mul3A_321 : i32
      %add3A_323 = arith.constant 2 : i32
      %add3A_324 = arith.addi %mul3A_322, %add3A_323 : i32
      %ge3A_325 = arith.constant 1 : i32
      %ge3A_326 = arith.cmpi sge, %add3A_324, %ge3A_325 : i32
      %lt3A_327 = arith.cmpi slt, %add3A_324, %add3A_29 : i32
      %and3A_328 = arith.andi %ge3A_326, %lt3A_327 : i1
      %convert_element_type3A_329 = arith.extui %and3A_328 : i1 to i32
      %cond3A_330 = arith.constant 0 : i32
      %cond3A_331 = arith.cmpi ne, %convert_element_type3A_329, %cond3A_330 : i32
      scf.if %cond3A_331 {
        %dma_wait3A_390 = arith.constant 0 : i32
        %dma_wait3A_391 = tpu.memref_slice %arg7[%while3A_96, %dma_wait3A_390] : memref<2x10112xi32, #tpu.memory_space<vmem>> -> memref<1x10112xi32, #tpu.memory_space<vmem>>
        %dma_wait3A_392 = tpu.memref_squeeze %dma_wait3A_391 : memref<1x10112xi32, #tpu.memory_space<vmem>> -> memref<10112xi32, #tpu.memory_space<vmem>>
        %dma_wait3A_393 = arith.constant 0 : i32
        %dma_wait3A_394 = tpu.memref_slice %dma_wait3A_392[%dma_wait3A_393] : memref<10112xi32, #tpu.memory_space<vmem>> -> memref<32xi32, #tpu.memory_space<vmem>>
        %dma_wait3A_395 = arith.constant 0 : i32
        %dma_wait3A_396 = arith.constant 0 : i32
        %dma_wait3A_397 = tpu.memref_slice %arg15[%dma_wait3A_395, %dma_wait3A_396] : memref<10000x128xf32, #tpu.memory_space<vmem_shared>> -> memref<10000x128xf32, #tpu.memory_space<vmem_shared>>
        tpu.wait_indirect_dma semaphore(%arg23 : memref<!tpu.dma_semaphore, #tpu.memory_space<semaphore_mem>>) src(%arg9 : memref<32x128xf32, #tpu.memory_space<vmem>>) dst(%dma_wait3A_397 : memref<10000x128xf32, #tpu.memory_space<vmem_shared>>)
      } else {
      }
      %add3A_332 = arith.constant 5 : i32
      %add3A_333 = arith.addi %add3A_324, %add3A_332 : i32
      %sub3A_334 = arith.constant 1 : i32
      %sub3A_335 = arith.subi %add3A_333, %sub3A_334 : i32
      %lt3A_336 = arith.cmpi slt, %sub3A_335, %add3A_29 : i32
      %convert_element_type3A_337 = arith.extui %lt3A_336 : i1 to i32
      %cond3A_338 = arith.constant 0 : i32
      %cond3A_339 = arith.cmpi ne, %convert_element_type3A_337, %cond3A_338 : i32
      scf.if %cond3A_339 {
        %add3A_390 = arith.constant 5 : i32
        %add3A_391 = arith.addi %add3A_324, %add3A_390 : i32
        %sub3A_392 = arith.constant 1 : i32
        %sub3A_393 = arith.subi %add3A_391, %sub3A_392 : i32
        %mul3A_394 = arith.constant 32 : i32
        %mul3A_395 = arith.muli %sub3A_393, %mul3A_394 : i32
        %dma_start3A_396 = arith.constant 0 : i32
        %dma_start3A_397 = tpu.memref_slice %arg7[%while3A_97, %dma_start3A_396] : memref<2x10112xi32, #tpu.memory_space<vmem>> -> memref<1x10112xi32, #tpu.memory_space<vmem>>
        %dma_start3A_398 = tpu.memref_squeeze %dma_start3A_397 : memref<1x10112xi32, #tpu.memory_space<vmem>> -> memref<10112xi32, #tpu.memory_space<vmem>>
        %dma_start3A_399 = tpu.memref_slice %dma_start3A_398[%mul3A_395] : memref<10112xi32, #tpu.memory_space<vmem>> -> memref<32xi32, #tpu.memory_space<vmem>>
        %dma_start3A_400 = arith.constant 0 : i32
        %dma_start3A_401 = arith.constant 0 : i32
        %dma_start3A_402 = tpu.memref_slice %arg2[%dma_start3A_400, %dma_start3A_401] : memref<10000x128xf32, #tpu.memory_space<hbm>> -> memref<10000x128xf32, #tpu.memory_space<hbm>>
        tpu.enqueue_indirect_dma source(%dma_start3A_402 : memref<10000x128xf32, #tpu.memory_space<hbm>>) target(%arg9 : memref<32x128xf32, #tpu.memory_space<vmem>>) offsets(%dma_start3A_399 : memref<32xi32, #tpu.memory_space<vmem>>) semaphore(%arg18 : memref<!tpu.dma_semaphore, #tpu.memory_space<semaphore_mem>>)
      } else {
      }
      %lt3A_340 = arith.cmpi slt, %add3A_324, %add3A_29 : i32
      %convert_element_type3A_341 = arith.extui %lt3A_340 : i1 to i32
      %cond3A_342 = arith.constant 0 : i32
      %cond3A_343 = arith.cmpi ne, %convert_element_type3A_341, %cond3A_342 : i32
      scf.if %cond3A_343 {
        %dma_wait3A_390 = arith.constant 0 : i32
        %dma_wait3A_391 = tpu.memref_slice %arg7[%while3A_97, %dma_wait3A_390] : memref<2x10112xi32, #tpu.memory_space<vmem>> -> memref<1x10112xi32, #tpu.memory_space<vmem>>
        %dma_wait3A_392 = tpu.memref_squeeze %dma_wait3A_391 : memref<1x10112xi32, #tpu.memory_space<vmem>> -> memref<10112xi32, #tpu.memory_space<vmem>>
        %dma_wait3A_393 = arith.constant 0 : i32
        %dma_wait3A_394 = tpu.memref_slice %dma_wait3A_392[%dma_wait3A_393] : memref<10112xi32, #tpu.memory_space<vmem>> -> memref<32xi32, #tpu.memory_space<vmem>>
        %dma_wait3A_395 = arith.constant 0 : i32
        %dma_wait3A_396 = arith.constant 0 : i32
        %dma_wait3A_397 = tpu.memref_slice %arg2[%dma_wait3A_395, %dma_wait3A_396] : memref<10000x128xf32, #tpu.memory_space<hbm>> -> memref<10000x128xf32, #tpu.memory_space<hbm>>
        tpu.wait_indirect_dma semaphore(%arg19 : memref<!tpu.dma_semaphore, #tpu.memory_space<semaphore_mem>>) src(%dma_wait3A_397 : memref<10000x128xf32, #tpu.memory_space<hbm>>) dst(%arg10 : memref<32x128xf32, #tpu.memory_space<vmem>>)
        %ge3A_398 = arith.constant 4 : i32
        %ge3A_399 = arith.cmpi sge, %add3A_324, %ge3A_398 : i32
        %convert_element_type3A_400 = arith.extui %ge3A_399 : i1 to i32
        %cond3A_401 = arith.constant 0 : i32
        %cond3A_402 = arith.cmpi ne, %convert_element_type3A_400, %cond3A_401 : i32
        scf.if %cond3A_402 {
          %dma_wait3A_420 = arith.constant 0 : i32
          %dma_wait3A_421 = tpu.memref_slice %arg7[%while3A_96, %dma_wait3A_420] : memref<2x10112xi32, #tpu.memory_space<vmem>> -> memref<1x10112xi32, #tpu.memory_space<vmem>>
          %dma_wait3A_422 = tpu.memref_squeeze %dma_wait3A_421 : memref<1x10112xi32, #tpu.memory_space<vmem>> -> memref<10112xi32, #tpu.memory_space<vmem>>
          %dma_wait3A_423 = arith.constant 0 : i32
          %dma_wait3A_424 = tpu.memref_slice %dma_wait3A_422[%dma_wait3A_423] : memref<10112xi32, #tpu.memory_space<vmem>> -> memref<32xi32, #tpu.memory_space<vmem>>
          %dma_wait3A_425 = arith.constant 0 : i32
          %dma_wait3A_426 = tpu.memref_slice %arg16[%dma_wait3A_425] : memref<10000xf32, #tpu.memory_space<vmem_shared>> -> memref<10000xf32, #tpu.memory_space<vmem_shared>>
          tpu.wait_indirect_dma semaphore(%arg27 : memref<!tpu.dma_semaphore, #tpu.memory_space<semaphore_mem>>) src(%arg13 : memref<32xf32, #tpu.memory_space<vmem>>) dst(%dma_wait3A_426 : memref<10000xf32, #tpu.memory_space<vmem_shared>>)
        } else {
        }
        %mul3A_403 = arith.constant 32 : i32
        %mul3A_404 = arith.muli %add3A_324, %mul3A_403 : i32
        %dma_start3A_405 = arith.constant 0 : i32
        %dma_start3A_406 = tpu.memref_slice %arg7[%while3A_96, %dma_start3A_405] : memref<2x10112xi32, #tpu.memory_space<vmem>> -> memref<1x10112xi32, #tpu.memory_space<vmem>>
        %dma_start3A_407 = tpu.memref_squeeze %dma_start3A_406 : memref<1x10112xi32, #tpu.memory_space<vmem>> -> memref<10112xi32, #tpu.memory_space<vmem>>
        %dma_start3A_408 = tpu.memref_slice %dma_start3A_407[%mul3A_404] : memref<10112xi32, #tpu.memory_space<vmem>> -> memref<32xi32, #tpu.memory_space<vmem>>
        %dma_start3A_409 = arith.constant 0 : i32
        %dma_start3A_410 = tpu.memref_slice %arg16[%dma_start3A_409] : memref<10000xf32, #tpu.memory_space<vmem_shared>> -> memref<10000xf32, #tpu.memory_space<vmem_shared>>
        tpu.enqueue_indirect_dma source(%arg13 : memref<32xf32, #tpu.memory_space<vmem>>) target(%dma_start3A_410 : memref<10000xf32, #tpu.memory_space<vmem_shared>>) offsets(%dma_start3A_408 : memref<32xi32, #tpu.memory_space<vmem>>) semaphore(%arg27 : memref<!tpu.dma_semaphore, #tpu.memory_space<semaphore_mem>>) {add = true}
        %mul3A_411 = arith.constant 32 : i32
        %mul3A_412 = arith.muli %add3A_324, %mul3A_411 : i32
        %dma_start3A_413 = arith.constant 0 : i32
        %dma_start3A_414 = tpu.memref_slice %arg7[%while3A_96, %dma_start3A_413] : memref<2x10112xi32, #tpu.memory_space<vmem>> -> memref<1x10112xi32, #tpu.memory_space<vmem>>
        %dma_start3A_415 = tpu.memref_squeeze %dma_start3A_414 : memref<1x10112xi32, #tpu.memory_space<vmem>> -> memref<10112xi32, #tpu.memory_space<vmem>>
        %dma_start3A_416 = tpu.memref_slice %dma_start3A_415[%mul3A_412] : memref<10112xi32, #tpu.memory_space<vmem>> -> memref<32xi32, #tpu.memory_space<vmem>>
        %dma_start3A_417 = arith.constant 0 : i32
        %dma_start3A_418 = arith.constant 0 : i32
        %dma_start3A_419 = tpu.memref_slice %arg15[%dma_start3A_417, %dma_start3A_418] : memref<10000x128xf32, #tpu.memory_space<vmem_shared>> -> memref<10000x128xf32, #tpu.memory_space<vmem_shared>>
        tpu.enqueue_indirect_dma source(%arg10 : memref<32x128xf32, #tpu.memory_space<vmem>>) target(%dma_start3A_419 : memref<10000x128xf32, #tpu.memory_space<vmem_shared>>) offsets(%dma_start3A_416 : memref<32xi32, #tpu.memory_space<vmem>>) semaphore(%arg24 : memref<!tpu.dma_semaphore, #tpu.memory_space<semaphore_mem>>) {add = true}
      } else {
      }
      %mul3A_344 = arith.constant 5 : i32
      %mul3A_345 = arith.muli %while3A_274, %mul3A_344 : i32
      %add3A_346 = arith.constant 3 : i32
      %add3A_347 = arith.addi %mul3A_345, %add3A_346 : i32
      %ge3A_348 = arith.constant 1 : i32
      %ge3A_349 = arith.cmpi sge, %add3A_347, %ge3A_348 : i32
      %lt3A_350 = arith.cmpi slt, %add3A_347, %add3A_29 : i32
      %and3A_351 = arith.andi %ge3A_349, %lt3A_350 : i1
      %convert_element_type3A_352 = arith.extui %and3A_351 : i1 to i32
      %cond3A_353 = arith.constant 0 : i32
      %cond3A_354 = arith.cmpi ne, %convert_element_type3A_352, %cond3A_353 : i32
      scf.if %cond3A_354 {
        %dma_wait3A_390 = arith.constant 0 : i32
        %dma_wait3A_391 = tpu.memref_slice %arg7[%while3A_96, %dma_wait3A_390] : memref<2x10112xi32, #tpu.memory_space<vmem>> -> memref<1x10112xi32, #tpu.memory_space<vmem>>
        %dma_wait3A_392 = tpu.memref_squeeze %dma_wait3A_391 : memref<1x10112xi32, #tpu.memory_space<vmem>> -> memref<10112xi32, #tpu.memory_space<vmem>>
        %dma_wait3A_393 = arith.constant 0 : i32
        %dma_wait3A_394 = tpu.memref_slice %dma_wait3A_392[%dma_wait3A_393] : memref<10112xi32, #tpu.memory_space<vmem>> -> memref<32xi32, #tpu.memory_space<vmem>>
        %dma_wait3A_395 = arith.constant 0 : i32
        %dma_wait3A_396 = arith.constant 0 : i32
        %dma_wait3A_397 = tpu.memref_slice %arg15[%dma_wait3A_395, %dma_wait3A_396] : memref<10000x128xf32, #tpu.memory_space<vmem_shared>> -> memref<10000x128xf32, #tpu.memory_space<vmem_shared>>
        tpu.wait_indirect_dma semaphore(%arg24 : memref<!tpu.dma_semaphore, #tpu.memory_space<semaphore_mem>>) src(%arg10 : memref<32x128xf32, #tpu.memory_space<vmem>>) dst(%dma_wait3A_397 : memref<10000x128xf32, #tpu.memory_space<vmem_shared>>)
      } else {
      }
      %add3A_355 = arith.constant 5 : i32
      %add3A_356 = arith.addi %add3A_347, %add3A_355 : i32
      %sub3A_357 = arith.constant 1 : i32
      %sub3A_358 = arith.subi %add3A_356, %sub3A_357 : i32
      %lt3A_359 = arith.cmpi slt, %sub3A_358, %add3A_29 : i32
      %convert_element_type3A_360 = arith.extui %lt3A_359 : i1 to i32
      %cond3A_361 = arith.constant 0 : i32
      %cond3A_362 = arith.cmpi ne, %convert_element_type3A_360, %cond3A_361 : i32
      scf.if %cond3A_362 {
        %add3A_390 = arith.constant 5 : i32
        %add3A_391 = arith.addi %add3A_347, %add3A_390 : i32
        %sub3A_392 = arith.constant 1 : i32
        %sub3A_393 = arith.subi %add3A_391, %sub3A_392 : i32
        %mul3A_394 = arith.constant 32 : i32
        %mul3A_395 = arith.muli %sub3A_393, %mul3A_394 : i32
        %dma_start3A_396 = arith.constant 0 : i32
        %dma_start3A_397 = tpu.memref_slice %arg7[%while3A_97, %dma_start3A_396] : memref<2x10112xi32, #tpu.memory_space<vmem>> -> memref<1x10112xi32, #tpu.memory_space<vmem>>
        %dma_start3A_398 = tpu.memref_squeeze %dma_start3A_397 : memref<1x10112xi32, #tpu.memory_space<vmem>> -> memref<10112xi32, #tpu.memory_space<vmem>>
        %dma_start3A_399 = tpu.memref_slice %dma_start3A_398[%mul3A_395] : memref<10112xi32, #tpu.memory_space<vmem>> -> memref<32xi32, #tpu.memory_space<vmem>>
        %dma_start3A_400 = arith.constant 0 : i32
        %dma_start3A_401 = arith.constant 0 : i32
        %dma_start3A_402 = tpu.memref_slice %arg2[%dma_start3A_400, %dma_start3A_401] : memref<10000x128xf32, #tpu.memory_space<hbm>> -> memref<10000x128xf32, #tpu.memory_space<hbm>>
        tpu.enqueue_indirect_dma source(%dma_start3A_402 : memref<10000x128xf32, #tpu.memory_space<hbm>>) target(%arg10 : memref<32x128xf32, #tpu.memory_space<vmem>>) offsets(%dma_start3A_399 : memref<32xi32, #tpu.memory_space<vmem>>) semaphore(%arg19 : memref<!tpu.dma_semaphore, #tpu.memory_space<semaphore_mem>>)
      } else {
      }
      %lt3A_363 = arith.cmpi slt, %add3A_347, %add3A_29 : i32
      %convert_element_type3A_364 = arith.extui %lt3A_363 : i1 to i32
      %cond3A_365 = arith.constant 0 : i32
      %cond3A_366 = arith.cmpi ne, %convert_element_type3A_364, %cond3A_365 : i32
      scf.if %cond3A_366 {
        %dma_wait3A_390 = arith.constant 0 : i32
        %dma_wait3A_391 = tpu.memref_slice %arg7[%while3A_97, %dma_wait3A_390] : memref<2x10112xi32, #tpu.memory_space<vmem>> -> memref<1x10112xi32, #tpu.memory_space<vmem>>
        %dma_wait3A_392 = tpu.memref_squeeze %dma_wait3A_391 : memref<1x10112xi32, #tpu.memory_space<vmem>> -> memref<10112xi32, #tpu.memory_space<vmem>>
        %dma_wait3A_393 = arith.constant 0 : i32
        %dma_wait3A_394 = tpu.memref_slice %dma_wait3A_392[%dma_wait3A_393] : memref<10112xi32, #tpu.memory_space<vmem>> -> memref<32xi32, #tpu.memory_space<vmem>>
        %dma_wait3A_395 = arith.constant 0 : i32
        %dma_wait3A_396 = arith.constant 0 : i32
        %dma_wait3A_397 = tpu.memref_slice %arg2[%dma_wait3A_395, %dma_wait3A_396] : memref<10000x128xf32, #tpu.memory_space<hbm>> -> memref<10000x128xf32, #tpu.memory_space<hbm>>
        tpu.wait_indirect_dma semaphore(%arg20 : memref<!tpu.dma_semaphore, #tpu.memory_space<semaphore_mem>>) src(%dma_wait3A_397 : memref<10000x128xf32, #tpu.memory_space<hbm>>) dst(%arg11 : memref<32x128xf32, #tpu.memory_space<vmem>>)
        %ge3A_398 = arith.constant 4 : i32
        %ge3A_399 = arith.cmpi sge, %add3A_347, %ge3A_398 : i32
        %convert_element_type3A_400 = arith.extui %ge3A_399 : i1 to i32
        %cond3A_401 = arith.constant 0 : i32
        %cond3A_402 = arith.cmpi ne, %convert_element_type3A_400, %cond3A_401 : i32
        scf.if %cond3A_402 {
          %dma_wait3A_420 = arith.constant 0 : i32
          %dma_wait3A_421 = tpu.memref_slice %arg7[%while3A_96, %dma_wait3A_420] : memref<2x10112xi32, #tpu.memory_space<vmem>> -> memref<1x10112xi32, #tpu.memory_space<vmem>>
          %dma_wait3A_422 = tpu.memref_squeeze %dma_wait3A_421 : memref<1x10112xi32, #tpu.memory_space<vmem>> -> memref<10112xi32, #tpu.memory_space<vmem>>
          %dma_wait3A_423 = arith.constant 0 : i32
          %dma_wait3A_424 = tpu.memref_slice %dma_wait3A_422[%dma_wait3A_423] : memref<10112xi32, #tpu.memory_space<vmem>> -> memref<32xi32, #tpu.memory_space<vmem>>
          %dma_wait3A_425 = arith.constant 0 : i32
          %dma_wait3A_426 = tpu.memref_slice %arg16[%dma_wait3A_425] : memref<10000xf32, #tpu.memory_space<vmem_shared>> -> memref<10000xf32, #tpu.memory_space<vmem_shared>>
          tpu.wait_indirect_dma semaphore(%arg27 : memref<!tpu.dma_semaphore, #tpu.memory_space<semaphore_mem>>) src(%arg13 : memref<32xf32, #tpu.memory_space<vmem>>) dst(%dma_wait3A_426 : memref<10000xf32, #tpu.memory_space<vmem_shared>>)
        } else {
        }
        %mul3A_403 = arith.constant 32 : i32
        %mul3A_404 = arith.muli %add3A_347, %mul3A_403 : i32
        %dma_start3A_405 = arith.constant 0 : i32
        %dma_start3A_406 = tpu.memref_slice %arg7[%while3A_96, %dma_start3A_405] : memref<2x10112xi32, #tpu.memory_space<vmem>> -> memref<1x10112xi32, #tpu.memory_space<vmem>>
        %dma_start3A_407 = tpu.memref_squeeze %dma_start3A_406 : memref<1x10112xi32, #tpu.memory_space<vmem>> -> memref<10112xi32, #tpu.memory_space<vmem>>
        %dma_start3A_408 = tpu.memref_slice %dma_start3A_407[%mul3A_404] : memref<10112xi32, #tpu.memory_space<vmem>> -> memref<32xi32, #tpu.memory_space<vmem>>
        %dma_start3A_409 = arith.constant 0 : i32
        %dma_start3A_410 = tpu.memref_slice %arg16[%dma_start3A_409] : memref<10000xf32, #tpu.memory_space<vmem_shared>> -> memref<10000xf32, #tpu.memory_space<vmem_shared>>
        tpu.enqueue_indirect_dma source(%arg13 : memref<32xf32, #tpu.memory_space<vmem>>) target(%dma_start3A_410 : memref<10000xf32, #tpu.memory_space<vmem_shared>>) offsets(%dma_start3A_408 : memref<32xi32, #tpu.memory_space<vmem>>) semaphore(%arg27 : memref<!tpu.dma_semaphore, #tpu.memory_space<semaphore_mem>>) {add = true}
        %mul3A_411 = arith.constant 32 : i32
        %mul3A_412 = arith.muli %add3A_347, %mul3A_411 : i32
        %dma_start3A_413 = arith.constant 0 : i32
        %dma_start3A_414 = tpu.memref_slice %arg7[%while3A_96, %dma_start3A_413] : memref<2x10112xi32, #tpu.memory_space<vmem>> -> memref<1x10112xi32, #tpu.memory_space<vmem>>
        %dma_start3A_415 = tpu.memref_squeeze %dma_start3A_414 : memref<1x10112xi32, #tpu.memory_space<vmem>> -> memref<10112xi32, #tpu.memory_space<vmem>>
        %dma_start3A_416 = tpu.memref_slice %dma_start3A_415[%mul3A_412] : memref<10112xi32, #tpu.memory_space<vmem>> -> memref<32xi32, #tpu.memory_space<vmem>>
        %dma_start3A_417 = arith.constant 0 : i32
        %dma_start3A_418 = arith.constant 0 : i32
        %dma_start3A_419 = tpu.memref_slice %arg15[%dma_start3A_417, %dma_start3A_418] : memref<10000x128xf32, #tpu.memory_space<vmem_shared>> -> memref<10000x128xf32, #tpu.memory_space<vmem_shared>>
        tpu.enqueue_indirect_dma source(%arg11 : memref<32x128xf32, #tpu.memory_space<vmem>>) target(%dma_start3A_419 : memref<10000x128xf32, #tpu.memory_space<vmem_shared>>) offsets(%dma_start3A_416 : memref<32xi32, #tpu.memory_space<vmem>>) semaphore(%arg25 : memref<!tpu.dma_semaphore, #tpu.memory_space<semaphore_mem>>) {add = true}
      } else {
      }
      %mul3A_367 = arith.constant 5 : i32
      %mul3A_368 = arith.muli %while3A_274, %mul3A_367 : i32
      %add3A_369 = arith.constant 4 : i32
      %add3A_370 = arith.addi %mul3A_368, %add3A_369 : i32
      %ge3A_371 = arith.constant 1 : i32
      %ge3A_372 = arith.cmpi sge, %add3A_370, %ge3A_371 : i32
      %lt3A_373 = arith.cmpi slt, %add3A_370, %add3A_29 : i32
      %and3A_374 = arith.andi %ge3A_372, %lt3A_373 : i1
      %convert_element_type3A_375 = arith.extui %and3A_374 : i1 to i32
      %cond3A_376 = arith.constant 0 : i32
      %cond3A_377 = arith.cmpi ne, %convert_element_type3A_375, %cond3A_376 : i32
      scf.if %cond3A_377 {
        %dma_wait3A_390 = arith.constant 0 : i32
        %dma_wait3A_391 = tpu.memref_slice %arg7[%while3A_96, %dma_wait3A_390] : memref<2x10112xi32, #tpu.memory_space<vmem>> -> memref<1x10112xi32, #tpu.memory_space<vmem>>
        %dma_wait3A_392 = tpu.memref_squeeze %dma_wait3A_391 : memref<1x10112xi32, #tpu.memory_space<vmem>> -> memref<10112xi32, #tpu.memory_space<vmem>>
        %dma_wait3A_393 = arith.constant 0 : i32
        %dma_wait3A_394 = tpu.memref_slice %dma_wait3A_392[%dma_wait3A_393] : memref<10112xi32, #tpu.memory_space<vmem>> -> memref<32xi32, #tpu.memory_space<vmem>>
        %dma_wait3A_395 = arith.constant 0 : i32
        %dma_wait3A_396 = arith.constant 0 : i32
        %dma_wait3A_397 = tpu.memref_slice %arg15[%dma_wait3A_395, %dma_wait3A_396] : memref<10000x128xf32, #tpu.memory_space<vmem_shared>> -> memref<10000x128xf32, #tpu.memory_space<vmem_shared>>
        tpu.wait_indirect_dma semaphore(%arg25 : memref<!tpu.dma_semaphore, #tpu.memory_space<semaphore_mem>>) src(%arg11 : memref<32x128xf32, #tpu.memory_space<vmem>>) dst(%dma_wait3A_397 : memref<10000x128xf32, #tpu.memory_space<vmem_shared>>)
      } else {
      }
      %add3A_378 = arith.constant 5 : i32
      %add3A_379 = arith.addi %add3A_370, %add3A_378 : i32
      %sub3A_380 = arith.constant 1 : i32
      %sub3A_381 = arith.subi %add3A_379, %sub3A_380 : i32
      %lt3A_382 = arith.cmpi slt, %sub3A_381, %add3A_29 : i32
      %convert_element_type3A_383 = arith.extui %lt3A_382 : i1 to i32
      %cond3A_384 = arith.constant 0 : i32
      %cond3A_385 = arith.cmpi ne, %convert_element_type3A_383, %cond3A_384 : i32
      scf.if %cond3A_385 {
        %add3A_390 = arith.constant 5 : i32
        %add3A_391 = arith.addi %add3A_370, %add3A_390 : i32
        %sub3A_392 = arith.constant 1 : i32
        %sub3A_393 = arith.subi %add3A_391, %sub3A_392 : i32
        %mul3A_394 = arith.constant 32 : i32
        %mul3A_395 = arith.muli %sub3A_393, %mul3A_394 : i32
        %dma_start3A_396 = arith.constant 0 : i32
        %dma_start3A_397 = tpu.memref_slice %arg7[%while3A_97, %dma_start3A_396] : memref<2x10112xi32, #tpu.memory_space<vmem>> -> memref<1x10112xi32, #tpu.memory_space<vmem>>
        %dma_start3A_398 = tpu.memref_squeeze %dma_start3A_397 : memref<1x10112xi32, #tpu.memory_space<vmem>> -> memref<10112xi32, #tpu.memory_space<vmem>>
        %dma_start3A_399 = tpu.memref_slice %dma_start3A_398[%mul3A_395] : memref<10112xi32, #tpu.memory_space<vmem>> -> memref<32xi32, #tpu.memory_space<vmem>>
        %dma_start3A_400 = arith.constant 0 : i32
        %dma_start3A_401 = arith.constant 0 : i32
        %dma_start3A_402 = tpu.memref_slice %arg2[%dma_start3A_400, %dma_start3A_401] : memref<10000x128xf32, #tpu.memory_space<hbm>> -> memref<10000x128xf32, #tpu.memory_space<hbm>>
        tpu.enqueue_indirect_dma source(%dma_start3A_402 : memref<10000x128xf32, #tpu.memory_space<hbm>>) target(%arg11 : memref<32x128xf32, #tpu.memory_space<vmem>>) offsets(%dma_start3A_399 : memref<32xi32, #tpu.memory_space<vmem>>) semaphore(%arg20 : memref<!tpu.dma_semaphore, #tpu.memory_space<semaphore_mem>>)
      } else {
      }
      %lt3A_386 = arith.cmpi slt, %add3A_370, %add3A_29 : i32
      %convert_element_type3A_387 = arith.extui %lt3A_386 : i1 to i32
      %cond3A_388 = arith.constant 0 : i32
      %cond3A_389 = arith.cmpi ne, %convert_element_type3A_387, %cond3A_388 : i32
      scf.if %cond3A_389 {
        %dma_wait3A_390 = arith.constant 0 : i32
        %dma_wait3A_391 = tpu.memref_slice %arg7[%while3A_97, %dma_wait3A_390] : memref<2x10112xi32, #tpu.memory_space<vmem>> -> memref<1x10112xi32, #tpu.memory_space<vmem>>
        %dma_wait3A_392 = tpu.memref_squeeze %dma_wait3A_391 : memref<1x10112xi32, #tpu.memory_space<vmem>> -> memref<10112xi32, #tpu.memory_space<vmem>>
        %dma_wait3A_393 = arith.constant 0 : i32
        %dma_wait3A_394 = tpu.memref_slice %dma_wait3A_392[%dma_wait3A_393] : memref<10112xi32, #tpu.memory_space<vmem>> -> memref<32xi32, #tpu.memory_space<vmem>>
        %dma_wait3A_395 = arith.constant 0 : i32
        %dma_wait3A_396 = arith.constant 0 : i32
        %dma_wait3A_397 = tpu.memref_slice %arg2[%dma_wait3A_395, %dma_wait3A_396] : memref<10000x128xf32, #tpu.memory_space<hbm>> -> memref<10000x128xf32, #tpu.memory_space<hbm>>
        tpu.wait_indirect_dma semaphore(%arg21 : memref<!tpu.dma_semaphore, #tpu.memory_space<semaphore_mem>>) src(%dma_wait3A_397 : memref<10000x128xf32, #tpu.memory_space<hbm>>) dst(%arg12 : memref<32x128xf32, #tpu.memory_space<vmem>>)
        %ge3A_398 = arith.constant 4 : i32
        %ge3A_399 = arith.cmpi sge, %add3A_370, %ge3A_398 : i32
        %convert_element_type3A_400 = arith.extui %ge3A_399 : i1 to i32
        %cond3A_401 = arith.constant 0 : i32
        %cond3A_402 = arith.cmpi ne, %convert_element_type3A_400, %cond3A_401 : i32
        scf.if %cond3A_402 {
          %dma_wait3A_420 = arith.constant 0 : i32
          %dma_wait3A_421 = tpu.memref_slice %arg7[%while3A_96, %dma_wait3A_420] : memref<2x10112xi32, #tpu.memory_space<vmem>> -> memref<1x10112xi32, #tpu.memory_space<vmem>>
          %dma_wait3A_422 = tpu.memref_squeeze %dma_wait3A_421 : memref<1x10112xi32, #tpu.memory_space<vmem>> -> memref<10112xi32, #tpu.memory_space<vmem>>
          %dma_wait3A_423 = arith.constant 0 : i32
          %dma_wait3A_424 = tpu.memref_slice %dma_wait3A_422[%dma_wait3A_423] : memref<10112xi32, #tpu.memory_space<vmem>> -> memref<32xi32, #tpu.memory_space<vmem>>
          %dma_wait3A_425 = arith.constant 0 : i32
          %dma_wait3A_426 = tpu.memref_slice %arg16[%dma_wait3A_425] : memref<10000xf32, #tpu.memory_space<vmem_shared>> -> memref<10000xf32, #tpu.memory_space<vmem_shared>>
          tpu.wait_indirect_dma semaphore(%arg27 : memref<!tpu.dma_semaphore, #tpu.memory_space<semaphore_mem>>) src(%arg13 : memref<32xf32, #tpu.memory_space<vmem>>) dst(%dma_wait3A_426 : memref<10000xf32, #tpu.memory_space<vmem_shared>>)
        } else {
        }
        %mul3A_403 = arith.constant 32 : i32
        %mul3A_404 = arith.muli %add3A_370, %mul3A_403 : i32
        %dma_start3A_405 = arith.constant 0 : i32
        %dma_start3A_406 = tpu.memref_slice %arg7[%while3A_96, %dma_start3A_405] : memref<2x10112xi32, #tpu.memory_space<vmem>> -> memref<1x10112xi32, #tpu.memory_space<vmem>>
        %dma_start3A_407 = tpu.memref_squeeze %dma_start3A_406 : memref<1x10112xi32, #tpu.memory_space<vmem>> -> memref<10112xi32, #tpu.memory_space<vmem>>
        %dma_start3A_408 = tpu.memref_slice %dma_start3A_407[%mul3A_404] : memref<10112xi32, #tpu.memory_space<vmem>> -> memref<32xi32, #tpu.memory_space<vmem>>
        %dma_start3A_409 = arith.constant 0 : i32
        %dma_start3A_410 = tpu.memref_slice %arg16[%dma_start3A_409] : memref<10000xf32, #tpu.memory_space<vmem_shared>> -> memref<10000xf32, #tpu.memory_space<vmem_shared>>
        tpu.enqueue_indirect_dma source(%arg13 : memref<32xf32, #tpu.memory_space<vmem>>) target(%dma_start3A_410 : memref<10000xf32, #tpu.memory_space<vmem_shared>>) offsets(%dma_start3A_408 : memref<32xi32, #tpu.memory_space<vmem>>) semaphore(%arg27 : memref<!tpu.dma_semaphore, #tpu.memory_space<semaphore_mem>>) {add = true}
        %mul3A_411 = arith.constant 32 : i32
        %mul3A_412 = arith.muli %add3A_370, %mul3A_411 : i32
        %dma_start3A_413 = arith.constant 0 : i32
        %dma_start3A_414 = tpu.memref_slice %arg7[%while3A_96, %dma_start3A_413] : memref<2x10112xi32, #tpu.memory_space<vmem>> -> memref<1x10112xi32, #tpu.memory_space<vmem>>
        %dma_start3A_415 = tpu.memref_squeeze %dma_start3A_414 : memref<1x10112xi32, #tpu.memory_space<vmem>> -> memref<10112xi32, #tpu.memory_space<vmem>>
        %dma_start3A_416 = tpu.memref_slice %dma_start3A_415[%mul3A_412] : memref<10112xi32, #tpu.memory_space<vmem>> -> memref<32xi32, #tpu.memory_space<vmem>>
        %dma_start3A_417 = arith.constant 0 : i32
        %dma_start3A_418 = arith.constant 0 : i32
        %dma_start3A_419 = tpu.memref_slice %arg15[%dma_start3A_417, %dma_start3A_418] : memref<10000x128xf32, #tpu.memory_space<vmem_shared>> -> memref<10000x128xf32, #tpu.memory_space<vmem_shared>>
        tpu.enqueue_indirect_dma source(%arg12 : memref<32x128xf32, #tpu.memory_space<vmem>>) target(%dma_start3A_419 : memref<10000x128xf32, #tpu.memory_space<vmem_shared>>) offsets(%dma_start3A_416 : memref<32xi32, #tpu.memory_space<vmem>>) semaphore(%arg26 : memref<!tpu.dma_semaphore, #tpu.memory_space<semaphore_mem>>) {add = true}
      } else {
      }
    }
    %sub3A_107 = arith.constant 1 : i32
    %sub3A_108 = arith.subi %add3A_29, %sub3A_107 : i32
    %jit3A_109 = arith.constant 5 : i32
    %eq3A_110 = arith.constant 0 : i32
    %eq3A_111 = arith.cmpi eq, %jit3A_109, %eq3A_110 : i32
    %jit3A_112 = arith.constant 1 : i32
    %select_n3A_113 = arith.select %eq3A_111, %jit3A_112, %jit3A_109 : i32
    %rem3A_114 = arith.remsi %sub3A_108, %select_n3A_113 : i32
    %ne3A_115 = arith.constant 0 : i32
    %ne3A_116 = arith.cmpi ne, %rem3A_114, %ne3A_115 : i32
    %lt3A_117 = arith.constant 0 : i32
    %lt3A_118 = arith.cmpi slt, %rem3A_114, %lt3A_117 : i32
    %lt3A_119 = arith.constant 0 : i32
    %lt3A_120 = arith.cmpi slt, %select_n3A_113, %lt3A_119 : i32
    %ne3A_121 = arith.xori %lt3A_118, %lt3A_120 : i1
    %and3A_122 = arith.andi %ne3A_121, %ne3A_116 : i1
    %add3A_123 = arith.addi %rem3A_114, %select_n3A_113 : i32
    %select_n3A_124 = arith.select %and3A_122, %add3A_123, %rem3A_114 : i32
    %eq3A_125 = arith.constant 0 : i32
    %eq3A_126 = arith.cmpi eq, %select_n3A_124, %eq3A_125 : i32
    %convert_element_type3A_127 = arith.extui %eq3A_126 : i1 to i32
    %cond3A_128 = arith.constant 1 : i32
    %cond3A_129 = arith.constant 0 : i32
    %cond3A_130 = arith.cmpi ne, %convert_element_type3A_127, %cond3A_129 : i32
    scf.if %cond3A_130 {
      %dma_wait3A_274 = arith.constant 0 : i32
      %dma_wait3A_275 = tpu.memref_slice %arg7[%cond3A_128, %dma_wait3A_274] : memref<2x10112xi32, #tpu.memory_space<vmem>> -> memref<1x10112xi32, #tpu.memory_space<vmem>>
      %dma_wait3A_276 = tpu.memref_squeeze %dma_wait3A_275 : memref<1x10112xi32, #tpu.memory_space<vmem>> -> memref<10112xi32, #tpu.memory_space<vmem>>
      %dma_wait3A_277 = arith.constant 0 : i32
      %dma_wait3A_278 = tpu.memref_slice %dma_wait3A_276[%dma_wait3A_277] : memref<10112xi32, #tpu.memory_space<vmem>> -> memref<32xi32, #tpu.memory_space<vmem>>
      %dma_wait3A_279 = arith.constant 0 : i32
      %dma_wait3A_280 = arith.constant 0 : i32
      %dma_wait3A_281 = tpu.memref_slice %arg15[%dma_wait3A_279, %dma_wait3A_280] : memref<10000x128xf32, #tpu.memory_space<vmem_shared>> -> memref<10000x128xf32, #tpu.memory_space<vmem_shared>>
      tpu.wait_indirect_dma semaphore(%arg22 : memref<!tpu.dma_semaphore, #tpu.memory_space<semaphore_mem>>) src(%arg8 : memref<32x128xf32, #tpu.memory_space<vmem>>) dst(%dma_wait3A_281 : memref<10000x128xf32, #tpu.memory_space<vmem_shared>>)
    } else {
    }
    %sub3A_131 = arith.constant 1 : i32
    %sub3A_132 = arith.subi %add3A_29, %sub3A_131 : i32
    %jit3A_133 = arith.constant 5 : i32
    %eq3A_134 = arith.constant 0 : i32
    %eq3A_135 = arith.cmpi eq, %jit3A_133, %eq3A_134 : i32
    %jit3A_136 = arith.constant 1 : i32
    %select_n3A_137 = arith.select %eq3A_135, %jit3A_136, %jit3A_133 : i32
    %rem3A_138 = arith.remsi %sub3A_132, %select_n3A_137 : i32
    %ne3A_139 = arith.constant 0 : i32
    %ne3A_140 = arith.cmpi ne, %rem3A_138, %ne3A_139 : i32
    %lt3A_141 = arith.constant 0 : i32
    %lt3A_142 = arith.cmpi slt, %rem3A_138, %lt3A_141 : i32
    %lt3A_143 = arith.constant 0 : i32
    %lt3A_144 = arith.cmpi slt, %select_n3A_137, %lt3A_143 : i32
    %ne3A_145 = arith.xori %lt3A_142, %lt3A_144 : i1
    %and3A_146 = arith.andi %ne3A_145, %ne3A_140 : i1
    %add3A_147 = arith.addi %rem3A_138, %select_n3A_137 : i32
    %select_n3A_148 = arith.select %and3A_146, %add3A_147, %rem3A_138 : i32
    %eq3A_149 = arith.constant 1 : i32
    %eq3A_150 = arith.cmpi eq, %select_n3A_148, %eq3A_149 : i32
    %convert_element_type3A_151 = arith.extui %eq3A_150 : i1 to i32
    %cond3A_152 = arith.constant 1 : i32
    %cond3A_153 = arith.constant 0 : i32
    %cond3A_154 = arith.cmpi ne, %convert_element_type3A_151, %cond3A_153 : i32
    scf.if %cond3A_154 {
      %dma_wait3A_274 = arith.constant 0 : i32
      %dma_wait3A_275 = tpu.memref_slice %arg7[%cond3A_152, %dma_wait3A_274] : memref<2x10112xi32, #tpu.memory_space<vmem>> -> memref<1x10112xi32, #tpu.memory_space<vmem>>
      %dma_wait3A_276 = tpu.memref_squeeze %dma_wait3A_275 : memref<1x10112xi32, #tpu.memory_space<vmem>> -> memref<10112xi32, #tpu.memory_space<vmem>>
      %dma_wait3A_277 = arith.constant 0 : i32
      %dma_wait3A_278 = tpu.memref_slice %dma_wait3A_276[%dma_wait3A_277] : memref<10112xi32, #tpu.memory_space<vmem>> -> memref<32xi32, #tpu.memory_space<vmem>>
      %dma_wait3A_279 = arith.constant 0 : i32
      %dma_wait3A_280 = arith.constant 0 : i32
      %dma_wait3A_281 = tpu.memref_slice %arg15[%dma_wait3A_279, %dma_wait3A_280] : memref<10000x128xf32, #tpu.memory_space<vmem_shared>> -> memref<10000x128xf32, #tpu.memory_space<vmem_shared>>
      tpu.wait_indirect_dma semaphore(%arg23 : memref<!tpu.dma_semaphore, #tpu.memory_space<semaphore_mem>>) src(%arg9 : memref<32x128xf32, #tpu.memory_space<vmem>>) dst(%dma_wait3A_281 : memref<10000x128xf32, #tpu.memory_space<vmem_shared>>)
    } else {
    }
    %sub3A_155 = arith.constant 1 : i32
    %sub3A_156 = arith.subi %add3A_29, %sub3A_155 : i32
    %jit3A_157 = arith.constant 5 : i32
    %eq3A_158 = arith.constant 0 : i32
    %eq3A_159 = arith.cmpi eq, %jit3A_157, %eq3A_158 : i32
    %jit3A_160 = arith.constant 1 : i32
    %select_n3A_161 = arith.select %eq3A_159, %jit3A_160, %jit3A_157 : i32
    %rem3A_162 = arith.remsi %sub3A_156, %select_n3A_161 : i32
    %ne3A_163 = arith.constant 0 : i32
    %ne3A_164 = arith.cmpi ne, %rem3A_162, %ne3A_163 : i32
    %lt3A_165 = arith.constant 0 : i32
    %lt3A_166 = arith.cmpi slt, %rem3A_162, %lt3A_165 : i32
    %lt3A_167 = arith.constant 0 : i32
    %lt3A_168 = arith.cmpi slt, %select_n3A_161, %lt3A_167 : i32
    %ne3A_169 = arith.xori %lt3A_166, %lt3A_168 : i1
    %and3A_170 = arith.andi %ne3A_169, %ne3A_164 : i1
    %add3A_171 = arith.addi %rem3A_162, %select_n3A_161 : i32
    %select_n3A_172 = arith.select %and3A_170, %add3A_171, %rem3A_162 : i32
    %eq3A_173 = arith.constant 2 : i32
    %eq3A_174 = arith.cmpi eq, %select_n3A_172, %eq3A_173 : i32
    %convert_element_type3A_175 = arith.extui %eq3A_174 : i1 to i32
    %cond3A_176 = arith.constant 1 : i32
    %cond3A_177 = arith.constant 0 : i32
    %cond3A_178 = arith.cmpi ne, %convert_element_type3A_175, %cond3A_177 : i32
    scf.if %cond3A_178 {
      %dma_wait3A_274 = arith.constant 0 : i32
      %dma_wait3A_275 = tpu.memref_slice %arg7[%cond3A_176, %dma_wait3A_274] : memref<2x10112xi32, #tpu.memory_space<vmem>> -> memref<1x10112xi32, #tpu.memory_space<vmem>>
      %dma_wait3A_276 = tpu.memref_squeeze %dma_wait3A_275 : memref<1x10112xi32, #tpu.memory_space<vmem>> -> memref<10112xi32, #tpu.memory_space<vmem>>
      %dma_wait3A_277 = arith.constant 0 : i32
      %dma_wait3A_278 = tpu.memref_slice %dma_wait3A_276[%dma_wait3A_277] : memref<10112xi32, #tpu.memory_space<vmem>> -> memref<32xi32, #tpu.memory_space<vmem>>
      %dma_wait3A_279 = arith.constant 0 : i32
      %dma_wait3A_280 = arith.constant 0 : i32
      %dma_wait3A_281 = tpu.memref_slice %arg15[%dma_wait3A_279, %dma_wait3A_280] : memref<10000x128xf32, #tpu.memory_space<vmem_shared>> -> memref<10000x128xf32, #tpu.memory_space<vmem_shared>>
      tpu.wait_indirect_dma semaphore(%arg24 : memref<!tpu.dma_semaphore, #tpu.memory_space<semaphore_mem>>) src(%arg10 : memref<32x128xf32, #tpu.memory_space<vmem>>) dst(%dma_wait3A_281 : memref<10000x128xf32, #tpu.memory_space<vmem_shared>>)
    } else {
    }
    %sub3A_179 = arith.constant 1 : i32
    %sub3A_180 = arith.subi %add3A_29, %sub3A_179 : i32
    %jit3A_181 = arith.constant 5 : i32
    %eq3A_182 = arith.constant 0 : i32
    %eq3A_183 = arith.cmpi eq, %jit3A_181, %eq3A_182 : i32
    %jit3A_184 = arith.constant 1 : i32
    %select_n3A_185 = arith.select %eq3A_183, %jit3A_184, %jit3A_181 : i32
    %rem3A_186 = arith.remsi %sub3A_180, %select_n3A_185 : i32
    %ne3A_187 = arith.constant 0 : i32
    %ne3A_188 = arith.cmpi ne, %rem3A_186, %ne3A_187 : i32
    %lt3A_189 = arith.constant 0 : i32
    %lt3A_190 = arith.cmpi slt, %rem3A_186, %lt3A_189 : i32
    %lt3A_191 = arith.constant 0 : i32
    %lt3A_192 = arith.cmpi slt, %select_n3A_185, %lt3A_191 : i32
    %ne3A_193 = arith.xori %lt3A_190, %lt3A_192 : i1
    %and3A_194 = arith.andi %ne3A_193, %ne3A_188 : i1
    %add3A_195 = arith.addi %rem3A_186, %select_n3A_185 : i32
    %select_n3A_196 = arith.select %and3A_194, %add3A_195, %rem3A_186 : i32
    %eq3A_197 = arith.constant 3 : i32
    %eq3A_198 = arith.cmpi eq, %select_n3A_196, %eq3A_197 : i32
    %convert_element_type3A_199 = arith.extui %eq3A_198 : i1 to i32
    %cond3A_200 = arith.constant 1 : i32
    %cond3A_201 = arith.constant 0 : i32
    %cond3A_202 = arith.cmpi ne, %convert_element_type3A_199, %cond3A_201 : i32
    scf.if %cond3A_202 {
      %dma_wait3A_274 = arith.constant 0 : i32
      %dma_wait3A_275 = tpu.memref_slice %arg7[%cond3A_200, %dma_wait3A_274] : memref<2x10112xi32, #tpu.memory_space<vmem>> -> memref<1x10112xi32, #tpu.memory_space<vmem>>
      %dma_wait3A_276 = tpu.memref_squeeze %dma_wait3A_275 : memref<1x10112xi32, #tpu.memory_space<vmem>> -> memref<10112xi32, #tpu.memory_space<vmem>>
      %dma_wait3A_277 = arith.constant 0 : i32
      %dma_wait3A_278 = tpu.memref_slice %dma_wait3A_276[%dma_wait3A_277] : memref<10112xi32, #tpu.memory_space<vmem>> -> memref<32xi32, #tpu.memory_space<vmem>>
      %dma_wait3A_279 = arith.constant 0 : i32
      %dma_wait3A_280 = arith.constant 0 : i32
      %dma_wait3A_281 = tpu.memref_slice %arg15[%dma_wait3A_279, %dma_wait3A_280] : memref<10000x128xf32, #tpu.memory_space<vmem_shared>> -> memref<10000x128xf32, #tpu.memory_space<vmem_shared>>
      tpu.wait_indirect_dma semaphore(%arg25 : memref<!tpu.dma_semaphore, #tpu.memory_space<semaphore_mem>>) src(%arg11 : memref<32x128xf32, #tpu.memory_space<vmem>>) dst(%dma_wait3A_281 : memref<10000x128xf32, #tpu.memory_space<vmem_shared>>)
    } else {
    }
    %sub3A_203 = arith.constant 1 : i32
    %sub3A_204 = arith.subi %add3A_29, %sub3A_203 : i32
    %jit3A_205 = arith.constant 5 : i32
    %eq3A_206 = arith.constant 0 : i32
    %eq3A_207 = arith.cmpi eq, %jit3A_205, %eq3A_206 : i32
    %jit3A_208 = arith.constant 1 : i32
    %select_n3A_209 = arith.select %eq3A_207, %jit3A_208, %jit3A_205 : i32
    %rem3A_210 = arith.remsi %sub3A_204, %select_n3A_209 : i32
    %ne3A_211 = arith.constant 0 : i32
    %ne3A_212 = arith.cmpi ne, %rem3A_210, %ne3A_211 : i32
    %lt3A_213 = arith.constant 0 : i32
    %lt3A_214 = arith.cmpi slt, %rem3A_210, %lt3A_213 : i32
    %lt3A_215 = arith.constant 0 : i32
    %lt3A_216 = arith.cmpi slt, %select_n3A_209, %lt3A_215 : i32
    %ne3A_217 = arith.xori %lt3A_214, %lt3A_216 : i1
    %and3A_218 = arith.andi %ne3A_217, %ne3A_212 : i1
    %add3A_219 = arith.addi %rem3A_210, %select_n3A_209 : i32
    %select_n3A_220 = arith.select %and3A_218, %add3A_219, %rem3A_210 : i32
    %eq3A_221 = arith.constant 4 : i32
    %eq3A_222 = arith.cmpi eq, %select_n3A_220, %eq3A_221 : i32
    %convert_element_type3A_223 = arith.extui %eq3A_222 : i1 to i32
    %cond3A_224 = arith.constant 1 : i32
    %cond3A_225 = arith.constant 0 : i32
    %cond3A_226 = arith.cmpi ne, %convert_element_type3A_223, %cond3A_225 : i32
    scf.if %cond3A_226 {
      %dma_wait3A_274 = arith.constant 0 : i32
      %dma_wait3A_275 = tpu.memref_slice %arg7[%cond3A_224, %dma_wait3A_274] : memref<2x10112xi32, #tpu.memory_space<vmem>> -> memref<1x10112xi32, #tpu.memory_space<vmem>>
      %dma_wait3A_276 = tpu.memref_squeeze %dma_wait3A_275 : memref<1x10112xi32, #tpu.memory_space<vmem>> -> memref<10112xi32, #tpu.memory_space<vmem>>
      %dma_wait3A_277 = arith.constant 0 : i32
      %dma_wait3A_278 = tpu.memref_slice %dma_wait3A_276[%dma_wait3A_277] : memref<10112xi32, #tpu.memory_space<vmem>> -> memref<32xi32, #tpu.memory_space<vmem>>
      %dma_wait3A_279 = arith.constant 0 : i32
      %dma_wait3A_280 = arith.constant 0 : i32
      %dma_wait3A_281 = tpu.memref_slice %arg15[%dma_wait3A_279, %dma_wait3A_280] : memref<10000x128xf32, #tpu.memory_space<vmem_shared>> -> memref<10000x128xf32, #tpu.memory_space<vmem_shared>>
      tpu.wait_indirect_dma semaphore(%arg26 : memref<!tpu.dma_semaphore, #tpu.memory_space<semaphore_mem>>) src(%arg12 : memref<32x128xf32, #tpu.memory_space<vmem>>) dst(%dma_wait3A_281 : memref<10000x128xf32, #tpu.memory_space<vmem_shared>>)
    } else {
    }
    %dma_wait3A = arith.constant 1 : i32
    %dma_wait3A_227 = arith.constant 0 : i32
    %dma_wait3A_228 = tpu.memref_slice %arg7[%dma_wait3A, %dma_wait3A_227] : memref<2x10112xi32, #tpu.memory_space<vmem>> -> memref<1x10112xi32, #tpu.memory_space<vmem>>
    %dma_wait3A_229 = tpu.memref_squeeze %dma_wait3A_228 : memref<1x10112xi32, #tpu.memory_space<vmem>> -> memref<10112xi32, #tpu.memory_space<vmem>>
    %dma_wait3A_230 = arith.constant 0 : i32
    %dma_wait3A_231 = tpu.memref_slice %dma_wait3A_229[%dma_wait3A_230] : memref<10112xi32, #tpu.memory_space<vmem>> -> memref<32xi32, #tpu.memory_space<vmem>>
    %dma_wait3A_232 = arith.constant 0 : i32
    %dma_wait3A_233 = tpu.memref_slice %arg16[%dma_wait3A_232] : memref<10000xf32, #tpu.memory_space<vmem_shared>> -> memref<10000xf32, #tpu.memory_space<vmem_shared>>
    tpu.wait_indirect_dma semaphore(%arg27 : memref<!tpu.dma_semaphore, #tpu.memory_space<semaphore_mem>>) src(%arg13 : memref<32xf32, #tpu.memory_space<vmem>>) dst(%dma_wait3A_233 : memref<10000xf32, #tpu.memory_space<vmem_shared>>)
    %dma_wait3A_234 = arith.constant 1 : i32
    %dma_wait3A_235 = arith.constant 0 : i32
    %dma_wait3A_236 = tpu.memref_slice %arg7[%dma_wait3A_234, %dma_wait3A_235] : memref<2x10112xi32, #tpu.memory_space<vmem>> -> memref<1x10112xi32, #tpu.memory_space<vmem>>
    %dma_wait3A_237 = tpu.memref_squeeze %dma_wait3A_236 : memref<1x10112xi32, #tpu.memory_space<vmem>> -> memref<10112xi32, #tpu.memory_space<vmem>>
    %dma_wait3A_238 = arith.constant 0 : i32
    %dma_wait3A_239 = tpu.memref_slice %dma_wait3A_237[%dma_wait3A_238] : memref<10112xi32, #tpu.memory_space<vmem>> -> memref<32xi32, #tpu.memory_space<vmem>>
    %dma_wait3A_240 = arith.constant 0 : i32
    %dma_wait3A_241 = tpu.memref_slice %arg16[%dma_wait3A_240] : memref<10000xf32, #tpu.memory_space<vmem_shared>> -> memref<10000xf32, #tpu.memory_space<vmem_shared>>
    tpu.wait_indirect_dma semaphore(%arg27 : memref<!tpu.dma_semaphore, #tpu.memory_space<semaphore_mem>>) src(%arg13 : memref<32xf32, #tpu.memory_space<vmem>>) dst(%dma_wait3A_241 : memref<10000xf32, #tpu.memory_space<vmem_shared>>)
    %dma_wait3A_242 = arith.constant 1 : i32
    %dma_wait3A_243 = arith.constant 0 : i32
    %dma_wait3A_244 = tpu.memref_slice %arg7[%dma_wait3A_242, %dma_wait3A_243] : memref<2x10112xi32, #tpu.memory_space<vmem>> -> memref<1x10112xi32, #tpu.memory_space<vmem>>
    %dma_wait3A_245 = tpu.memref_squeeze %dma_wait3A_244 : memref<1x10112xi32, #tpu.memory_space<vmem>> -> memref<10112xi32, #tpu.memory_space<vmem>>
    %dma_wait3A_246 = arith.constant 0 : i32
    %dma_wait3A_247 = tpu.memref_slice %dma_wait3A_245[%dma_wait3A_246] : memref<10112xi32, #tpu.memory_space<vmem>> -> memref<32xi32, #tpu.memory_space<vmem>>
    %dma_wait3A_248 = arith.constant 0 : i32
    %dma_wait3A_249 = tpu.memref_slice %arg16[%dma_wait3A_248] : memref<10000xf32, #tpu.memory_space<vmem_shared>> -> memref<10000xf32, #tpu.memory_space<vmem_shared>>
    tpu.wait_indirect_dma semaphore(%arg27 : memref<!tpu.dma_semaphore, #tpu.memory_space<semaphore_mem>>) src(%arg13 : memref<32xf32, #tpu.memory_space<vmem>>) dst(%dma_wait3A_249 : memref<10000xf32, #tpu.memory_space<vmem_shared>>)
    %dma_wait3A_250 = arith.constant 1 : i32
    %dma_wait3A_251 = arith.constant 0 : i32
    %dma_wait3A_252 = tpu.memref_slice %arg7[%dma_wait3A_250, %dma_wait3A_251] : memref<2x10112xi32, #tpu.memory_space<vmem>> -> memref<1x10112xi32, #tpu.memory_space<vmem>>
    %dma_wait3A_253 = tpu.memref_squeeze %dma_wait3A_252 : memref<1x10112xi32, #tpu.memory_space<vmem>> -> memref<10112xi32, #tpu.memory_space<vmem>>
    %dma_wait3A_254 = arith.constant 0 : i32
    %dma_wait3A_255 = tpu.memref_slice %dma_wait3A_253[%dma_wait3A_254] : memref<10112xi32, #tpu.memory_space<vmem>> -> memref<32xi32, #tpu.memory_space<vmem>>
    %dma_wait3A_256 = arith.constant 0 : i32
    %dma_wait3A_257 = tpu.memref_slice %arg16[%dma_wait3A_256] : memref<10000xf32, #tpu.memory_space<vmem_shared>> -> memref<10000xf32, #tpu.memory_space<vmem_shared>>
    tpu.wait_indirect_dma semaphore(%arg27 : memref<!tpu.dma_semaphore, #tpu.memory_space<semaphore_mem>>) src(%arg13 : memref<32xf32, #tpu.memory_space<vmem>>) dst(%dma_wait3A_257 : memref<10000xf32, #tpu.memory_space<vmem_shared>>)
    %barrier3A_258 = arith.constant 0 : index
    tpu.barrier barrier_id(%barrier3A_258)
    %lt3A_259 = arith.constant 15 : i32
    %lt3A_260 = arith.cmpi slt, %arg1, %lt3A_259 : i32
    %convert_element_type3A_261 = arith.extui %lt3A_260 : i1 to i32
    %cond3A_262 = arith.constant 0 : i32
    %cond3A_263 = arith.cmpi ne, %convert_element_type3A_261, %cond3A_262 : i32
    scf.if %cond3A_263 {
      %mul3A_274 = arith.constant 624 : i32
      %mul3A_275 = arith.muli %arg1, %mul3A_274 : i32
      %mul3A_276 = arith.constant 624 : i32
      %mul3A_277 = arith.muli %arg1, %mul3A_276 : i32
      "tpu.region"() ({
        %run_scoped3A = tpu.sem_alloc : memref<!tpu.dma_semaphore, #tpu.memory_space<semaphore_mem>>
        %dma_start3A_278 = arith.constant 0 : i32
        %dma_start3A_279 = tpu.memref_slice %arg5[%arg0, %mul3A_277, %dma_start3A_278] : memref<2x10000x128xf32, #tpu.memory_space<hbm>> -> memref<1x624x128xf32, #tpu.memory_space<hbm>>
        %dma_start3A_280 = tpu.memref_squeeze %dma_start3A_279 : memref<1x624x128xf32, #tpu.memory_space<hbm>> -> memref<624x128xf32, #tpu.memory_space<hbm>>
        %dma_start3A_281 = arith.constant 0 : i32
        %dma_start3A_282 = tpu.memref_slice %arg15[%mul3A_275, %dma_start3A_281] : memref<10000x128xf32, #tpu.memory_space<vmem_shared>> -> memref<624x128xf32, #tpu.memory_space<vmem_shared>>
        tpu.enqueue_dma source(%dma_start3A_282 : memref<624x128xf32, #tpu.memory_space<vmem_shared>>) target(%dma_start3A_280 : memref<624x128xf32, #tpu.memory_space<hbm>>) target_semaphore(%run_scoped3A : memref<!tpu.dma_semaphore, #tpu.memory_space<semaphore_mem>>)
        %dma_wait3A_283 = arith.constant 0 : i32
        %dma_wait3A_284 = tpu.memref_slice %arg5[%arg0, %mul3A_277, %dma_wait3A_283] : memref<2x10000x128xf32, #tpu.memory_space<hbm>> -> memref<1x624x128xf32, #tpu.memory_space<hbm>>
        %dma_wait3A_285 = tpu.memref_squeeze %dma_wait3A_284 : memref<1x624x128xf32, #tpu.memory_space<hbm>> -> memref<624x128xf32, #tpu.memory_space<hbm>>
        %dma_wait3A_286 = arith.constant 0 : i32
        %dma_wait3A_287 = tpu.memref_slice %arg15[%mul3A_275, %dma_wait3A_286] : memref<10000x128xf32, #tpu.memory_space<vmem_shared>> -> memref<624x128xf32, #tpu.memory_space<vmem_shared>>
        tpu.wait_dma2 semaphore(%run_scoped3A : memref<!tpu.dma_semaphore, #tpu.memory_space<semaphore_mem>>) src(%dma_wait3A_287 : memref<624x128xf32, #tpu.memory_space<vmem_shared>>) dst(%dma_wait3A_285 : memref<624x128xf32, #tpu.memory_space<hbm>>)
        tpu.yield
      }) : () -> ()
    } else {
    }
    %eq3A_264 = arith.constant 15 : i32
    %eq3A_265 = arith.cmpi eq, %arg1, %eq3A_264 : i32
    %convert_element_type3A_266 = arith.extui %eq3A_265 : i1 to i32
    %cond3A_267 = arith.constant 0 : i32
    %cond3A_268 = arith.cmpi ne, %convert_element_type3A_266, %cond3A_267 : i32
    scf.if %cond3A_268 {
      "tpu.region"() ({
        %run_scoped3A = tpu.sem_alloc : memref<!tpu.dma_semaphore, #tpu.memory_space<semaphore_mem>>
        %dma_start3A_274 = arith.constant 9360 : i32
        %dma_start3A_275 = arith.constant 0 : i32
        %dma_start3A_276 = tpu.memref_slice %arg5[%arg0, %dma_start3A_274, %dma_start3A_275] : memref<2x10000x128xf32, #tpu.memory_space<hbm>> -> memref<1x640x128xf32, #tpu.memory_space<hbm>>
        %dma_start3A_277 = tpu.memref_squeeze %dma_start3A_276 : memref<1x640x128xf32, #tpu.memory_space<hbm>> -> memref<640x128xf32, #tpu.memory_space<hbm>>
        %dma_start3A_278 = arith.constant 9360 : i32
        %dma_start3A_279 = arith.constant 0 : i32
        %dma_start3A_280 = tpu.memref_slice %arg15[%dma_start3A_278, %dma_start3A_279] : memref<10000x128xf32, #tpu.memory_space<vmem_shared>> -> memref<640x128xf32, #tpu.memory_space<vmem_shared>>
        tpu.enqueue_dma source(%dma_start3A_280 : memref<640x128xf32, #tpu.memory_space<vmem_shared>>) target(%dma_start3A_277 : memref<640x128xf32, #tpu.memory_space<hbm>>) target_semaphore(%run_scoped3A : memref<!tpu.dma_semaphore, #tpu.memory_space<semaphore_mem>>)
        %dma_wait3A_281 = arith.constant 9360 : i32
        %dma_wait3A_282 = arith.constant 0 : i32
        %dma_wait3A_283 = tpu.memref_slice %arg5[%arg0, %dma_wait3A_281, %dma_wait3A_282] : memref<2x10000x128xf32, #tpu.memory_space<hbm>> -> memref<1x640x128xf32, #tpu.memory_space<hbm>>
        %dma_wait3A_284 = tpu.memref_squeeze %dma_wait3A_283 : memref<1x640x128xf32, #tpu.memory_space<hbm>> -> memref<640x128xf32, #tpu.memory_space<hbm>>
        %dma_wait3A_285 = arith.constant 9360 : i32
        %dma_wait3A_286 = arith.constant 0 : i32
        %dma_wait3A_287 = tpu.memref_slice %arg15[%dma_wait3A_285, %dma_wait3A_286] : memref<10000x128xf32, #tpu.memory_space<vmem_shared>> -> memref<640x128xf32, #tpu.memory_space<vmem_shared>>
        tpu.wait_dma2 semaphore(%run_scoped3A : memref<!tpu.dma_semaphore, #tpu.memory_space<semaphore_mem>>) src(%dma_wait3A_287 : memref<640x128xf32, #tpu.memory_space<vmem_shared>>) dst(%dma_wait3A_284 : memref<640x128xf32, #tpu.memory_space<hbm>>)
        tpu.yield
      }) : () -> ()
    } else {
    }
    %lt3A_269 = arith.constant 5 : i32
    %lt3A_270 = arith.cmpi slt, %arg1, %lt3A_269 : i32
    %convert_element_type3A_271 = arith.extui %lt3A_270 : i1 to i32
    %cond3A_272 = arith.constant 0 : i32
    %cond3A_273 = arith.cmpi ne, %convert_element_type3A_271, %cond3A_272 : i32
    scf.if %cond3A_273 {
      %mul3A_274 = arith.constant 2000 : i32
      %mul3A_275 = arith.muli %arg1, %mul3A_274 : i32
      "tpu.region"() ({
        %run_scoped3A = tpu.sem_alloc : memref<!tpu.dma_semaphore, #tpu.memory_space<semaphore_mem>>
        %dma_start3A_281 = tpu.memref_slice %arg16[%mul3A_275] : memref<10000xf32, #tpu.memory_space<vmem_shared>> -> memref<2000xf32, #tpu.memory_space<vmem_shared>>
        %dma_start3A_282 = tpu.memref_slice %arg16[%mul3A_275] : memref<10000xf32, #tpu.memory_space<vmem_shared>> -> memref<2000xf32, #tpu.memory_space<vmem_shared>>
        tpu.enqueue_dma source(%dma_start3A_282 : memref<2000xf32, #tpu.memory_space<vmem_shared>>) target(%arg14 : memref<2000xf32, #tpu.memory_space<vmem>>) target_semaphore(%run_scoped3A : memref<!tpu.dma_semaphore, #tpu.memory_space<semaphore_mem>>)
        %dma_wait3A_283 = tpu.memref_slice %arg16[%mul3A_275] : memref<10000xf32, #tpu.memory_space<vmem_shared>> -> memref<2000xf32, #tpu.memory_space<vmem_shared>>
        %dma_wait3A_284 = tpu.memref_slice %arg16[%mul3A_275] : memref<10000xf32, #tpu.memory_space<vmem_shared>> -> memref<2000xf32, #tpu.memory_space<vmem_shared>>
        tpu.wait_dma2 semaphore(%run_scoped3A : memref<!tpu.dma_semaphore, #tpu.memory_space<semaphore_mem>>) src(%dma_wait3A_284 : memref<2000xf32, #tpu.memory_space<vmem_shared>>) dst(%arg14 : memref<2000xf32, #tpu.memory_space<vmem>>)
        tpu.yield
      }) : () -> ()
      %mul3A_276 = arith.constant 10000 : i32
      %mul3A_277 = arith.muli %arg0, %mul3A_276 : i32
      %mul3A_278 = arith.constant 2000 : i32
      %mul3A_279 = arith.muli %arg1, %mul3A_278 : i32
      %add3A_280 = arith.addi %mul3A_277, %mul3A_279 : i32
      "tpu.region"() ({
        %run_scoped3A = tpu.sem_alloc : memref<!tpu.dma_semaphore, #tpu.memory_space<semaphore_mem>>
        %dma_start3A_281 = tpu.memref_slice %arg6[%add3A_280] : memref<20000xf32, #tpu.memory_space<hbm>> -> memref<2000xf32, #tpu.memory_space<hbm>>
        %dma_start3A_282 = tpu.memref_slice %arg6[%add3A_280] : memref<20000xf32, #tpu.memory_space<hbm>> -> memref<2000xf32, #tpu.memory_space<hbm>>
        tpu.enqueue_dma source(%arg14 : memref<2000xf32, #tpu.memory_space<vmem>>) target(%dma_start3A_282 : memref<2000xf32, #tpu.memory_space<hbm>>) target_semaphore(%run_scoped3A : memref<!tpu.dma_semaphore, #tpu.memory_space<semaphore_mem>>)
        %dma_wait3A_283 = tpu.memref_slice %arg6[%add3A_280] : memref<20000xf32, #tpu.memory_space<hbm>> -> memref<2000xf32, #tpu.memory_space<hbm>>
        %dma_wait3A_284 = tpu.memref_slice %arg6[%add3A_280] : memref<20000xf32, #tpu.memory_space<hbm>> -> memref<2000xf32, #tpu.memory_space<hbm>>
        tpu.wait_dma2 semaphore(%run_scoped3A : memref<!tpu.dma_semaphore, #tpu.memory_space<semaphore_mem>>) src(%arg14 : memref<2000xf32, #tpu.memory_space<vmem>>) dst(%dma_wait3A_284 : memref<2000xf32, #tpu.memory_space<hbm>>)
        tpu.yield
      }) : () -> ()
    } else {
    }
    return
  }
}

module attributes {stable_mosaic.version = 14 : i64} {
  func.func @_tca_body(%arg0: memref<10000x128xf32, #tpu.memory_space<vmem>>, %arg1: memref<128x128xf32, #tpu.memory_space<vmem>>, %arg2: memref<1x128xf32, #tpu.memory_space<vmem>>, %arg3: memref<10000x128xf32, #tpu.memory_space<vmem>>) attributes {dimension_semantics = [], scalar_prefetch = 0 : i64, scratch_operands = 0 : i64, tpu.core_type = #tpu.core_type<tc>} {
    %get3A = arith.constant 0 : index
    %get3A_0 = arith.constant 0 : index
    %get3A_1 = vector.load %arg0[%get3A, %get3A_0] : memref<10000x128xf32, #tpu.memory_space<vmem>>, vector<10000x128xf32>
    %get3A_2 = arith.constant 0 : index
    %get3A_3 = arith.constant 0 : index
    %get3A_4 = vector.load %arg1[%get3A_2, %get3A_3] : memref<128x128xf32, #tpu.memory_space<vmem>>, vector<128x128xf32>
    %dot_general3A = arith.constant dense<0.000000e+00> : vector<10000x128xf32>
    %dot_general3A_5 = tpu.matmul %get3A_1, %get3A_4, %dot_general3A {dimension_numbers = #tpu.dot_dimension_numbers<[1], [0], [0], [1], [0, 0, 1, 1], [], []>, transpose_lhs_hint = false} : vector<10000x128xf32>, vector<128x128xf32>, vector<10000x128xf32> -> vector<10000x128xf32>
    %get3A_6 = arith.constant 0 : index
    %get3A_7 = arith.constant 0 : index
    %get3A_8 = vector.load %arg2[%get3A_6, %get3A_7] : memref<1x128xf32, #tpu.memory_space<vmem>>, vector<1x128xf32>
    %add3A = vector.broadcast %get3A_8 : vector<1x128xf32> to vector<10000x128xf32>
    %add3A_9 = arith.addf %dot_general3A_5, %add3A : vector<10000x128xf32>
    %swap3A = arith.constant 0 : index
    %swap3A_10 = arith.constant 0 : index
    %swap3A_11 = vector.load %arg3[%swap3A, %swap3A_10] : memref<10000x128xf32, #tpu.memory_space<vmem>>, vector<10000x128xf32>
    tpu.vector_store %arg3[%swap3A, %swap3A_10], %add3A_9 {strides = array<i32>} : memref<10000x128xf32, #tpu.memory_space<vmem>>, vector<10000x128xf32>,
    return
  }
}

module attributes {stable_mosaic.version = 14 : i64} {
  func.func @_tc1_body(%arg0: memref<10000x128xf32, #tpu.memory_space<vmem>>, %arg1: memref<2x10000x128xf32, #tpu.memory_space<vmem>>, %arg2: memref<20000xf32, #tpu.memory_space<vmem>>, %arg3: memref<128x128xf32, #tpu.memory_space<vmem>>, %arg4: memref<1x128xf32, #tpu.memory_space<vmem>>, %arg5: memref<1x128xf32, #tpu.memory_space<vmem>>, %arg6: memref<128x64xf32, #tpu.memory_space<vmem>>, %arg7: memref<128x64xf32, #tpu.memory_space<vmem>>, %arg8: memref<1x64xf32, #tpu.memory_space<vmem>>, %arg9: memref<10000x64xf32, #tpu.memory_space<vmem>>, %arg10: memref<10000x64xf32, #tpu.memory_space<vmem>>) attributes {dimension_semantics = [], scalar_prefetch = 0 : i64, scratch_operands = 0 : i64, tpu.core_type = #tpu.core_type<tc>} {
    %get3A = arith.constant 0 : index
    %get3A_0 = vector.load %arg2[%get3A] : memref<20000xf32, #tpu.memory_space<vmem>>, vector<10000xf32>
    %get3A_1 = arith.constant 10000 : index
    %get3A_2 = vector.load %arg2[%get3A_1] : memref<20000xf32, #tpu.memory_space<vmem>>, vector<10000xf32>
    %add3A = arith.addf %get3A_0, %get3A_2 : vector<10000xf32>
    %max3A = arith.constant 1.000000e+00 : f32
    %max3A_3 = vector.broadcast %max3A : f32 to vector<10000xf32>
    %max3A_4 = arith.maximumf %add3A, %max3A_3 : vector<10000xf32>
    %div3A = arith.constant 1.000000e+00 : f32
    %div3A_5 = vector.broadcast %div3A : f32 to vector<10000xf32>
    %div3A_6 = arith.divf %div3A_5, %max3A_4 : vector<10000xf32>
    %broadcast_in_dim3A = vector.shape_cast %div3A_6 : vector<10000xf32> to vector<10000x1xf32>
    %get3A_7 = arith.constant 0 : index
    %get3A_8 = arith.constant 0 : index
    %get3A_9 = arith.constant 0 : index
    %get3A_10 = vector.load %arg1[%get3A_7, %get3A_8, %get3A_9] : memref<2x10000x128xf32, #tpu.memory_space<vmem>>, vector<1x10000x128xf32>
    %get3A_11 = vector.shape_cast %get3A_10 : vector<1x10000x128xf32> to vector<10000x128xf32>
    %get3A_12 = arith.constant 1 : index
    %get3A_13 = arith.constant 0 : index
    %get3A_14 = arith.constant 0 : index
    %get3A_15 = vector.load %arg1[%get3A_12, %get3A_13, %get3A_14] : memref<2x10000x128xf32, #tpu.memory_space<vmem>>, vector<1x10000x128xf32>
    %get3A_16 = vector.shape_cast %get3A_15 : vector<1x10000x128xf32> to vector<10000x128xf32>
    %add3A_17 = arith.addf %get3A_11, %get3A_16 : vector<10000x128xf32>
    %mul3A = vector.broadcast %broadcast_in_dim3A : vector<10000x1xf32> to vector<10000x128xf32>
    %mul3A_18 = arith.mulf %add3A_17, %mul3A : vector<10000x128xf32>
    %get3A_19 = arith.constant 0 : index
    %get3A_20 = arith.constant 0 : index
    %get3A_21 = vector.load %arg0[%get3A_19, %get3A_20] : memref<10000x128xf32, #tpu.memory_space<vmem>>, vector<10000x128xf32>
    %get3A_22 = arith.constant 0 : index
    %get3A_23 = arith.constant 0 : index
    %get3A_24 = vector.load %arg3[%get3A_22, %get3A_23] : memref<128x128xf32, #tpu.memory_space<vmem>>, vector<128x128xf32>
    %dot_general3A = arith.constant dense<0.000000e+00> : vector<10000x128xf32>
    %dot_general3A_25 = tpu.matmul %mul3A_18, %get3A_24, %dot_general3A {dimension_numbers = #tpu.dot_dimension_numbers<[1], [0], [0], [1], [0, 0, 1, 1], [], []>, transpose_lhs_hint = false} : vector<10000x128xf32>, vector<128x128xf32>, vector<10000x128xf32> -> vector<10000x128xf32>
    %add3A_26 = arith.addf %get3A_21, %dot_general3A_25 : vector<10000x128xf32>
    %reduce_sum3A = arith.constant dense<0.000000e+00> : vector<128xf32>
    %reduce_sum3A_27 = vector.multi_reduction <add>, %add3A_26, %reduce_sum3A [0] : vector<10000x128xf32> to vector<128xf32>
    %broadcast_in_dim3A_28 = vector.shape_cast %reduce_sum3A_27 : vector<128xf32> to vector<1x128xf32>
    %div3A_29 = arith.constant 1.000000e+04 : f32
    %div3A_30 = vector.broadcast %div3A_29 : f32 to vector<1x128xf32>
    %div3A_31 = arith.divf %broadcast_in_dim3A_28, %div3A_30 : vector<1x128xf32>
    %sub3A = vector.broadcast %div3A_31 : vector<1x128xf32> to vector<10000x128xf32>
    %sub3A_32 = arith.subf %add3A_26, %sub3A : vector<10000x128xf32>
    %square3A = arith.mulf %sub3A_32, %sub3A_32 : vector<10000x128xf32>
    %reduce_sum3A_33 = arith.constant dense<0.000000e+00> : vector<128xf32>
    %reduce_sum3A_34 = vector.multi_reduction <add>, %square3A, %reduce_sum3A_33 [0] : vector<10000x128xf32> to vector<128xf32>
    %broadcast_in_dim3A_35 = vector.shape_cast %reduce_sum3A_34 : vector<128xf32> to vector<1x128xf32>
    %div3A_36 = arith.constant 1.000000e+04 : f32
    %div3A_37 = vector.broadcast %div3A_36 : f32 to vector<1x128xf32>
    %div3A_38 = arith.divf %broadcast_in_dim3A_35, %div3A_37 : vector<1x128xf32>
    %get3A_39 = arith.constant 0 : index
    %get3A_40 = arith.constant 0 : index
    %get3A_41 = vector.load %arg4[%get3A_39, %get3A_40] : memref<1x128xf32, #tpu.memory_space<vmem>>, vector<1x128xf32>
    %sub3A_42 = vector.broadcast %div3A_31 : vector<1x128xf32> to vector<10000x128xf32>
    %sub3A_43 = arith.subf %add3A_26, %sub3A_42 : vector<10000x128xf32>
    %mul3A_44 = vector.broadcast %get3A_41 : vector<1x128xf32> to vector<10000x128xf32>
    %mul3A_45 = arith.mulf %mul3A_44, %sub3A_43 : vector<10000x128xf32>
    %add3A_46 = arith.constant 9.99999974E-6 : f32
    %add3A_47 = vector.broadcast %add3A_46 : f32 to vector<1x128xf32>
    %add3A_48 = arith.addf %div3A_38, %add3A_47 : vector<1x128xf32>
    %rsqrt3A = math.rsqrt %add3A_48 : vector<1x128xf32>
    %mul3A_49 = vector.broadcast %rsqrt3A : vector<1x128xf32> to vector<10000x128xf32>
    %mul3A_50 = arith.mulf %mul3A_45, %mul3A_49 : vector<10000x128xf32>
    %get3A_51 = arith.constant 0 : index
    %get3A_52 = arith.constant 0 : index
    %get3A_53 = vector.load %arg5[%get3A_51, %get3A_52] : memref<1x128xf32, #tpu.memory_space<vmem>>, vector<1x128xf32>
    %add3A_54 = vector.broadcast %get3A_53 : vector<1x128xf32> to vector<10000x128xf32>
    %add3A_55 = arith.addf %mul3A_50, %add3A_54 : vector<10000x128xf32>
    %max3A_56 = arith.constant 0.000000e+00 : f32
    %max3A_57 = vector.broadcast %max3A_56 : f32 to vector<10000x128xf32>
    %max3A_58 = arith.maximumf %add3A_55, %max3A_57 : vector<10000x128xf32>
    %get3A_59 = arith.constant 0 : index
    %get3A_60 = arith.constant 0 : index
    %get3A_61 = vector.load %arg7[%get3A_59, %get3A_60] : memref<128x64xf32, #tpu.memory_space<vmem>>, vector<128x64xf32>
    %dot_general3A_62 = arith.constant dense<0.000000e+00> : vector<10000x64xf32>
    %dot_general3A_63 = tpu.matmul %max3A_58, %get3A_61, %dot_general3A_62 {dimension_numbers = #tpu.dot_dimension_numbers<[1], [0], [0], [1], [0, 0, 1, 1], [], []>, transpose_lhs_hint = false} : vector<10000x128xf32>, vector<128x64xf32>, vector<10000x64xf32> -> vector<10000x64xf32>
    %swap3A = arith.constant 0 : index
    %swap3A_64 = arith.constant 0 : index
    %swap3A_65 = vector.load %arg9[%swap3A, %swap3A_64] : memref<10000x64xf32, #tpu.memory_space<vmem>>, vector<10000x64xf32>
    tpu.vector_store %arg9[%swap3A, %swap3A_64], %dot_general3A_63 {strides = array<i32>} : memref<10000x64xf32, #tpu.memory_space<vmem>>, vector<10000x64xf32>,
    %get3A_66 = arith.constant 0 : index
    %get3A_67 = arith.constant 0 : index
    %get3A_68 = vector.load %arg6[%get3A_66, %get3A_67] : memref<128x64xf32, #tpu.memory_space<vmem>>, vector<128x64xf32>
    %dot_general3A_69 = arith.constant dense<0.000000e+00> : vector<10000x64xf32>
    %dot_general3A_70 = tpu.matmul %max3A_58, %get3A_68, %dot_general3A_69 {dimension_numbers = #tpu.dot_dimension_numbers<[1], [0], [0], [1], [0, 0, 1, 1], [], []>, transpose_lhs_hint = false} : vector<10000x128xf32>, vector<128x64xf32>, vector<10000x64xf32> -> vector<10000x64xf32>
    %get3A_71 = arith.constant 0 : index
    %get3A_72 = arith.constant 0 : index
    %get3A_73 = vector.load %arg8[%get3A_71, %get3A_72] : memref<1x64xf32, #tpu.memory_space<vmem>>, vector<1x64xf32>
    %add3A_74 = vector.broadcast %get3A_73 : vector<1x64xf32> to vector<10000x64xf32>
    %add3A_75 = arith.addf %dot_general3A_70, %add3A_74 : vector<10000x64xf32>
    %swap3A_76 = arith.constant 0 : index
    %swap3A_77 = arith.constant 0 : index
    %swap3A_78 = vector.load %arg10[%swap3A_76, %swap3A_77] : memref<10000x64xf32, #tpu.memory_space<vmem>>, vector<10000x64xf32>
    tpu.vector_store %arg10[%swap3A_76, %swap3A_77], %add3A_75 {strides = array<i32>} : memref<10000x64xf32, #tpu.memory_space<vmem>>, vector<10000x64xf32>,
    return
  }
}

module attributes {stable_mosaic.version = 14 : i64} {
  func.func @_tc2_body(%arg0: memref<10000x64xf32, #tpu.memory_space<vmem>>, %arg1: memref<2x10000x64xf32, #tpu.memory_space<vmem>>, %arg2: memref<20000xf32, #tpu.memory_space<vmem>>, %arg3: memref<10000x64xf32, #tpu.memory_space<vmem>>) attributes {dimension_semantics = [], scalar_prefetch = 0 : i64, scratch_operands = 0 : i64, tpu.core_type = #tpu.core_type<tc>} {
    %get3A = arith.constant 0 : index
    %get3A_0 = vector.load %arg2[%get3A] : memref<20000xf32, #tpu.memory_space<vmem>>, vector<10000xf32>
    %get3A_1 = arith.constant 10000 : index
    %get3A_2 = vector.load %arg2[%get3A_1] : memref<20000xf32, #tpu.memory_space<vmem>>, vector<10000xf32>
    %add3A = arith.addf %get3A_0, %get3A_2 : vector<10000xf32>
    %max3A = arith.constant 1.000000e+00 : f32
    %max3A_3 = vector.broadcast %max3A : f32 to vector<10000xf32>
    %max3A_4 = arith.maximumf %add3A, %max3A_3 : vector<10000xf32>
    %div3A = arith.constant 1.000000e+00 : f32
    %div3A_5 = vector.broadcast %div3A : f32 to vector<10000xf32>
    %div3A_6 = arith.divf %div3A_5, %max3A_4 : vector<10000xf32>
    %broadcast_in_dim3A = vector.shape_cast %div3A_6 : vector<10000xf32> to vector<10000x1xf32>
    %get3A_7 = arith.constant 0 : index
    %get3A_8 = arith.constant 0 : index
    %get3A_9 = vector.load %arg0[%get3A_7, %get3A_8] : memref<10000x64xf32, #tpu.memory_space<vmem>>, vector<10000x64xf32>
    %get3A_10 = arith.constant 0 : index
    %get3A_11 = arith.constant 0 : index
    %get3A_12 = arith.constant 0 : index
    %get3A_13 = vector.load %arg1[%get3A_10, %get3A_11, %get3A_12] : memref<2x10000x64xf32, #tpu.memory_space<vmem>>, vector<1x10000x64xf32>
    %get3A_14 = vector.shape_cast %get3A_13 : vector<1x10000x64xf32> to vector<10000x64xf32>
    %get3A_15 = arith.constant 1 : index
    %get3A_16 = arith.constant 0 : index
    %get3A_17 = arith.constant 0 : index
    %get3A_18 = vector.load %arg1[%get3A_15, %get3A_16, %get3A_17] : memref<2x10000x64xf32, #tpu.memory_space<vmem>>, vector<1x10000x64xf32>
    %get3A_19 = vector.shape_cast %get3A_18 : vector<1x10000x64xf32> to vector<10000x64xf32>
    %add3A_20 = arith.addf %get3A_14, %get3A_19 : vector<10000x64xf32>
    %mul3A = vector.broadcast %broadcast_in_dim3A : vector<10000x1xf32> to vector<10000x64xf32>
    %mul3A_21 = arith.mulf %add3A_20, %mul3A : vector<10000x64xf32>
    %add3A_22 = arith.addf %get3A_9, %mul3A_21 : vector<10000x64xf32>
    %swap3A = arith.constant 0 : index
    %swap3A_23 = arith.constant 0 : index
    %swap3A_24 = vector.load %arg3[%swap3A, %swap3A_23] : memref<10000x64xf32, #tpu.memory_space<vmem>>, vector<10000x64xf32>
    tpu.vector_store %arg3[%swap3A, %swap3A_23], %add3A_22 {strides = array<i32>} : memref<10000x64xf32, #tpu.memory_space<vmem>>, vector<10000x64xf32>,
    return
  }
}

</mosaic_0001>

<sc_bundles>
// kernel: kernel.10.cloned.1.call-start
scs
__scs_entry_jumppad:
0x0: {  	(pc) =	sbr.rel $0x88, $3  }
0x1: {  	(tag) =	ssettag $0x0;
	lr =	simm.s32 $0x1  }
0x2: {  	[smem:$0x3F97] =	sst lr;
	_ =	strace $0xD0000000  }
0x3: {  	_ = 	snop  }
0x4: {  	_ = 	snop  }
0x5: {  	_ = 	snop  }
0x6: {  	_ = 	snop  }
0x7: {  	_ = 	snop  }
__scs_overlays_trampoline_lowered:
0x8: {  	[smem:$0x3FA6] =	sst s0  }
0x9: {  	[smem:$0x3FA7] =	sst s1  }
0xa: {  	[smem:$0x3FA8] =	sst s2  }
0xb: {  	[smem:$0x3FA9] =	sst s3  }
0xc: {  	[smem:$0x3FAA] =	sst s4  }
0xd: {  	[smem:$0x3FAB] =	sst s5  }
0xe: {  	[smem:$0x3FAC] =	sst s6  }
0xf: {  	[smem:$0x3FAD] =	sst s7  }
0x10: {  	[smem:$0x3FAE] =	sst s8  }
0x11: {  	[smem:$0x3FAF] =	sst s9;
	s0 =	simm.s32 @!p0 $0x0  }
0x12: {  	s1 =	sld [smem:$0x3F95];
	s0 =	simm.s32 @p0 $0x1  }
0x13: {  	[smem:$0x3FB0] =	sst s0;
	s0 =	simm.s32 @!p1 $0x0  }
0x14: {  	s2 =	sld [smem:$0x3F94];
	s0 =	simm.s32 @p1 $0x1  }
0x15: {  	[smem:$0x3FB1] =	sst s0;
	s0 =	simm.s32 @!p2 $0x0  }
0x16: {  	s3 =	sld [smem:$0x3FDB];
	s0 =	simm.s32 @p2 $0x1  }
0x17: {  	s4 =	simm.s32 $0x1BF5;
	[smem:$0x3FB3] =	sst s0  }
0x18: {  	s0 =	sld [smem:$0x3F96];
	_ =	swait.ge [sflag:s4], $0x0  }
0x19: {  	s7 =	sld [smem:$0x3F97]  }
0x1a: {  	s8 =	sadd.s32 $0xFFFFE003, lr  }
0x1b: {  	s9 =	sadd.s32 $0xFFFFFEF7, lr;
	s5 =	simm.s32 $0xFFFFFFFF;
	p2 =	slt.u32 s8, $0xFFFFF086  }
0x1c: {  	p1 =	slt.u32 s9, $0xF7A;
	s5 =	simm.s32 @!p2 $0x0  }
0x1d: {  	s5 =	simm.s32 @p1 $0x1;
	p0 =	seq.s32 s7, s2  }
0x1e: {  	s7 =	smul.u32 @!p0 $0xF7A, s2;
	p2 =	seq.s32 @!p0 s5, $0x0  }
0x1f: {  	s9 =	smul.u32 $0xF7A, s1;
	s8 =	simm.s32 @!p0 $0x1BF5;
	p2 =	por !p2, p0  }
0x20: {  	[sflag:s8] =	ssyncset.s32 @!p0 $0xFFFFF086;
	s6 =	sadd.s32 @!p0 s3, s7;
	s7 =	simm.s32 @!p0 $0x108  }
0x21: {  	s3 =	sadd.s32 s3, s9;
	s6 =	sadd.s32 @!p0 $0x88, s6;
	s7 =	simm.s32 @p2 $0x1082  }
0x22: {  	[simem:s7], [sflag:s8] =	dma.local @!p0 [hbm:s6], $0xF7A  }
0x23: {  	s9 =	sor.u32 $0xD0000000, s2;
	s6 =	simm.s32 $0x108;
	_ =	swait.ge @!p0 [sflag:s8], $0x0  }
0x24: {  	s3 =	sadd.s32 $0x88, s3;
	s6 =	simm.s32 @!p1 $0x1082;
	[sflag:s4] =	ssyncset.s32 $0xFFFFF086  }
0x25: {  	[simem:s6], [sflag:s4] =	dma.local [hbm:s3], $0xF7A  }
0x26: {  	[smem:$0x3F97] =	sst s1;
	(tag) =	ssettag s2;
	_ =	strace s9  }
0x27: {  	s1 =	sld [smem:$0x3FA7]  }
0x28: {  	s2 =	sld [smem:$0x3FA8]  }
0x29: {  	s4 =	sld [smem:$0x3FAA]  }
0x2a: {  	p0 =	seq.s32 s5, $0x0;
	s5 =	sld [smem:$0x3FAB]  }
0x2b: {  	s6 =	sld [smem:$0x3FAC]  }
0x2c: {  	s7 =	sld [smem:$0x3FAD]  }
0x2d: {  	s3 =	simm.s32 $0x108;
	s8 =	sld [smem:$0x3FAE]  }
0x2e: {  	s3 =	simm.s32 @!p0 $0x1082;
	s9 =	sld [smem:$0x3FAF]  }
0x2f: {  	lr =	sadd.s32 s0, s3;
	s0 =	sld [smem:$0x3FA6]  }
0x30: {  	s3 =	sld [smem:$0x3FA9]  }
0x31: {  	[smem:$0x3FB2] =	sst s10  }
0x32: {  	s10 =	sld [smem:$0x3FB0];
	_ =	sdelay $0x3  }
0x33: {  	p0 =	seq.s32 s10, $0x1;
	s10 =	sld [smem:$0x3FB2];
	_ =	sdelay $0x3  }
0x34: {  	[smem:$0x3FB2] =	sst s10  }
0x35: {  	s10 =	sld [smem:$0x3FB1];
	_ =	sdelay $0x3  }
0x36: {  	p1 =	seq.s32 s10, $0x1;
	s10 =	sld [smem:$0x3FB2];
	_ =	sdelay $0x3  }
0x37: {  	[smem:$0x3FB2] =	sst s10  }
0x38: {  	s10 =	sld [smem:$0x3FB3]  }
0x39: {  	_ = 	snop;
	(pc) =	sbr.ind lr, $3  }
0x3a: {  	_ = 	snop  }
0x3b: {  	_ = 	snop  }
0x3c: {  	p2 =	seq.s32 s10, $0x1;
	s10 =	sld [smem:$0x3FB2]  }
0x3d: {  	_ =	shalt  }
0x3e: {  	_ =	shalt  }
0x3f: {  	_ =	shalt  }
0x40: {  	_ =	shalt  }
0x41: {  	_ =	shalt  }
0x42: {  	_ =	shalt  }
0x43: {  	_ =	shalt  }
0x44: {  	_ =	shalt  }
0x45: {  	_ =	shalt  }
0x46: {  	_ =	shalt  }
0x47: {  	_ =	shalt  }
0x48: {  	_ =	shalt  }
0x49: {  	_ =	shalt  }
0x4a: {  	_ =	shalt  }
0x4b: {  	_ =	shalt  }
0x4c: {  	_ =	shalt  }
0x4d: {  	_ =	shalt  }
0x4e: {  	_ =	shalt  }
0x4f: {  	_ =	shalt  }
0x50: {  	_ =	shalt  }
0x51: {  	_ =	shalt  }
0x52: {  	_ =	shalt  }
0x53: {  	_ =	shalt  }
0x54: {  	_ =	shalt  }
0x55: {  	_ =	shalt  }
0x56: {  	_ =	shalt  }
0x57: {  	_ =	shalt  }
0x58: {  	_ =	shalt  }
0x59: {  	_ =	shalt  }
0x5a: {  	_ =	shalt  }
0x5b: {  	_ =	shalt  }
0x5c: {  	_ =	shalt  }
0x5d: {  	_ =	shalt  }
0x5e: {  	_ =	shalt  }
0x5f: {  	_ =	shalt  }
0x60: {  	_ =	shalt  }
0x61: {  	_ =	shalt  }
0x62: {  	_ =	shalt  }
0x63: {  	_ =	shalt  }
0x64: {  	_ =	shalt  }
0x65: {  	_ =	shalt  }
0x66: {  	_ =	shalt  }
0x67: {  	_ =	shalt  }
0x68: {  	_ =	shalt  }
0x69: {  	_ =	shalt  }
0x6a: {  	_ =	shalt  }
0x6b: {  	_ =	shalt  }
0x6c: {  	_ =	shalt  }
0x6d: {  	_ =	shalt  }
0x6e: {  	_ =	shalt  }
0x6f: {  	_ =	shalt  }
0x70: {  	_ =	shalt  }
0x71: {  	_ =	shalt  }
0x72: {  	_ =	shalt  }
0x73: {  	_ =	shalt  }
0x74: {  	_ =	shalt  }
0x75: {  	_ =	shalt  }
0x76: {  	_ =	shalt  }
0x77: {  	_ =	shalt  }
0x78: {  	_ =	shalt  }
0x79: {  	_ =	shalt  }
0x7a: {  	_ =	shalt  }
0x7b: {  	_ =	shalt  }
0x7c: {  	_ =	shalt  }
0x7d: {  	_ =	shalt  }
0x7e: {  	_ =	shalt  }
0x7f: {  	_ =	shalt  }
0x80: {  	_ =	shalt  }
0x81: {  	_ =	shalt  }
0x82: {  	_ =	shalt  }
0x83: {  	_ =	shalt  }
0x84: {  	_ =	shalt  }
0x85: {  	_ =	shalt  }
0x86: {  	_ =	shalt  }
0x87: {  	_ =	shalt  }
.Lfunc_end0:
.L_simem_size_0:
called_computation.1_lowered:
.L_overlay_start_0:
0x88: {  	s2 =	sld [smem:$0x3FD9]  }
0x89: {  	s3 =	sld [smem:$0x3FFE];
	_ =	sdelay $0x1  }
0x8a: {  	s1 =	srdreg.scid  }
0x8b: {  	s0 =	sand.u32 $0x1, s1  }
0x8c: {  	s17 =	sshll.u32 s0, $0xA;
	s2 =	sadd.s32 s3, s2  }
0x8d: {  	s2 =	sadd.s32 s2, s17  }
0x8e: {  	[smem:$0x3FBE] =	sst s2  }
0x8f: {  	_ = 	snop  }
0x90: {  	s2 =	sld [smem:$0x3FD0];
	(tm) =	ssettm $0x1  }
0x91: {  	s18 =	sld [smem:$0x3FFB];
	_ =	sdelay $0x3  }
0x92: {  	_ =	strace s18  }
0x93: {  	s3 =	sld [smem:$0x3FFC];
	_ =	sdelay $0x3  }
0x94: {  	_ =	strace s3  }
0x95: {  	s3 =	sld [smem:$0x3FFD];
	_ =	sdelay $0x3  }
0x96: {  	_ =	strace s3  }
0x97: {  	_ =	strace $0x8FFFFFFF  }
0x98: {  	s19 =	sld [smem:$0x3FDB];
	_ =	sdelay $0x1  }
0x99: {  	s4 =	simm.s32 $_scs_section_size  }
0x9a: {  	s5 =	simm.s32 $_size__tile_overlayer_lowered;
	s6 =	simm.s32 $_tile_overlayer_lowered  }
0x9b: {  	s22 =	simm.s32 $0x1BFF;
	s21 =	sshll.u32 s6, $0x1;
	s3 =	sadd.s32 s4, s19  }
0x9c: {  	s7 =	simm.s32 $0x0;
	s20 =	sshll.u32 s5, $0x1;
	s5 =	sadd.s32 s21, s3  }
0x9d: {  	[timem:s7], [sflag:s22] =	dma.local [hbm:s5], s20  }
0x9e: {  	_ =	swait.ge [sflag:s22], s20  }
0x9f: {  	s4 =	ssub.s32 $0x0, s20;
	[sflag:s22] =	ssyncset.done $0x0  }
0xa0: {  	[sflag:s22] =	ssyncadd.s32 s4;
	_ =	sdelay $0x1  }
0xa1: {  	s23 =	simm.s32 $0x1B8B  }
0xa2: {  	_ =	swait.ge [sflag:s23], $0x1  }
0xa3: {  	[sflag:s23] =	ssyncset.done $0x0  }
0xa4: {  	s25 =	simm.s32 $0x1B8E;
	s24 =	sld [smem:$0x3FFE];
	[sflag:s23] =	ssyncadd.s32 $0xFFFFFFFF  }
0xa5: {  	s26 =	simm.s32 $execute0_lowered;
	[smem:$0x3FD2] =	sst s25  }
0xa6: {  	s5 =	sshll.u32 s26, $0x1;
	_ =	strace $0x80000049;
	[dreg:$0x1] =	wrdreg $0xFFFFFFFF  }
0xa7: {  	s28 =	simm.s32 $_size_execute0_lowered;
	s3 =	sadd.s32 s3, s5;
	[dreg:$0x0] =	wrdreg $0x0  }
0xa8: {  	s5 =	sshll.u32 s28, $0x1;
	[dreg:$0x2] =	wrdreg s3  }
0xa9: {  	[dreg:$0x3] =	wrdreg s5  }
0xaa: {  	[dreg:$0x4] =	wrdreg $0xC0  }
0xab: {  	_ =	task [dreg:s7], $0x5FFFF  }
0xac: {  	[dreg:$0x1] =	wrdreg $0xFFFFFFFF  }
0xad: {  	[dreg:$0x0] =	wrdreg $0x60  }
0xae: {  	[dreg:$0x2] =	wrdreg s2  }
0xaf: {  	[dreg:$0x3] =	wrdreg s24  }
0xb0: {  	[dreg:$0x4] =	wrdreg $0xC6200  }
0xb1: {  	[dreg:$0x5] =	wrdreg $0x9  }
0xb2: {  	_ =	task.clear_ibuf [dreg:s7], $0x6FFFF;
	_ =	strace $0x90000049  }
0xb3: {  	s29 =	simm.s32 $0x9;
	_ =	strace $0x8000004B  }
0xb4: {  	_ =	swait.ge [sflag:s29], $0x1  }
0xb5: {  	[sflag:s29] =	ssyncadd.s32 $0xFFFFFFFF  }
0xb6: {  	_ =	strace $0x9000004B  }
0xb7: {  	_ =	sfence  }
0xb8: {  	s30 =	sld [smem:$0x0];
	_ =	sdelay $0x2  }
0xb9: {  	s31 =	sshll.u32 s1, $0xD;
	s1 =	sshrl.u32 s1, $0x2  }
0xba: {  	s3 =	sand.u32 $0x4000, s31;
	s1 =	sadd.s32 s1, s30  }
0xbb: {  	s0 =	sor.u32 s3, s0;
	s1 =	sshll.u32 s1, $0x11  }
0xbc: {  	s0 =	sor.u32 s1, s0  }
0xbd: {  	s0 =	sadd.s32 $0x8F2B, s0  }
0xbe: {  	[sflag:s0] =	ssyncadd.remote.s32 $0x1  }
0xbf: {  	_ =	sfence.sel $0xFFFF  }
0xc0: {  	[dreg:$0x0] =	wrdreg $0xFFFFFFFF;
	(pc) =	sbr.abs _section_cstart, $3  }
0xc1: {  	[dreg:$0x1] =	wrdreg $0xFFFFFFFF  }
0xc2: {  	_ =	task.clear_ibuf [dreg:s7], $0x2FFFF;
	_ =	strace $0x9FFFFFFF  }
0xc3: {  	(tm) =	ssettm $0x7FFFFFFF  }
tec
execute0_lowered:
.L_overlay_start_1:
0x0: {  	(tag) =	ssettag $0x1  }
0x1: {  	s1 =	rddreg [dreg:$0x0]  }
0x2: {  	s0 =	srdreg.scid;
	s2 =	rddreg [dreg:$0x1]  }
0x3: {  	s13 =	stileid.u32;
	s3 =	rddreg [dreg:$0x2]  }
0x4: {  	s15 =	simm.s32 $0xD;
	s17 =	simm.s32 $0x50;
	s18 =	simm.s32 $0x4E20  }
0x5: {  	s21 =	simm.s32 $0x7620;
	s28 =	simm.s32 $0x7;
	s29 =	simm.s32 $0x3  }
0x6: {  	s30 =	simm.s32 $0x9;
	s31 =	simm.s32 $0x5;
	s16 =	simm.s32 $0xB220  }
0x7: {  	s19 =	simm.s32 $0x0;
	s0 =	sand.u32 $0x1, s0;
	s9 =	smul.u32 $0x9C00, s13  }
0x8: {  	s10 =	sadd.s32 $0x15C00, s2;
	s12 =	sadd.s32 $0x92400, s3;
	p0 =	seq.s32 s13, $0xF  }
0x9: {  	s4 =	sshll.u32 s0, $0x4;
	s6 =	ssub.s32 $0x2, s0;
	s0 =	smul.u32 $0x9C400, s0  }
0xa: {  	s12 =	sshrl.u32 @p0 s12, $0x3;
	s5 =	sor.u32 s13, s4;
	s4 =	simm.s32 $0x0  }
0xb: {  	s7 =	sshrl.u32 s9, $0x3;
	s8 =	sshrl.u32 s6, $0x1;
	s14 =	sadd.s32 s9, s3  }
0xc: {  	s5 =	smul.u32 $0x4E2, s5;
	[smem:$0x7FF] =	sst s4;
	s7 =	sadd.s32 s7, s2  }
0xd: {  	s11 =	ssub.s32 s6, s8;
	s26 =	sadd.s32 s9, s0;
	s0 =	sshrl.u32 s0, $0x3  }
0xe: {  	s14 =	sshrl.u32 @!p0 s14, $0x3;
	_ =	strace $0x8000004A;
	s23 =	sadd.s32 $0x2200, s7  }
0xf: {  	s5 =	sadd.s32 s5, s2;
	[dreg:$0x4] =	wrdreg s23;
	s2 =	sadd.s32 $0x14680, s2  }
0x10: {  	s0 =	sadd.s32 s10, s0;
	s11 =	smax.u32 s11, $0x1;
	[dreg:$0x5] =	wrdreg s2  }
.Ltmp0:
0x11: {  	s24 =	sadd.s32 $0x81400, s5;
	s25 =	sadd.s32 $0x77600, s5;
	(pc) =	sbr.rel .LBB2_1-.Ltmp0, $4  }
0x12: {  	s2 =	sshrl.u32 s26, $0x3;
	s26 =	simm.s32 $0x1;
	[dreg:$0x6] =	wrdreg s24  }
0x13: {  	[dreg:$0x7] =	wrdreg s25;
	s2 =	sadd.s32 s10, s2;
	s10 =	sadd.s32 $0x12480, s0  }
0x14: {  	s0 =	sshll.u32 @!p0 s13, $0x6;
	s25 =	simm.s32 $0x9E20;
	[dreg:$0x8] =	wrdreg s2  }
0x15: {  	s13 =	sor.u32 @!p0 $0x1C0D, s0;
	s2 =	simm.s32 $0xB;
	s0 =	simm.s32 $0x6  }
.LBB2_4:
0x16: {  	[bflag:$0x0] =	sbarrier.arrive $0xFFFF;
	s5 =	simm.s32 @p0 $0x1FCD  }
0x17: {  	[hbm:s10], [sflag:s5] =	dma.local @p0 [spmem:s12], $0x1400  }
0x18: {  	s5 =	simm.s32 @p0 $0xD  }
0x19: {  	_ =	swait.ge @p0 [sflag:s5], $0x1400  }
0x1a: {  	s19 =	sadd.s32 $0x1, s19;
	[sflag:s5] =	ssyncset.done @p0 $0x0  }
0x1b: {  	p1 =	sne.s32 s19, s11;
	[sflag:s5] =	ssyncadd.s32 @p0 $0xFFFFEC00;
	s5 =	rddreg [dreg:$0x8]  }
0x1c: {  	[hbm:s5], [sflag:s13] =	dma.local @!p0 [spmem:s14], $0x1380  }
.Ltmp1:
0x1d: {  	_ = 	snop;
	(pc) =	sbr.rel @!p1 .LBB2_5-.Ltmp1, $4  }
0x1e: {  	s5 =	simm.s32 @!p0 $0xD  }
0x1f: {  	_ =	swait.ge @!p0 [sflag:s5], $0x1380  }
0x20: {  	[sflag:s5] =	ssyncset.done @!p0 $0x0  }
0x21: {  	[sflag:s5] =	ssyncadd.s32 @!p0 $0xFFFFEC80  }
.LBB2_1:
0x22: {  	s5 =	simm.s32 @p0 $0x1FCD;
	s6 =	rddreg [dreg:$0x5]  }
0x23: {  	[spmem:s12], [sflag:s5] =	dma.local @p0 [hbm:s6], $0x1400  }
0x24: {  	s5 =	simm.s32 @p0 $0xD  }
0x25: {  	_ =	swait.ge @p0 [sflag:s5], $0x1400  }
0x26: {  	[sflag:s5] =	ssyncset.done @p0 $0x0  }
0x27: {  	[sflag:s5] =	ssyncadd.s32 @p0 $0xFFFFEC00;
	s5 =	rddreg [dreg:$0x4]  }
0x28: {  	[spmem:s14], [sflag:s13] =	dma.local @!p0 [hbm:s5], $0x1380  }
0x29: {  	s5 =	simm.s32 @!p0 $0xD  }
0x2a: {  	_ =	swait.ge @!p0 [sflag:s5], $0x1380  }
0x2b: {  	[sflag:s5] =	ssyncset.done @!p0 $0x0  }
0x2c: {  	s6 =	rddreg [dreg:$0x6];
	[sflag:s5] =	ssyncadd.s32 @!p0 $0xFFFFEC80  }
0x2d: {  	[tilespmem:s4], [sflag:$0xD] =	stream.linear.gather [hbm4b:s6+s4], $0x2710, $0x38;
	[tilespmem:$0x16260] =	vst v63  }
0x2e: {  	_ =	swait.ge [sflag:s15], $0x2710  }
0x2f: {  	[sflag:s15] =	ssyncset.done $0x0  }
0x30: {  	s8 =	simm.s32 $0x2710;
	s7 =	rddreg [dreg:$0x7];
	[sflag:s15] =	ssyncadd.s32 $0xFFFFD8F0  }
0x31: {  	[tilespmem:s8], [sflag:$0xD] =	stream.linear.gather [hbm4b:s7+s4], $0x2710, $0x38;
	[tilespmem:$0x16260] =	vst v63  }
0x32: {  	_ =	swait.ge [sflag:s15], $0x2710  }
0x33: {  	[sflag:s15] =	ssyncset.done $0x0  }
0x34: {  	[sflag:s15] =	ssyncadd.s32 $0xFFFFD8F0  }
0x35: {  	[bflag:$0x0] =	sbarrier.arrive $0xFFFF  }
0x36: {  	[tilespmem:s18], [sflag:$0x1] =	stream.indirect.gather [hbm4b:s1+s17], $0x40, s4, s17, $0xb8;
	[tilespmem:$0x16260] =	vst v63  }
0x37: {  	s9 =	simm.s32 $0x6220  }
0x38: {  	[tilespmem:s9], [sflag:$0x2] =	stream.indirect.gather [hbm4b:s1+s17], $0x40, s17, s17, $0xb8;
	[tilespmem:$0x16260] =	vst v63  }
0x39: {  	s20 =	simm.s32 $0xA0  }
0x3a: {  	[tilespmem:s21], [sflag:$0x3] =	stream.indirect.gather [hbm4b:s1+s17], $0x40, s20, s17, $0xb8;
	[tilespmem:$0x16260] =	vst v63  }
0x3b: {  	s22 =	simm.s32 $0xF0;
	s23 =	simm.s32 $0x8A20  }
0x3c: {  	[tilespmem:s23], [sflag:$0x4] =	stream.indirect.gather [hbm4b:s1+s17], $0x40, s22, s17, $0xb8;
	[tilespmem:$0x16260] =	vst v63  }
0x3d: {  	s24 =	simm.s32 $0x140;
	s20 =	simm.s32 $0xFFFFFFFE;
	s22 =	simm.s32 $0x0  }
0x3e: {  	[tilespmem:s25], [sflag:$0x5] =	stream.indirect.gather [hbm4b:s1+s17], $0x40, s24, s17, $0xb8;
	[tilespmem:$0x16260] =	vst v63  }
.LBB2_2:
0x3f: {  	p2 =	sgt.u32 s20, $0x7B  }
0x40: {  	s5 =	simm.s32 @!p2 $0xC  }
0x41: {  	p1 =	seq.s32 s22, $0x9600;
	_ =	swait.ge @!p2 [sflag:s5], $0x1400  }
0x42: {  	s24 =	sshra.s32 @!p1 s22, $0x2;
	s6 =	simm.s32 @!p1 $0xB220;
	[sflag:s5] =	ssyncset.done @!p2 $0x0  }
0x43: {  	s23 =	sadd.s32 @!p1 $0x190, s24;
	[sflag:s5] =	ssyncadd.s32 @!p2 $0xFFFFEC00;
	s5 =	simm.s32 @!p1 $0x50  }
0x44: {  	[tilespmem:s6], [sflag:$0x6] =	stream.indirect.gather @!p1 [hbm4b:s1+s5], $0x40, s23, s5, $0xb8;
	[tilespmem:$0x16260] =	vst v63  }
0x45: {  	_ =	swait.ge [sflag:s26], $0x1400  }
0x46: {  	s23 =	sshra.s32 s22, $0x2;
	[sflag:s26] =	ssyncset.done $0x0  }
0x47: {  	s8 =	sadd.s32 $0x2710, s23;
	[sflag:s26] =	ssyncadd.s32 $0xFFFFEC00  }
0x48: {  	[spmem:s3] =	stream.indirect.scatter.add.f32 [tilespmem:s18], [sflag:$0x7], $0x40, s8, s17, $0xb8;
	[tilespmem:$0x16260] =	vst v63  }
0x49: {  	_ =	swait.ge [sflag:s28], $0x1400  }
0x4a: {  	[sflag:s28] =	ssyncset.done $0x0  }
0x4b: {  	s6 =	simm.s32 @p1 $0x2;
	[sflag:s28] =	ssyncadd.s32 $0xFFFFEC00  }
0x4c: {  	_ =	swait.ge @p1 [sflag:s6], $0x1400  }
0x4d: {  	[sflag:s6] =	ssyncset.done @p1 $0x0  }
0x4e: {  	[sflag:s6] =	ssyncadd.s32 @p1 $0xFFFFEC00;
	s6 =	sshra.s32 @p1 s22, $0x2  }
0x4f: {  	s9 =	simm.s32 @p1 $0x6220;
	s8 =	simm.s32 @p1 $0x50;
	s7 =	sadd.s32 @p1 $0x2760, s6  }
0x50: {  	[spmem:s3] =	stream.indirect.scatter.add.f32 @p1 [tilespmem:s9], [sflag:$0x8], $0x40, s7, s8, $0xb8;
	[tilespmem:$0x16260] =	vst v63  }
0x51: {  	s7 =	simm.s32 @p1 $0x8  }
0x52: {  	_ =	swait.ge @p1 [sflag:s7], $0x1400  }
0x53: {  	[sflag:s7] =	ssyncset.done @p1 $0x0  }
0x54: {  	s9 =	simm.s32 @!p1 $0x4E20;
	[sflag:s7] =	ssyncadd.s32 @p1 $0xFFFFEC00;
	s7 =	sadd.s32 @!p1 $0x1E0, s24  }
0x55: {  	[tilespmem:s9], [sflag:$0x1] =	stream.indirect.gather @!p1 [hbm4b:s1+s5], $0x40, s7, s5, $0xb8;
	[tilespmem:$0x16260] =	vst v63  }
0x56: {  	s7 =	simm.s32 @!p1 $0x2  }
0x57: {  	_ =	swait.ge @!p1 [sflag:s7], $0x1400  }
0x58: {  	[sflag:s7] =	ssyncset.done @!p1 $0x0  }
0x59: {  	s9 =	simm.s32 @!p1 $0x6220;
	[sflag:s7] =	ssyncadd.s32 @!p1 $0xFFFFEC00;
	s7 =	sadd.s32 @!p1 $0x2760, s24  }
0x5a: {  	[spmem:s3] =	stream.indirect.scatter.add.f32 @!p1 [tilespmem:s9], [sflag:$0x8], $0x40, s7, s5, $0xb8;
	[tilespmem:$0x16260] =	vst v63  }
0x5b: {  	s7 =	simm.s32 @!p1 $0x8  }
0x5c: {  	_ =	swait.ge @!p1 [sflag:s7], $0x1400  }
0x5d: {  	[sflag:s7] =	ssyncset.done @!p1 $0x0  }
0x5e: {  	[sflag:s7] =	ssyncadd.s32 @!p1 $0xFFFFEC00;
	s7 =	sadd.s32 @!p1 $0x230, s24  }
0x5f: {  	[tilespmem:s9], [sflag:$0x2] =	stream.indirect.gather @!p1 [hbm4b:s1+s5], $0x40, s7, s5, $0xb8;
	[tilespmem:$0x16260] =	vst v63  }
0x60: {  	_ =	swait.ge [sflag:s29], $0x1400  }
0x61: {  	[sflag:s29] =	ssyncset.done $0x0  }
0x62: {  	s9 =	sadd.s32 $0x27B0, s23;
	[sflag:s29] =	ssyncadd.s32 $0xFFFFEC00  }
0x63: {  	[spmem:s3] =	stream.indirect.scatter.add.f32 [tilespmem:s21], [sflag:$0x9], $0x40, s9, s17, $0xb8;
	[tilespmem:$0x16260] =	vst v63  }
0x64: {  	_ =	swait.ge [sflag:s30], $0x1400  }
0x65: {  	[sflag:s30] =	ssyncset.done $0x0  }
0x66: {  	s7 =	simm.s32 @p1 $0x4;
	[sflag:s30] =	ssyncadd.s32 $0xFFFFEC00  }
0x67: {  	_ =	swait.ge @p1 [sflag:s7], $0x1400  }
0x68: {  	[sflag:s7] =	ssyncset.done @p1 $0x0  }
0x69: {  	s6 =	sadd.s32 @p1 $0x2800, s6;
	[sflag:s7] =	ssyncadd.s32 @p1 $0xFFFFEC00;
	s7 =	simm.s32 @p1 $0x8A20  }
0x6a: {  	[spmem:s3] =	stream.indirect.scatter.add.f32 @p1 [tilespmem:s7], [sflag:$0xA], $0x40, s6, s8, $0xb8;
	[tilespmem:$0x16260] =	vst v63  }
0x6b: {  	s6 =	simm.s32 @p1 $0xA  }
0x6c: {  	_ =	swait.ge @p1 [sflag:s6], $0x1400  }
0x6d: {  	[sflag:s6] =	ssyncset.done @p1 $0x0  }
0x6e: {  	s7 =	simm.s32 @!p1 $0x7620;
	[sflag:s6] =	ssyncadd.s32 @p1 $0xFFFFEC00;
	s6 =	sadd.s32 @!p1 $0x280, s24  }
0x6f: {  	[tilespmem:s7], [sflag:$0x3] =	stream.indirect.gather @!p1 [hbm4b:s1+s5], $0x40, s6, s5, $0xb8;
	[tilespmem:$0x16260] =	vst v63  }
0x70: {  	s6 =	simm.s32 @!p1 $0x4  }
0x71: {  	_ =	swait.ge @!p1 [sflag:s6], $0x1400  }
0x72: {  	[sflag:s6] =	ssyncset.done @!p1 $0x0  }
0x73: {  	s7 =	simm.s32 @!p1 $0x8A20;
	[sflag:s6] =	ssyncadd.s32 @!p1 $0xFFFFEC00;
	s6 =	sadd.s32 @!p1 $0x2800, s24  }
0x74: {  	[spmem:s3] =	stream.indirect.scatter.add.f32 @!p1 [tilespmem:s7], [sflag:$0xA], $0x40, s6, s5, $0xb8;
	[tilespmem:$0x16260] =	vst v63  }
0x75: {  	s6 =	simm.s32 @!p1 $0xA  }
0x76: {  	_ =	swait.ge @!p1 [sflag:s6], $0x1400  }
0x77: {  	[sflag:s6] =	ssyncset.done @!p1 $0x0  }
0x78: {  	[sflag:s6] =	ssyncadd.s32 @!p1 $0xFFFFEC00;
	s6 =	sadd.s32 @!p1 $0x2D0, s24  }
0x79: {  	[tilespmem:s7], [sflag:$0x4] =	stream.indirect.gather @!p1 [hbm4b:s1+s5], $0x40, s6, s5, $0xb8;
	[tilespmem:$0x16260] =	vst v63  }
0x7a: {  	_ =	swait.ge [sflag:s31], $0x1400  }
0x7b: {  	[sflag:s31] =	ssyncset.done $0x0  }
.Ltmp2:
0x7c: {  	s24 =	sadd.s32 $0x2850, s23;
	[sflag:s31] =	ssyncadd.s32 $0xFFFFEC00;
	(pc) =	sbr.rel @p1 .LBB2_4-.Ltmp2, $4  }
0x7d: {  	[spmem:s3] =	stream.indirect.scatter.add.f32 [tilespmem:s25], [sflag:$0xB], $0x40, s24, s17, $0xb8;
	[tilespmem:$0x16260] =	vst v63  }
0x7e: {  	_ =	swait.ge [sflag:s2], $0x1400  }
0x7f: {  	[sflag:s2] =	ssyncset.done $0x0  }
0x80: {  	[sflag:s2] =	ssyncadd.s32 $0xFFFFEC00  }
0x81: {  	s5 =	sadd.s32 $0x320, s23  }
0x82: {  	[tilespmem:s25], [sflag:$0x5] =	stream.indirect.gather [hbm4b:s1+s17], $0x40, s5, s17, $0xb8;
	[tilespmem:$0x16260] =	vst v63  }
.Ltmp3:
0x83: {  	_ = 	snop;
	(pc) =	sbr.rel .LBB2_2-.Ltmp3, $4  }
0x84: {  	_ =	swait.ge [sflag:s0], $0x1400  }
0x85: {  	s24 =	sadd.s32 $0x28A0, s23;
	[sflag:s0] =	ssyncset.done $0x0  }
0x86: {  	s22 =	sadd.s32 $0x780, s22;
	s20 =	sadd.s32 $0x6, s20;
	[sflag:s0] =	ssyncadd.s32 $0xFFFFEC00  }
0x87: {  	[spmem:s3] =	stream.indirect.scatter.add.f32 [tilespmem:s16], [sflag:$0xC], $0x40, s24, s17, $0xb8;
	[tilespmem:$0x16260] =	vst v63  }
.LBB2_5:
0x88: {  	_ =	sfence.sel $0x180000  }
0x89: {  	[bflag:$0x0] =	sbarrier.arrive $0xFFFF  }
0x8a: {  	_ =	strace $0x9000004A  }
0x8b: {  	s0 =	stileid.u32;
	[bflag:$0x2] =	sbarrier.arrive $0xFFFF  }
0x8c: {  	p0 =	sne.s32 s0, $0x0;
	s0 =	rddreg [dreg:$0x3]  }
0x8d: {  	s0 =	sadd.s32 @!p0 $0x100000, s0  }
0x8e: {  	[sflag:s0] =	ssyncadd.tile.s32 @!p0 $0x1;
	_ =	shalt  }
.Lfunc_end2:
_tile_overlayer_lowered:
.L_overlay_start_2:
0x8f: {  	(tag) =	ssettag $0x2  }
0x90: {  	s0 =	rddreg [dreg:$0x0];
	s2 =	stileid.u32  }
0x91: {  	s1 =	rddreg [dreg:$0x1];
	p0 =	sne.s32 s2, $0x0  }
0x92: {  	s3 =	rddreg [dreg:$0x2];
	[bflag:$0x3] =	sbarrier.arrive $0xFFFF;
	s2 =	simm.s32 @!p0 $0x1C0D  }
0x93: {  	[timem:s3], [sflag:s2] =	dma.local @!p0 [hbm:s0], s1  }
0x94: {  	s0 =	simm.s32 @!p0 $0xD  }
0x95: {  	_ =	swait.ge @!p0 [sflag:s0], s1  }
0x96: {  	s1 =	ssub.s32 @!p0 $0x0, s1;
	[sflag:s0] =	ssyncset.done @!p0 $0x0  }
0x97: {  	[sflag:s0] =	ssyncadd.s32 @!p0 s1  }
0x98: {  	[bflag:$0x3] =	sbarrier.arrive $0xFFFF  }
0x99: {  	_ =	shalt  }

// kernel: kernel.7.cloned.1.call-start
scs
__scs_entry_jumppad:
0x0: {  	(pc) =	sbr.rel $0x88, $3  }
0x1: {  	(tag) =	ssettag $0x0;
	lr =	simm.s32 $0x1  }
0x2: {  	[smem:$0x3F97] =	sst lr;
	_ =	strace $0xD0000000  }
0x3: {  	_ = 	snop  }
0x4: {  	_ = 	snop  }
0x5: {  	_ = 	snop  }
0x6: {  	_ = 	snop  }
0x7: {  	_ = 	snop  }
__scs_overlays_trampoline_lowered:
0x8: {  	[smem:$0x3FA6] =	sst s0  }
0x9: {  	[smem:$0x3FA7] =	sst s1  }
0xa: {  	[smem:$0x3FA8] =	sst s2  }
0xb: {  	[smem:$0x3FA9] =	sst s3  }
0xc: {  	[smem:$0x3FAA] =	sst s4  }
0xd: {  	[smem:$0x3FAB] =	sst s5  }
0xe: {  	[smem:$0x3FAC] =	sst s6  }
0xf: {  	[smem:$0x3FAD] =	sst s7  }
0x10: {  	[smem:$0x3FAE] =	sst s8  }
0x11: {  	[smem:$0x3FAF] =	sst s9;
	s0 =	simm.s32 @!p0 $0x0  }
0x12: {  	s1 =	sld [smem:$0x3F95];
	s0 =	simm.s32 @p0 $0x1  }
0x13: {  	[smem:$0x3FB0] =	sst s0;
	s0 =	simm.s32 @!p1 $0x0  }
0x14: {  	s2 =	sld [smem:$0x3F94];
	s0 =	simm.s32 @p1 $0x1  }
0x15: {  	[smem:$0x3FB1] =	sst s0;
	s0 =	simm.s32 @!p2 $0x0  }
0x16: {  	s3 =	sld [smem:$0x3FDB];
	s0 =	simm.s32 @p2 $0x1  }
0x17: {  	s4 =	simm.s32 $0x1BF5;
	[smem:$0x3FB3] =	sst s0  }
0x18: {  	s0 =	sld [smem:$0x3F96];
	_ =	swait.ge [sflag:s4], $0x0  }
0x19: {  	s7 =	sld [smem:$0x3F97]  }
0x1a: {  	s8 =	sadd.s32 $0xFFFFE003, lr  }
0x1b: {  	s9 =	sadd.s32 $0xFFFFFEF7, lr;
	s5 =	simm.s32 $0xFFFFFFFF;
	p2 =	slt.u32 s8, $0xFFFFF086  }
0x1c: {  	p1 =	slt.u32 s9, $0xF7A;
	s5 =	simm.s32 @!p2 $0x0  }
0x1d: {  	s5 =	simm.s32 @p1 $0x1;
	p0 =	seq.s32 s7, s2  }
0x1e: {  	s7 =	smul.u32 @!p0 $0xF7A, s2;
	p2 =	seq.s32 @!p0 s5, $0x0  }
0x1f: {  	s9 =	smul.u32 $0xF7A, s1;
	s8 =	simm.s32 @!p0 $0x1BF5;
	p2 =	por !p2, p0  }
0x20: {  	[sflag:s8] =	ssyncset.s32 @!p0 $0xFFFFF086;
	s6 =	sadd.s32 @!p0 s3, s7;
	s7 =	simm.s32 @!p0 $0x108  }
0x21: {  	s3 =	sadd.s32 s3, s9;
	s6 =	sadd.s32 @!p0 $0x88, s6;
	s7 =	simm.s32 @p2 $0x1082  }
0x22: {  	[simem:s7], [sflag:s8] =	dma.local @!p0 [hbm:s6], $0xF7A  }
0x23: {  	s9 =	sor.u32 $0xD0000000, s2;
	s6 =	simm.s32 $0x108;
	_ =	swait.ge @!p0 [sflag:s8], $0x0  }
0x24: {  	s3 =	sadd.s32 $0x88, s3;
	s6 =	simm.s32 @!p1 $0x1082;
	[sflag:s4] =	ssyncset.s32 $0xFFFFF086  }
0x25: {  	[simem:s6], [sflag:s4] =	dma.local [hbm:s3], $0xF7A  }
0x26: {  	[smem:$0x3F97] =	sst s1;
	(tag) =	ssettag s2;
	_ =	strace s9  }
0x27: {  	s1 =	sld [smem:$0x3FA7]  }
0x28: {  	s2 =	sld [smem:$0x3FA8]  }
0x29: {  	s4 =	sld [smem:$0x3FAA]  }
0x2a: {  	p0 =	seq.s32 s5, $0x0;
	s5 =	sld [smem:$0x3FAB]  }
0x2b: {  	s6 =	sld [smem:$0x3FAC]  }
0x2c: {  	s7 =	sld [smem:$0x3FAD]  }
0x2d: {  	s3 =	simm.s32 $0x108;
	s8 =	sld [smem:$0x3FAE]  }
0x2e: {  	s3 =	simm.s32 @!p0 $0x1082;
	s9 =	sld [smem:$0x3FAF]  }
0x2f: {  	lr =	sadd.s32 s0, s3;
	s0 =	sld [smem:$0x3FA6]  }
0x30: {  	s3 =	sld [smem:$0x3FA9]  }
0x31: {  	[smem:$0x3FB2] =	sst s10  }
0x32: {  	s10 =	sld [smem:$0x3FB0];
	_ =	sdelay $0x3  }
0x33: {  	p0 =	seq.s32 s10, $0x1;
	s10 =	sld [smem:$0x3FB2];
	_ =	sdelay $0x3  }
0x34: {  	[smem:$0x3FB2] =	sst s10  }
0x35: {  	s10 =	sld [smem:$0x3FB1];
	_ =	sdelay $0x3  }
0x36: {  	p1 =	seq.s32 s10, $0x1;
	s10 =	sld [smem:$0x3FB2];
	_ =	sdelay $0x3  }
0x37: {  	[smem:$0x3FB2] =	sst s10  }
0x38: {  	s10 =	sld [smem:$0x3FB3]  }
0x39: {  	_ = 	snop;
	(pc) =	sbr.ind lr, $3  }
0x3a: {  	_ = 	snop  }
0x3b: {  	_ = 	snop  }
0x3c: {  	p2 =	seq.s32 s10, $0x1;
	s10 =	sld [smem:$0x3FB2]  }
0x3d: {  	_ =	shalt  }
0x3e: {  	_ =	shalt  }
0x3f: {  	_ =	shalt  }
0x40: {  	_ =	shalt  }
0x41: {  	_ =	shalt  }
0x42: {  	_ =	shalt  }
0x43: {  	_ =	shalt  }
0x44: {  	_ =	shalt  }
0x45: {  	_ =	shalt  }
0x46: {  	_ =	shalt  }
0x47: {  	_ =	shalt  }
0x48: {  	_ =	shalt  }
0x49: {  	_ =	shalt  }
0x4a: {  	_ =	shalt  }
0x4b: {  	_ =	shalt  }
0x4c: {  	_ =	shalt  }
0x4d: {  	_ =	shalt  }
0x4e: {  	_ =	shalt  }
0x4f: {  	_ =	shalt  }
0x50: {  	_ =	shalt  }
0x51: {  	_ =	shalt  }
0x52: {  	_ =	shalt  }
0x53: {  	_ =	shalt  }
0x54: {  	_ =	shalt  }
0x55: {  	_ =	shalt  }
0x56: {  	_ =	shalt  }
0x57: {  	_ =	shalt  }
0x58: {  	_ =	shalt  }
0x59: {  	_ =	shalt  }
0x5a: {  	_ =	shalt  }
0x5b: {  	_ =	shalt  }
0x5c: {  	_ =	shalt  }
0x5d: {  	_ =	shalt  }
0x5e: {  	_ =	shalt  }
0x5f: {  	_ =	shalt  }
0x60: {  	_ =	shalt  }
0x61: {  	_ =	shalt  }
0x62: {  	_ =	shalt  }
0x63: {  	_ =	shalt  }
0x64: {  	_ =	shalt  }
0x65: {  	_ =	shalt  }
0x66: {  	_ =	shalt  }
0x67: {  	_ =	shalt  }
0x68: {  	_ =	shalt  }
0x69: {  	_ =	shalt  }
0x6a: {  	_ =	shalt  }
0x6b: {  	_ =	shalt  }
0x6c: {  	_ =	shalt  }
0x6d: {  	_ =	shalt  }
0x6e: {  	_ =	shalt  }
0x6f: {  	_ =	shalt  }
0x70: {  	_ =	shalt  }
0x71: {  	_ =	shalt  }
0x72: {  	_ =	shalt  }
0x73: {  	_ =	shalt  }
0x74: {  	_ =	shalt  }
0x75: {  	_ =	shalt  }
0x76: {  	_ =	shalt  }
0x77: {  	_ =	shalt  }
0x78: {  	_ =	shalt  }
0x79: {  	_ =	shalt  }
0x7a: {  	_ =	shalt  }
0x7b: {  	_ =	shalt  }
0x7c: {  	_ =	shalt  }
0x7d: {  	_ =	shalt  }
0x7e: {  	_ =	shalt  }
0x7f: {  	_ =	shalt  }
0x80: {  	_ =	shalt  }
0x81: {  	_ =	shalt  }
0x82: {  	_ =	shalt  }
0x83: {  	_ =	shalt  }
0x84: {  	_ =	shalt  }
0x85: {  	_ =	shalt  }
0x86: {  	_ =	shalt  }
0x87: {  	_ =	shalt  }
.Lfunc_end0:
.L_simem_size_0:
called_computation_lowered:
.L_overlay_start_0:
0x88: {  	s2 =	sld [smem:$0x3FD9]  }
0x89: {  	s3 =	sld [smem:$0x3FFE];
	_ =	sdelay $0x1  }
0x8a: {  	s1 =	srdreg.scid  }
0x8b: {  	s0 =	sand.u32 $0x1, s1  }
0x8c: {  	s17 =	sshll.u32 s0, $0xA;
	s2 =	sadd.s32 s3, s2  }
0x8d: {  	s2 =	sadd.s32 s2, s17  }
0x8e: {  	[smem:$0x3FBE] =	sst s2  }
0x8f: {  	_ = 	snop  }
0x90: {  	s2 =	sld [smem:$0x3FC9]  }
0x91: {  	s18 =	sld [smem:$0x3FC8]  }
0x92: {  	s4 =	sld [smem:$0x3FD0];
	(tm) =	ssettm $0x1  }
0x93: {  	s5 =	sld [smem:$0x3FFB];
	_ =	sdelay $0x3  }
0x94: {  	_ =	strace s5  }
0x95: {  	s5 =	sld [smem:$0x3FFC];
	_ =	sdelay $0x3  }
0x96: {  	_ =	strace s5  }
0x97: {  	s5 =	sld [smem:$0x3FFD];
	_ =	sdelay $0x3  }
0x98: {  	_ =	strace s5  }
0x99: {  	_ =	strace $0x8FFFFFFF  }
0x9a: {  	s19 =	sld [smem:$0x3FDB];
	_ =	sdelay $0x1  }
0x9b: {  	s6 =	simm.s32 $_scs_section_size  }
0x9c: {  	s7 =	simm.s32 $_size__tile_overlayer_lowered;
	s8 =	simm.s32 $_tile_overlayer_lowered  }
0x9d: {  	s22 =	simm.s32 $0x1BFF;
	s21 =	sshll.u32 s8, $0x1;
	s5 =	sadd.s32 s6, s19  }
0x9e: {  	s9 =	simm.s32 $0x0;
	s20 =	sshll.u32 s7, $0x1;
	s7 =	sadd.s32 s21, s5  }
0x9f: {  	[timem:s9], [sflag:s22] =	dma.local [hbm:s7], s20  }
0xa0: {  	_ =	swait.ge [sflag:s22], s20  }
0xa1: {  	s6 =	ssub.s32 $0x0, s20;
	[sflag:s22] =	ssyncset.done $0x0  }
0xa2: {  	[sflag:s22] =	ssyncadd.s32 s6;
	_ =	sdelay $0x1  }
0xa3: {  	s23 =	simm.s32 $0x1B8B  }
0xa4: {  	_ =	swait.ge [sflag:s23], $0x1  }
0xa5: {  	[sflag:s23] =	ssyncset.done $0x0  }
0xa6: {  	s25 =	simm.s32 $0x1B8E;
	s24 =	sld [smem:$0x3FFE];
	[sflag:s23] =	ssyncadd.s32 $0xFFFFFFFF  }
0xa7: {  	s26 =	simm.s32 $execute0_lowered;
	[smem:$0x3FD2] =	sst s25  }
0xa8: {  	s7 =	sshll.u32 s26, $0x1;
	_ =	strace $0x80000046;
	[dreg:$0x1] =	wrdreg $0xFFFFFFFF  }
0xa9: {  	s28 =	simm.s32 $_size_execute0_lowered;
	s5 =	sadd.s32 s5, s7;
	[dreg:$0x0] =	wrdreg $0x0  }
0xaa: {  	s7 =	sshll.u32 s28, $0x1;
	[dreg:$0x2] =	wrdreg s5  }
0xab: {  	[dreg:$0x3] =	wrdreg s7  }
0xac: {  	[dreg:$0x4] =	wrdreg $0xC0  }
0xad: {  	_ =	task [dreg:s9], $0x5FFFF  }
0xae: {  	[dreg:$0x1] =	wrdreg $0xFFFFFFFF  }
0xaf: {  	[dreg:$0x0] =	wrdreg $0x60  }
0xb0: {  	[dreg:$0x2] =	wrdreg s2  }
0xb1: {  	[dreg:$0x3] =	wrdreg s18  }
0xb2: {  	[dreg:$0x4] =	wrdreg s24  }
0xb3: {  	[dreg:$0x5] =	wrdreg s4  }
0xb4: {  	[dreg:$0x6] =	wrdreg $0xA7800  }
0xb5: {  	[dreg:$0x7] =	wrdreg $0x1E0000  }
0xb6: {  	[dreg:$0x8] =	wrdreg $0x9  }
0xb7: {  	_ =	task.clear_ibuf [dreg:s9], $0x9FFFF;
	_ =	strace $0x90000046  }
0xb8: {  	s29 =	simm.s32 $0x9;
	_ =	strace $0x80000048  }
0xb9: {  	_ =	swait.ge [sflag:s29], $0x1  }
0xba: {  	[sflag:s29] =	ssyncadd.s32 $0xFFFFFFFF  }
0xbb: {  	_ =	strace $0x90000048  }
0xbc: {  	_ =	sfence  }
0xbd: {  	s30 =	sld [smem:$0x0];
	_ =	sdelay $0x2  }
0xbe: {  	s31 =	sshll.u32 s1, $0xD;
	s1 =	sshrl.u32 s1, $0x2  }
0xbf: {  	s3 =	sand.u32 $0x4000, s31;
	s1 =	sadd.s32 s1, s30  }
0xc0: {  	s0 =	sor.u32 s3, s0;
	s1 =	sshll.u32 s1, $0x11  }
0xc1: {  	s0 =	sor.u32 s1, s0  }
0xc2: {  	s0 =	sadd.s32 $0x8F2B, s0  }
0xc3: {  	[sflag:s0] =	ssyncadd.remote.s32 $0x1  }
0xc4: {  	_ =	sfence.sel $0xFFFF  }
0xc5: {  	[dreg:$0x0] =	wrdreg $0xFFFFFFFF;
	(pc) =	sbr.abs _section_cstart, $3  }
0xc6: {  	[dreg:$0x1] =	wrdreg $0xFFFFFFFF  }
0xc7: {  	_ =	task.clear_ibuf [dreg:s9], $0x2FFFF;
	_ =	strace $0x9FFFFFFF  }
0xc8: {  	(tm) =	ssettm $0x7FFFFFFF  }
0xc9: {  	_ =	shalt  }
tec
execute0_lowered:
.L_overlay_start_1:
0x0: {  	(tag) =	ssettag $0x1  }
0x1: {  	s1 =	rddreg [dreg:$0x0]  }
0x2: {  	s0 =	rddreg [dreg:$0x1]  }
0x3: {  	s9 =	rddreg [dreg:$0x2]  }
0x4: {  	s15 =	rddreg [dreg:$0x3]  }
0x5: {  	s3 =	rddreg [dreg:$0x4]  }
0x6: {  	s4 =	rddreg [dreg:$0x5];
	s2 =	stileid.u32  }
0x7: {  	s5 =	simm.s32 $0x0;
	s6 =	srdreg.scid;
	s7 =	smul.u32 $0x2700, s2  }
0x8: {  	s14 =	simm.s32 $0x4;
	s29 =	simm.s32 $0xB;
	s8 =	smul.u32 $0x4E000, s2  }
0x9: {  	[smem:$0x7FF] =	sst s5;
	s13 =	sand.u32 $0x1, s6;
	s11 =	smul.u32 $0x1F40, s2  }
0xa: {  	s16 =	sadd.s32 $0x29400, s9;
	s26 =	smul.u32 $0x7D0, s2;
	p1 =	sgt.u32 s2, $0x4  }
0xb: {  	_ =	strace $0x80000047;
	s19 =	sshll.u32 s13, $0x4;
	s23 =	smul.u32 $0x138800, s13  }
0xc: {  	s6 =	ssub.s32 $0x2, s13;
	s30 =	smul.u32 $0x2710, s13;
	s20 =	sor.u32 s2, s19  }
0xd: {  	s7 =	sadd.s32 s7, s9;
	s10 =	sshrl.u32 s6, $0x1;
	p0 =	sgt.u32 s20, $0x1B  }
0xe: {  	s8 =	sshrl.u32 s8, $0x2;
	s11 =	sshrl.u32 s11, $0x2;
	s14 =	simm.s32 @!p0 $0x0  }
0xf: {  	s9 =	sadd.s32 $0x26B00, s9;
	s17 =	ssub.s32 s6, s10;
	s19 =	smul.u32 $0x3334, s14  }
0x10: {  	s6 =	sadd.s32 s8, s3;
	s8 =	sadd.s32 $0x124800, s3;
	s12 =	smul.u32 $0x4E, s20  }
0x11: {  	s7 =	sadd.s32 $0x2200, s7;
	s18 =	smax.u32 s20, $0x1C;
	s22 =	sadd.s32 $0x3E342C, s19  }
0x12: {  	s10 =	sadd.s32 s11, s4;
	s21 =	sadd.s32 s12, s18;
	s20 =	sshrl.u32 s22, $0x10  }
0x13: {  	[dreg:$0x8] =	wrdreg s7;
	s11 =	sshll.u32 s21, $0x5;
	s24 =	smul.u32 $0x5, s20  }
0x14: {  	p0 =	seq.s32 s2, $0xF;
	s17 =	smax.u32 s17, $0x1;
	s0 =	sadd.s32 s0, s11  }
0x15: {  	s21 =	smul.u32 $0x13800, s2;
	s12 =	sadd.s32 $0xFFFFFC80, s0;
	s0 =	ssub.s32 s14, s24  }
0x16: {  	s18 =	sshrl.u32 s23, $0x3;
	s11 =	sor.u32 $0x138, s14;
	s0 =	sadd.s32 $0x137, s0  }
0x17: {  	s19 =	sadd.s32 $0x3F3430, s19;
	s25 =	sadd.s32 s21, s23;
	s0 =	sand.u32 $0xFFFF, s0  }
0x18: {  	s19 =	sshrl.u32 s19, $0x10;
	s21 =	simm.s32 $0x20;
	p2 =	sgt.s32 s0, $0x1  }
0x19: {  	s28 =	sshrl.u32 s25, $0x3;
	s20 =	sadd.s32 s26, s30;
	p3 =	seq.s32 @p2 s0, $0x2  }
0x1a: {  	s31 =	smul.u32 $0x140, s19;
	s19 =	sshll.u32 @!p0 s2, $0x6;
	p4 =	por p3, !p2  }
0x1b: {  	s13 =	sadd.s32 s16, s28;
	s20 =	sshrl.u32 s20, $0x3;
	p4 =	seq.s32 @!p4 s0, $0x3  }
0x1c: {  	p5 =	por @p2 !p4, p3;
	p4 =	por @p2 p4, p3;
	p3 =	por !p3, !p2  }
0x1d: {  	s16 =	sadd.s32 s16, s18;
	p6 =	seq.s32 @!p2 s0, $0x0;
	s0 =	simm.s32 @!p3 $0x0  }
0x1e: {  	s18 =	sshrl.u32 @p0 s8, $0x3;
	s0 =	simm.s32 @p3 $0x1;
	p3 =	por p4, !p2  }
0x1f: {  	s19 =	sor.u32 @!p0 $0x1C0C, s19;
	[smem:$0x7FB] =	sst s0;
	s0 =	simm.s32 @!p3 $0x0  }
0x20: {  	s14 =	sadd.s32 s26, s4;
	s0 =	simm.s32 @p3 $0x1;
	p3 =	por !p5, !p2  }
0x21: {  	s15 =	sadd.s32 s15, s20;
	[smem:$0x7FC] =	sst s0;
	s0 =	simm.s32 @!p3 $0x0  }
0x22: {  	s16 =	sadd.s32 $0x24900, s16;
	[dreg:$0x7] =	wrdreg s31;
	s0 =	simm.s32 @p3 $0x1  }
0x23: {  	v0 =	vimm.f32 $0.0e+00;
	v1 =	vimm.f32 $1.000000000e+00;
	s20 =	simm.s32 $0xC;
	p6 =	por !p6, p2;
	[smem:$0x7FD] =	sst s0  }
.LBB2_1:
0x24: {  	s0 =	simm.s32 @p0 $0x1FCC  }
0x25: {  	[spmem:s18], [sflag:s0] =	dma.local @p0 [hbm:s9], $0x2800  }
0x26: {  	s0 =	simm.s32 @p0 $0xC  }
0x27: {  	_ =	swait.ge @p0 [sflag:s0], $0x2800  }
0x28: {  	[sflag:s0] =	ssyncset.done @p0 $0x0  }
0x29: {  	s7 =	rddreg [dreg:$0x8];
	[sflag:s0] =	ssyncadd.s32 @p0 $0xFFFFD800;
	s0 =	sshrl.u32 @!p0 s6, $0x3  }
0x2a: {  	[spmem:s0], [sflag:s19] =	dma.local @!p0 [hbm:s7], $0x2700  }
0x2b: {  	s0 =	simm.s32 @!p0 $0xC  }
0x2c: {  	_ =	swait.ge @!p0 [sflag:s0], $0x2700  }
0x2d: {  	[sflag:s0] =	ssyncset.done @!p0 $0x0  }
0x2e: {  	s22 =	simm.s32 $0x0;
	[sflag:s0] =	ssyncadd.s32 @!p0 $0xFFFFD900;
	s0 =	simm.s32 $0x40  }
.LBB2_2:
0x2f: {  	p3 =	sne.s32 s0, $0x1F00;
	[tilespmem:s22+$0x9F80] =	vst v0;
	s22 =	smov.u32 s0;
	s0 =	sadd.s32 $0x40, s0  }
.Ltmp0:
0x30: {  	(pc) =	sbr.rel @p3 .LBB2_2-.Ltmp0, $2  }
0x31: {  	_ =	sdelay $0x2  }
0x32: {  	s22 =	sshra.s32 s22, $0x2  }
0x33: {  	[tilespmem:s22+$0x9F80] =	vst v0;
	s0 =	simm.s32 @!p1 $0x9F80  }
0x34: {  	[spmem:s10] =	stream.linear.scatter @!p1 [tilespmem:s0], [sflag:$0xC], $0x7D0, $0x38;
	[tilespmem:$0x1E278] =	vst v63  }
0x35: {  	s0 =	simm.s32 @!p1 $0xC  }
0x36: {  	_ =	swait.ge @!p1 [sflag:s0], $0x7D0  }
0x37: {  	[sflag:s0] =	ssyncset.done @!p1 $0x0  }
0x38: {  	s30 =	simm.s32 $0x0;
	[sflag:s0] =	ssyncadd.s32 @!p1 $0xFFFFF830  }
0x39: {  	[tilespmem:s30], [sflag:$0xC] =	stream.linear.gather [hbm4b:s12+s30], $0x4F00, $0x38;
	[tilespmem:$0x1E278] =	vst v63  }
0x3a: {  	_ =	swait.ge [sflag:s20], $0x4F00  }
0x3b: {  	[sflag:s20] =	ssyncset.done $0x0  }
0x3c: {  	[sflag:s20] =	ssyncadd.s32 $0xFFFFB100  }
0x3d: {  	[tilespmem:$0x9F00] =	vst v1  }
0x3e: {  	[tilespmem:$0x9F10] =	vst v1  }
0x3f: {  	s23 =	simm.s32 $0x4F00;
	[bflag:$0x0] =	sbarrier.arrive $0xFFFF  }
0x40: {  	[tilespmem:s23], [sflag:$0x1] =	stream.indirect.gather [hbm4b:s1+s21], $0x80, s30, s21, $0xb8;
	[tilespmem:$0x1E278] =	vst v63  }
0x41: {  	s24 =	simm.s32 $0x5F00;
	s25 =	simm.s32 $0x40  }
0x42: {  	[tilespmem:s24], [sflag:$0x2] =	stream.indirect.gather [hbm4b:s1+s21], $0x80, s21, s21, $0xb8;
	[tilespmem:$0x1E278] =	vst v63  }
0x43: {  	s7 =	simm.s32 $0x6F00;
	s26 =	simm.s32 $0x60;
	s28 =	simm.s32 $0x7F00  }
0x44: {  	[tilespmem:s7], [sflag:$0x3] =	stream.indirect.gather [hbm4b:s1+s21], $0x80, s25, s21, $0xb8;
	[tilespmem:$0x1E278] =	vst v63  }
0x45: {  	s31 =	simm.s32 $0x8;
	s22 =	simm.s32 $0x0;
	s0 =	simm.s32 $0xE0  }
0x46: {  	[tilespmem:s28], [sflag:$0x4] =	stream.indirect.gather [hbm4b:s1+s21], $0x80, s26, s21, $0xb8;
	[tilespmem:$0x1E278] =	vst v63  }
.LBB2_4:
0x47: {  	s26 =	sadd.s32 $0xFFFFFFF8, s31;
	p3 =	seq.s32 s22, $0x0  }
0x48: {  	p4 =	sge.u32 @!p3 s26, s11  }
0x49: {  	p4 =	por p4, p3  }
0x4a: {  	s24 =	sadd.s32 $0xFFFFFFFC, s31;
	s23 =	simm.s32 @!p4 $0xA  }
0x4b: {  	p3 =	sge.u32 s24, s11;
	_ =	swait.ge @!p4 [sflag:s23], $0x1000  }
0x4c: {  	s24 =	sadd.s32 @!p3 $0x100, s22;
	[sflag:s23] =	ssyncset.done @!p4 $0x0  }
0x4d: {  	s24 =	sand.u32 @!p3 $0x7FFFFF00, s24;
	[sflag:s23] =	ssyncadd.s32 @!p4 $0xFFFFF000;
	s23 =	sand.u32 @!p3 $0x60, s30  }
0x4e: {  	p4 =	sge.u32 s26, s11;
	s25 =	sor.u32 @!p3 s23, s24  }
0x4f: {  	s23 =	simm.s32 @!p3 $0x20;
	s24 =	simm.s32 @!p3 $0x8F00;
	s26 =	simm.s32 @!p4 $0x1  }
0x50: {  	[tilespmem:s24], [sflag:$0x5] =	stream.indirect.gather @!p3 [hbm4b:s1+s23], $0x80, s25, s23, $0xb8;
	[tilespmem:$0x1E278] =	vst v63  }
0x51: {  	p5 =	seq.s32 @!p4 s22, $0x0;
	_ =	swait.ge @!p4 [sflag:s26], $0x1000  }
0x52: {  	p5 =	por p5, p4;
	[sflag:s26] =	ssyncset.done @!p4 $0x0  }
0x53: {  	[sflag:s26] =	ssyncadd.s32 @!p4 $0xFFFFF000;
	s26 =	simm.s32 @!p5 $0xB  }
0x54: {  	s28 =	sand.u32 @!p4 $0x60, s30;
	s7 =	sand.u32 @!p4 $0x7FFFFF00, s22;
	_ =	swait.ge @!p5 [sflag:s26], $0x20  }
0x55: {  	s7 =	sor.u32 @!p4 s28, s7;
	s28 =	simm.s32 @!p4 $0x9F00;
	[sflag:s26] =	ssyncset.done @!p5 $0x0  }
0x56: {  	s7 =	sor.u32 @!p4 $0x80, s7;
	[sflag:s26] =	ssyncadd.s32 @!p5 $0xFFFFFFE0;
	s26 =	simm.s32 @!p4 $0x20  }
0x57: {  	[spmem:s4] =	stream.indirect.scatter.add.f32 @!p4 [tilespmem:s28], [sflag:$0xB], $0x1, s7, s26, $0xb8;
	[tilespmem:$0x1E278] =	vst v63  }
0x58: {  	s28 =	simm.s32 @!p4 $0x4F00  }
0x59: {  	[spmem:s3] =	stream.indirect.scatter.add.f32 @!p4 [tilespmem:s28], [sflag:$0x6], $0x80, s7, s26, $0xb8;
	[tilespmem:$0x1E278] =	vst v63  }
0x5a: {  	s26 =	sadd.s32 $0xFFFFFFF9, s31  }
0x5b: {  	p4 =	sge.u32 s26, s11  }
0x5c: {  	s28 =	sadd.s32 $0xFFFFFFFD, s31;
	s7 =	simm.s32 @!p4 $0x6  }
0x5d: {  	p5 =	sge.u32 s28, s11;
	_ =	swait.ge @!p4 [sflag:s7], $0x1000  }
0x5e: {  	s26 =	sadd.s32 @!p5 $0xFFFFFFC0, s0;
	s28 =	sadd.s32 @!p5 $0x140, s22;
	[sflag:s7] =	ssyncset.done @!p4 $0x0  }
0x5f: {  	[sflag:s7] =	ssyncadd.s32 @!p4 $0xFFFFF000;
	s7 =	sand.u32 @!p5 $0x60, s26;
	s26 =	sand.u32 @!p5 $0x7FFFFF00, s28  }
0x60: {  	s28 =	simm.s32 @!p5 $0x4F00;
	s7 =	sor.u32 @!p5 s7, s26;
	s26 =	simm.s32 @!p5 $0x20  }
0x61: {  	[tilespmem:s28], [sflag:$0x1] =	stream.indirect.gather @!p5 [hbm4b:s1+s26], $0x80, s7, s26, $0xb8;
	[tilespmem:$0x1E278] =	vst v63  }
0x62: {  	s7 =	simm.s32 @!p4 $0x2  }
0x63: {  	p5 =	seq.s32 @!p4 s22, $0x0;
	_ =	swait.ge @!p4 [sflag:s7], $0x1000  }
0x64: {  	p5 =	por p5, p4;
	[sflag:s7] =	ssyncset.done @!p4 $0x0  }
0x65: {  	[sflag:s7] =	ssyncadd.s32 @!p4 $0xFFFFF000;
	s7 =	simm.s32 @!p5 $0xB  }
0x66: {  	s26 =	sadd.s32 @!p4 $0xFFFFFF40, s0;
	s28 =	sadd.s32 @!p4 $0x40, s22;
	_ =	swait.ge @!p5 [sflag:s7], $0x20  }
0x67: {  	s26 =	sand.u32 @!p4 $0x60, s26;
	s28 =	sand.u32 @!p4 $0x7FFFFF00, s28;
	[sflag:s7] =	ssyncset.done @!p5 $0x0  }
0x68: {  	[sflag:s7] =	ssyncadd.s32 @!p5 $0xFFFFFFE0;
	s7 =	sor.u32 @!p4 s26, s28  }
0x69: {  	s26 =	simm.s32 @!p4 $0x20;
	s28 =	simm.s32 @!p4 $0x9F00;
	s7 =	sor.u32 @!p4 $0x80, s7  }
0x6a: {  	[spmem:s4] =	stream.indirect.scatter.add.f32 @!p4 [tilespmem:s28], [sflag:$0xB], $0x1, s7, s26, $0xb8;
	[tilespmem:$0x1E278] =	vst v63  }
0x6b: {  	s28 =	simm.s32 @!p4 $0x5F00  }
0x6c: {  	[spmem:s3] =	stream.indirect.scatter.add.f32 @!p4 [tilespmem:s28], [sflag:$0x7], $0x80, s7, s26, $0xb8;
	[tilespmem:$0x1E278] =	vst v63  }
0x6d: {  	s26 =	sadd.s32 $0xFFFFFFFA, s31  }
0x6e: {  	p4 =	sge.u32 s26, s11  }
0x6f: {  	s28 =	sadd.s32 $0xFFFFFFFE, s31;
	s7 =	simm.s32 @!p4 $0x7  }
0x70: {  	p5 =	sge.u32 s28, s11;
	_ =	swait.ge @!p4 [sflag:s7], $0x1000  }
0x71: {  	s26 =	sadd.s32 @!p5 $0xFFFFFFE0, s0;
	s28 =	sadd.s32 @!p5 $0x180, s22;
	[sflag:s7] =	ssyncset.done @!p4 $0x0  }
0x72: {  	[sflag:s7] =	ssyncadd.s32 @!p4 $0xFFFFF000;
	s7 =	sand.u32 @!p5 $0x60, s26;
	s26 =	sand.u32 @!p5 $0x7FFFFF00, s28  }
0x73: {  	s28 =	simm.s32 @!p5 $0x5F00;
	s7 =	sor.u32 @!p5 s7, s26;
	s26 =	simm.s32 @!p5 $0x20  }
0x74: {  	[tilespmem:s28], [sflag:$0x2] =	stream.indirect.gather @!p5 [hbm4b:s1+s26], $0x80, s7, s26, $0xb8;
	[tilespmem:$0x1E278] =	vst v63  }
0x75: {  	s7 =	simm.s32 @!p4 $0x3  }
0x76: {  	p5 =	seq.s32 @!p4 s22, $0x0;
	_ =	swait.ge @!p4 [sflag:s7], $0x1000  }
0x77: {  	p5 =	por p5, p4;
	[sflag:s7] =	ssyncset.done @!p4 $0x0  }
0x78: {  	[sflag:s7] =	ssyncadd.s32 @!p4 $0xFFFFF000;
	s7 =	simm.s32 @!p5 $0xB  }
0x79: {  	s26 =	sadd.s32 @!p4 $0xFFFFFF60, s0;
	s28 =	sadd.s32 @!p4 $0x80, s22;
	_ =	swait.ge @!p5 [sflag:s7], $0x20  }
0x7a: {  	s26 =	sand.u32 @!p4 $0x60, s26;
	s28 =	sand.u32 @!p4 $0x7FFFFF00, s28;
	[sflag:s7] =	ssyncset.done @!p5 $0x0  }
0x7b: {  	[sflag:s7] =	ssyncadd.s32 @!p5 $0xFFFFFFE0;
	s7 =	sor.u32 @!p4 s26, s28  }
0x7c: {  	s26 =	simm.s32 @!p4 $0x20;
	s28 =	simm.s32 @!p4 $0x9F00;
	s7 =	sor.u32 @!p4 $0x80, s7  }
0x7d: {  	[spmem:s4] =	stream.indirect.scatter.add.f32 @!p4 [tilespmem:s28], [sflag:$0xB], $0x1, s7, s26, $0xb8;
	[tilespmem:$0x1E278] =	vst v63  }
0x7e: {  	s28 =	simm.s32 @!p4 $0x6F00  }
0x7f: {  	[spmem:s3] =	stream.indirect.scatter.add.f32 @!p4 [tilespmem:s28], [sflag:$0x8], $0x80, s7, s26, $0xb8;
	[tilespmem:$0x1E278] =	vst v63  }
0x80: {  	s26 =	sadd.s32 $0xFFFFFFFB, s31  }
0x81: {  	p4 =	sge.u32 s26, s11  }
0x82: {  	s28 =	sadd.s32 $0xFFFFFFFF, s31;
	s7 =	simm.s32 @!p4 $0x8  }
0x83: {  	p5 =	sge.u32 s28, s11;
	_ =	swait.ge @!p4 [sflag:s7], $0x1000  }
0x84: {  	s26 =	sadd.s32 @!p5 $0x1C0, s22;
	[sflag:s7] =	ssyncset.done @!p4 $0x0  }
0x85: {  	s26 =	sand.u32 @!p5 $0x7FFFFF00, s26;
	[sflag:s7] =	ssyncadd.s32 @!p4 $0xFFFFF000;
	s7 =	sand.u32 @!p5 $0x60, s0  }
0x86: {  	s28 =	simm.s32 @!p5 $0x6F00;
	s7 =	sor.u32 @!p5 s7, s26;
	s26 =	simm.s32 @!p5 $0x20  }
0x87: {  	[tilespmem:s28], [sflag:$0x3] =	stream.indirect.gather @!p5 [hbm4b:s1+s26], $0x80, s7, s26, $0xb8;
	[tilespmem:$0x1E278] =	vst v63  }
0x88: {  	s7 =	simm.s32 @!p4 $0x4  }
0x89: {  	p5 =	seq.s32 @!p4 s22, $0x0;
	_ =	swait.ge @!p4 [sflag:s7], $0x1000  }
0x8a: {  	p5 =	por p5, p4;
	[sflag:s7] =	ssyncset.done @!p4 $0x0  }
0x8b: {  	[sflag:s7] =	ssyncadd.s32 @!p4 $0xFFFFF000;
	s7 =	simm.s32 @!p5 $0xB  }
0x8c: {  	s26 =	sadd.s32 @!p4 $0xFFFFFF80, s0;
	s28 =	sadd.s32 @!p4 $0xC0, s22;
	_ =	swait.ge @!p5 [sflag:s7], $0x20  }
0x8d: {  	s26 =	sand.u32 @!p4 $0x60, s26;
	s28 =	sand.u32 @!p4 $0x7FFFFF00, s28;
	[sflag:s7] =	ssyncset.done @!p5 $0x0  }
0x8e: {  	[sflag:s7] =	ssyncadd.s32 @!p5 $0xFFFFFFE0;
	s7 =	sor.u32 @!p4 s26, s28  }
0x8f: {  	s26 =	simm.s32 @!p4 $0x20;
	s28 =	simm.s32 @!p4 $0x9F00;
	s7 =	sor.u32 @!p4 $0x80, s7  }
0x90: {  	[spmem:s4] =	stream.indirect.scatter.add.f32 @!p4 [tilespmem:s28], [sflag:$0xB], $0x1, s7, s26, $0xb8;
	[tilespmem:$0x1E278] =	vst v63  }
0x91: {  	s28 =	simm.s32 @!p4 $0x7F00  }
0x92: {  	[spmem:s3] =	stream.indirect.scatter.add.f32 @!p4 [tilespmem:s28], [sflag:$0x9], $0x80, s7, s26, $0xb8;
	[tilespmem:$0x1E278] =	vst v63  }
0x93: {  	s7 =	simm.s32 @!p3 $0x9  }
0x94: {  	p4 =	sge.u32 s31, s11;
	_ =	swait.ge @!p3 [sflag:s7], $0x1000  }
0x95: {  	s26 =	sadd.s32 @!p4 $0x200, s22;
	[sflag:s7] =	ssyncset.done @!p3 $0x0  }
0x96: {  	s26 =	sand.u32 @!p4 $0x7FFFFF00, s26;
	[sflag:s7] =	ssyncadd.s32 @!p3 $0xFFFFF000;
	s7 =	sand.u32 @!p4 $0x60, s30  }
0x97: {  	s28 =	simm.s32 @!p4 $0x7F00;
	s7 =	sor.u32 @!p4 s7, s26;
	s26 =	simm.s32 @!p4 $0x20  }
0x98: {  	[tilespmem:s28], [sflag:$0x4] =	stream.indirect.gather @!p4 [hbm4b:s1+s26], $0x80, s7, s26, $0xb8;
	[tilespmem:$0x1E278] =	vst v63  }
0x99: {  	s7 =	simm.s32 @!p3 $0x5  }
0x9a: {  	_ =	swait.ge @!p3 [sflag:s7], $0x1000  }
0x9b: {  	[sflag:s7] =	ssyncset.done @!p3 $0x0  }
0x9c: {  	[sflag:s7] =	ssyncadd.s32 @!p3 $0xFFFFF000;
	s7 =	simm.s32 @!p3 $0xB  }
0x9d: {  	_ =	swait.ge @!p3 [sflag:s7], $0x20  }
0x9e: {  	[sflag:s7] =	ssyncset.done @!p3 $0x0  }
0x9f: {  	[sflag:s7] =	ssyncadd.s32 @!p3 $0xFFFFFFE0;
	s7 =	sor.u32 @!p3 $0x80, s25;
	s25 =	simm.s32 @!p3 $0x9F00  }
0xa0: {  	[spmem:s4] =	stream.indirect.scatter.add.f32 @!p3 [tilespmem:s25], [sflag:$0xB], $0x1, s7, s23, $0xb8;
	[tilespmem:$0x1E278] =	vst v63  }
0xa1: {  	s22 =	sadd.s32 $0x140, s22;
	s28 =	rddreg [dreg:$0x7]  }
0xa2: {  	[spmem:s3] =	stream.indirect.scatter.add.f32 @!p3 [tilespmem:s24], [sflag:$0xA], $0x80, s7, s23, $0xb8;
	[tilespmem:$0x1E278] =	vst v63  }
0xa3: {  	p3 =	sne.s32 s28, s22  }
.Ltmp1:
0xa4: {  	_ = 	snop;
	(pc) =	sbr.rel @p3 .LBB2_4-.Ltmp1, $2  }
0xa5: {  	_ =	sdelay $0x2  }
0xa6: {  	s0 =	sadd.s32 $0xA0, s0;
	s31 =	sadd.s32 $0x5, s31;
	s30 =	sadd.s32 $0x20, s30  }
0xa7: {  	s0 =	sld [smem:$0x7FC]  }
0xa8: {  	s31 =	sld [smem:$0x7FD]  }
0xa9: {  	s22 =	sld [smem:$0x7FB]  }
0xaa: {  	p3 =	seq.s32 s0, $0x1  }
0xab: {  	s7 =	simm.s32 @!p3 $0xA;
	p3 =	seq.s32 s31, $0x1  }
0xac: {  	s0 =	simm.s32 $0x6;
	s7 =	simm.s32 @p3 $0x9;
	p3 =	seq.s32 s22, $0x1  }
0xad: {  	s0 =	simm.s32 @p6 $0x7;
	s7 =	simm.s32 @!p3 $0x8  }
0xae: {  	s0 =	smov.u32 @p2 s7  }
0xaf: {  	_ =	swait.ge [sflag:s0], $0x1000  }
0xb0: {  	[sflag:s0] =	ssyncset.done $0x0  }
0xb1: {  	[sflag:s0] =	ssyncadd.s32 $0xFFFFF000  }
0xb2: {  	_ =	swait.ge [sflag:s29], $0x20  }
0xb3: {  	[sflag:s29] =	ssyncset.done $0x0  }
0xb4: {  	[sflag:s29] =	ssyncadd.s32 $0xFFFFFFE0  }
0xb5: {  	_ =	swait.ge [sflag:s29], $0x20  }
0xb6: {  	[sflag:s29] =	ssyncset.done $0x0  }
0xb7: {  	[sflag:s29] =	ssyncadd.s32 $0xFFFFFFE0  }
0xb8: {  	_ =	swait.ge [sflag:s29], $0x20  }
0xb9: {  	[sflag:s29] =	ssyncset.done $0x0  }
0xba: {  	[sflag:s29] =	ssyncadd.s32 $0xFFFFFFE0  }
0xbb: {  	_ =	swait.ge [sflag:s29], $0x20  }
0xbc: {  	p3 =	sne.s32 s2, $0xF;
	[sflag:s29] =	ssyncset.done $0x0  }
0xbd: {  	s0 =	sshll.u32 @p3 s2, $0x6;
	[sflag:s29] =	ssyncadd.s32 $0xFFFFFFE0  }
0xbe: {  	s7 =	sshrl.u32 @p3 s6, $0x3;
	s0 =	sor.u32 @p3 $0x1C0C, s0;
	[bflag:$0x0] =	sbarrier.arrive $0xFFFF  }
0xbf: {  	[hbm:s13], [sflag:s0] =	dma.local @p3 [spmem:s7], $0x2700  }
0xc0: {  	s0 =	simm.s32 @p3 $0xC  }
0xc1: {  	p4 =	sgt.u32 @p3 s2, $0x4;
	_ =	swait.ge @p3 [sflag:s0], $0x2700  }
0xc2: {  	p4 =	por p4, !p3;
	[sflag:s0] =	ssyncset.done @p3 $0x0  }
0xc3: {  	s7 =	simm.s32 @!p4 $0xC;
	[sflag:s0] =	ssyncadd.s32 @p3 $0xFFFFD900;
	s0 =	simm.s32 @!p4 $0x9F80  }
0xc4: {  	[tilespmem:s0], [sflag:$0xC] =	stream.linear.gather @!p4 [spmem:s14], $0x7D0, $0x38;
	[tilespmem:$0x1E278] =	vst v63  }
0xc5: {  	_ =	swait.ge @!p4 [sflag:s7], $0x7D0  }
0xc6: {  	[sflag:s7] =	ssyncset.done @!p4 $0x0  }
0xc7: {  	s22 =	simm.s32 @!p4 $0x0;
	[sflag:s7] =	ssyncadd.s32 @!p4 $0xFFFFF830  }
0xc8: {  	[hbm4b:s15+s22] =	stream.linear.scatter @!p4 [tilespmem:s0], [sflag:$0xC], $0x7D0, $0x38;
	[tilespmem:$0x1E278] =	vst v63  }
0xc9: {  	_ =	swait.ge @!p4 [sflag:s7], $0x7D0  }
0xca: {  	s5 =	sadd.s32 $0x1, s5;
	s0 =	sshrl.u32 @!p3 s8, $0x3;
	[sflag:s7] =	ssyncset.done @!p4 $0x0  }
0xcb: {  	[sflag:s7] =	ssyncadd.s32 @!p4 $0xFFFFF830;
	s7 =	simm.s32 @!p3 $0x1FCC;
	p4 =	sne.s32 s5, s17  }
0xcc: {  	[hbm:s16], [sflag:s7] =	dma.local @!p3 [spmem:s0], $0x2800  }
.Ltmp2:
0xcd: {  	_ = 	snop;
	(pc) =	sbr.rel @p4 .LBB2_1-.Ltmp2, $4  }
0xce: {  	s0 =	simm.s32 @!p3 $0xC  }
0xcf: {  	_ =	swait.ge @!p3 [sflag:s0], $0x2800  }
0xd0: {  	[sflag:s0] =	ssyncset.done @!p3 $0x0  }
0xd1: {  	[sflag:s0] =	ssyncadd.s32 @!p3 $0xFFFFD800  }
0xd2: {  	_ =	sfence.sel $0x180000  }
0xd3: {  	[bflag:$0x0] =	sbarrier.arrive $0xFFFF  }
0xd4: {  	_ =	strace $0x90000047  }
0xd5: {  	[bflag:$0x2] =	sbarrier.arrive $0xFFFF  }
0xd6: {  	p0 =	sne.s32 s2, $0x0;
	s0 =	rddreg [dreg:$0x6]  }
0xd7: {  	s0 =	sadd.s32 @!p0 $0x100000, s0  }
0xd8: {  	[sflag:s0] =	ssyncadd.tile.s32 @!p0 $0x1;
	_ =	shalt  }
.Lfunc_end2:
_tile_overlayer_lowered:
.L_overlay_start_2:
0xd9: {  	(tag) =	ssettag $0x2  }
0xda: {  	s0 =	rddreg [dreg:$0x0];
	s2 =	stileid.u32  }
0xdb: {  	s1 =	rddreg [dreg:$0x1];
	p0 =	sne.s32 s2, $0x0  }
0xdc: {  	s3 =	rddreg [dreg:$0x2];
	[bflag:$0x3] =	sbarrier.arrive $0xFFFF;
	s2 =	simm.s32 @!p0 $0x1C0C  }
0xdd: {  	[timem:s3], [sflag:s2] =	dma.local @!p0 [hbm:s0], s1  }
0xde: {  	s0 =	simm.s32 @!p0 $0xC  }
0xdf: {  	_ =	swait.ge @!p0 [sflag:s0], s1  }
0xe0: {  	s1 =	ssub.s32 @!p0 $0x0, s1;
	[sflag:s0] =	ssyncset.done @!p0 $0x0  }
0xe1: {  	[sflag:s0] =	ssyncadd.s32 @!p0 s1  }
0xe2: {  	[bflag:$0x3] =	sbarrier.arrive $0xFFFF  }
0xe3: {  	_ =	shalt  }

</sc_bundles>
